<compile_context>
chip_gen: v7x
topology: tpu7x:2x2x1
jax: 0.10.2.dev20260603
libtpu: 0.0.44.dev20260713+nightly
codegen_flags: <defaults>
</compile_context>

<pallas_src>
import functools

import jax
import jax.numpy as jnp
import numpy as np
from jax import lax
from jax.experimental import pallas as pl
from jax.experimental.pallas import tpu as pltpu
from jax.experimental.pallas import tpu_sc as plsc

N = 10000
E = 320000
D_IN = 128
FH1 = 64
FH2 = 32
GH1 = 32
GH2 = 16
SH = 16
LAT = FH2 + GH2
F = 32
_BN = 1.0 / float(np.sqrt(1.001))

NC = 2
NS = 16
NW = NC * NS
EPT = E // NW
CH = 128
NCH = EPT // CH
ETAIL = EPT - NCH * CH
NBUF = 6
PF = 4
RPT = 624
RTAIL = N - NS * RPT

BR = N
GRID = 1



_sc_mesh = plsc.VectorSubcoreMesh(
    core_axis_name="c", subcore_axis_name="s", num_cores=NC, num_subcores=NS
)


@functools.partial(
    pl.kernel,
    out_type=(jax.ShapeDtypeStruct((N, F), jnp.float32),
              jax.ShapeDtypeStruct((N, F), jnp.float32)),
    mesh=_sc_mesh,
    compiler_params=pltpu.CompilerParams(use_tc_tiling_on_sc=False),
    scratch_types=[
        pltpu.VMEM((EPT,), jnp.int32),
        pltpu.VMEM((NBUF, CH, F), jnp.float32),
        pltpu.VMEM_SHARED((N, F), jnp.float32),
        pltpu.VMEM_SHARED((N, F), jnp.float32),
        pltpu.VMEM((ETAIL,), jnp.int32),
    ]
    + [pltpu.VMEM((CH,), jnp.int32)] * NBUF
    + [pltpu.SemaphoreType.DMA] * (3 * NBUF),
)
def _spmm_sc(table, rowi, coli, zeros, out0, out1, colbuf, rows, acc,
             sp_table, rtail, *rest):
    rbuf = rest[:NBUF]
    gsems = rest[NBUF:2 * NBUF]
    ssems = rest[2 * NBUF:3 * NBUF]
    rsems = rest[3 * NBUF:]
    cid = lax.axis_index("c")
    sid = lax.axis_index("s")
    wid = sid * NC + cid

    ebase = wid * EPT
    pltpu.sync_copy(coli.at[pl.ds(ebase, EPT)], colbuf)

    pltpu.sync_copy(zeros.at[pl.ds(sid * RPT, RPT)], acc.at[pl.ds(sid * RPT, RPT)])
    pltpu.sync_copy(table.at[pl.ds(sid * RPT, RPT)], sp_table.at[pl.ds(sid * RPT, RPT)])

    @pl.when(sid == NS - 1)
    def _stage_tail():
        pltpu.sync_copy(
            zeros.at[pl.ds(NS * RPT, RTAIL)],
            acc.at[pl.ds(NS * RPT, RTAIL)],
        )
        pltpu.sync_copy(
            table.at[pl.ds(NS * RPT, RTAIL)],
            sp_table.at[pl.ds(NS * RPT, RTAIL)],
        )

    plsc.subcore_barrier()

    def _gather(i, slot):
        pltpu.async_copy(rowi.at[pl.ds(ebase + i * CH, CH)], rbuf[slot], rsems[slot])
        return pltpu.async_copy(
            sp_table.at[colbuf.at[pl.ds(i * CH, CH)]], rows.at[slot], gsems[slot]
        )

    def _gather_wait(i, slot):
        pltpu.make_async_copy(
            sp_table.at[colbuf.at[pl.ds(i * CH, CH)]], rows.at[slot], gsems[slot]
        ).wait()

    def _scatter(i, slot):
        pltpu.make_async_copy(
            rowi.at[pl.ds(ebase + i * CH, CH)], rbuf[slot], rsems[slot]
        ).wait()
        return pltpu.async_copy(rows.at[slot], acc.at[rbuf[slot]], ssems[slot], add=True)

    def _scatter_wait(slot):
        pltpu.make_async_copy(rows.at[slot], acc.at[rbuf[slot]], ssems[slot]).wait()

    for b in range(PF):
        _gather(b, b)

    @pl.loop(0, NCH // NBUF)
    def _outer(r):
        base = r * NBUF
        for b in range(NBUF):
            i = base + b
            _gather_wait(i, b)
            _scatter(i, b)
            j = i + PF
            jslot = (b + PF) % NBUF

            @pl.when(j >= NBUF)
            def _drain():
                _scatter_wait(jslot)

            @pl.when(j < NCH)
            def _prefetch():
                _gather(j, jslot)

    for b in range(NBUF - PF):
        _scatter_wait((NCH - (NBUF - PF) + b) % NBUF)

    pltpu.sync_copy(rowi.at[pl.ds(ebase + NCH * CH, ETAIL)], rtail)
    pltpu.async_copy(
        sp_table.at[colbuf.at[pl.ds(NCH * CH, ETAIL)]],
        rows.at[0, pl.ds(0, ETAIL)],
        gsems[0],
    ).wait()
    pltpu.sync_copy(rows.at[0, pl.ds(0, ETAIL)], acc.at[rtail], add=True)

    plsc.subcore_barrier()

    for c, o in ((0, out0), (1, out1)):
        @pl.when(cid == c)
        def _write(o=o):
            pltpu.sync_copy(
                acc.at[pl.ds(sid * RPT, RPT)],
                o.at[pl.ds(sid * RPT, RPT)],
            )

            @pl.when(sid == NS - 1)
            def _write_tail():
                pltpu.sync_copy(
                    acc.at[pl.ds(NS * RPT, RTAIL)],
                    o.at[pl.ds(NS * RPT, RTAIL)],
                )



def _elu(h):
    return jnp.where(h > 0.0, h, jnp.exp(jnp.minimum(h, 0.0)) - 1.0)


def _enc_body(x_ref, w1_ref, s1_ref, t1_ref, w2_ref, s2_ref, t2_ref, o_ref):
    h = jnp.dot(x_ref[...], w1_ref[...], preferred_element_type=jnp.float32)
    h = _elu(h * s1_ref[...] + t1_ref[...])
    h = jnp.dot(h, w2_ref[...], preferred_element_type=jnp.float32)
    o_ref[...] = _elu(h * s2_ref[...] + t2_ref[...])


def _hidden_body(p0_ref, p1_ref, w1_ref, o_ref):
    agg = p0_ref[...] + p1_ref[...]
    w1 = w1_ref[...]
    hs = []
    for k in range(4):
        a_k = agg[:, k * F:(k + 1) * F]
        hs.append(jnp.maximum(
            jnp.dot(a_k, w1, preferred_element_type=jnp.float32), 0.0))
    o_ref[...] = jnp.concatenate(hs, axis=1)


def _head_body(feat_ref, q0_ref, q1_ref, w2_ref, w3_ref,
               ws_ref, ss_ref, ts_ref, wp_ref, sp_ref, tp_ref,
               wd_ref, sd_ref, td_ref,
               mu_ref, ls_ref, zs_ref, zp_ref, dec_ref):
    agg = q0_ref[...] + q1_ref[...]
    feat = feat_ref[...]
    w2, w3 = w2_ref[...], w3_ref[...]
    ws, wp, wd = ws_ref[...], wp_ref[...], wd_ref[...]
    mus, lss, zss, zps, decs = [], [], [], [], []
    for k in range(4):
        a_k = agg[:, k * F:(k + 1) * F]
        f_k = feat[:, k * FH2:(k + 1) * FH2]
        mu_k = jnp.dot(a_k, w2, preferred_element_type=jnp.float32)
        mus.append(mu_k)
        lss.append(jnp.dot(a_k, w3, preferred_element_type=jnp.float32))
        z_k = jnp.concatenate([f_k, mu_k], axis=1)
        zs_k = _elu(jnp.dot(z_k, ws, preferred_element_type=jnp.float32)
                    * ss_ref[...] + ts_ref[...])
        zp_k = _elu(jnp.dot(z_k, wp, preferred_element_type=jnp.float32)
                    * sp_ref[...] + tp_ref[...])
        zss.append(zs_k)
        zps.append(zp_k)
        comb_k = jnp.concatenate([zs_k, zp_k], axis=1)
        decs.append(_elu(jnp.dot(comb_k, wd, preferred_element_type=jnp.float32)
                         * sd_ref[...] + td_ref[...]))
    mu_ref[...] = jnp.concatenate(mus, axis=1)
    ls_ref[...] = jnp.concatenate(lss, axis=1)
    zs_ref[...] = jnp.concatenate(zss, axis=1)
    zp_ref[...] = jnp.concatenate(zps, axis=1)
    dec_ref[...] = jnp.concatenate(decs, axis=1)


def _row_spec(width):
    return pl.BlockSpec((N, width), lambda i: (0, 0))


def _pk_spec():
    return pl.BlockSpec((N // 4, 128), lambda i: (0, 0))


def _full_spec(shape):
    return pl.BlockSpec(shape, lambda i: (0,) * len(shape))


def _scale_shift(b, g, be):
    s = (g * _BN).reshape(1, -1)
    t = (be + b * g * _BN).reshape(1, -1)
    return s, t


def kernel(x, edge_index, W_e1, b_e1, g_e1, be_e1, W_e2, b_e2, g_e2, be_e2,
           W1, W2, W3, W_s, b_s, g_s, be_s, W_p, b_p, g_p, be_p,
           W_d, b_d, g_d, be_d):
    s1, t1 = _scale_shift(b_e1, g_e1, be_e1)
    s2, t2 = _scale_shift(b_e2, g_e2, be_e2)
    ss, ts = _scale_shift(b_s, g_s, be_s)
    sp, tp = _scale_shift(b_p, g_p, be_p)
    sd, td = _scale_shift(b_d, g_d, be_d)

    rowi = edge_index[0]
    coli = edge_index[1]
    zeros = jnp.zeros((N, F), jnp.float32)

    feat_x = pl.pallas_call(
        _enc_body,
        grid=(GRID,),
        in_specs=[
            _row_spec(D_IN),
            _full_spec((D_IN, FH1)), _full_spec((1, FH1)), _full_spec((1, FH1)),
            _full_spec((FH1, FH2)), _full_spec((1, FH2)), _full_spec((1, FH2)),
        ],
        out_specs=_row_spec(FH2),
        out_shape=jax.ShapeDtypeStruct((N, FH2), jnp.float32),
    )(x, W_e1, s1, t1, W_e2, s2, t2)

    p10, p11 = _spmm_sc(feat_x, rowi, coli, zeros)
    feat_pk = feat_x.reshape(N // 4, 128)

    hidden_pk = pl.pallas_call(
        _hidden_body,
        grid=(GRID,),
        in_specs=[_pk_spec(), _pk_spec(), _full_spec((FH2, GH1))],
        out_specs=_pk_spec(),
        out_shape=jax.ShapeDtypeStruct((N // 4, 128), jnp.float32),
    )(p10.reshape(N // 4, 128), p11.reshape(N // 4, 128), W1)

    p20, p21 = _spmm_sc(hidden_pk.reshape(N, GH1), rowi, coli, zeros)

    mu_pk, ls_pk, zs_pk, zp_pk, dec_pk = pl.pallas_call(
        _head_body,
        grid=(GRID,),
        in_specs=[
            _pk_spec(), _pk_spec(), _pk_spec(),
            _full_spec((GH1, GH2)), _full_spec((GH1, GH2)),
            _full_spec((LAT, SH)), _full_spec((1, SH)), _full_spec((1, SH)),
            _full_spec((LAT, LAT - SH)), _full_spec((1, LAT - SH)), _full_spec((1, LAT - SH)),
            _full_spec((LAT, D_IN)), _full_spec((1, D_IN)), _full_spec((1, D_IN)),
        ],
        out_specs=[
            _full_spec((N // 4, 4 * GH2)), _full_spec((N // 4, 4 * GH2)),
            _full_spec((N // 4, 4 * SH)), _full_spec((N // 4, 4 * (LAT - SH))),
            _full_spec((N // 4, 4 * D_IN)),
        ],
        out_shape=[
            jax.ShapeDtypeStruct((N // 4, 4 * GH2), jnp.float32),
            jax.ShapeDtypeStruct((N // 4, 4 * GH2), jnp.float32),
            jax.ShapeDtypeStruct((N // 4, 4 * SH), jnp.float32),
            jax.ShapeDtypeStruct((N // 4, 4 * (LAT - SH)), jnp.float32),
            jax.ShapeDtypeStruct((N // 4, 4 * D_IN), jnp.float32),
        ],
    )(feat_pk, p20.reshape(N // 4, 128), p21.reshape(N // 4, 128),
      W2, W3, W_s, ss, ts, W_p, sp, tp, W_d, sd, td)

    return (mu_pk.reshape(N, GH2), ls_pk.reshape(N, GH2), zs_pk.reshape(N, SH),
            zp_pk.reshape(N, LAT - SH), dec_pk.reshape(N, D_IN))

# --- scband reference (transcript-rebuilt; emitter-appended) ---
"""Pipeline reference for scband-vgae-1589137899809 (READ-ONLY COPY).

The authoritative reference and input builder live on the scoring server;
editing this copy changes nothing except your own understanding.
"""

import jax, jax.numpy as jnp
import numpy as np

N = 10000
E = 320000
D_IN = 128
FH1 = 64
FH2 = 32
GH1 = 32
GH2 = 16
SH = 16
LAT = FH2 + GH2
BN_EPS = 0.001


def _full_block(x, W, b, g, beta):
    # Linear -> BatchNorm1d (eval mode, running_mean=0, running_var=1) -> ELU; dropout is a no-op in eval
    h = jnp.dot(x, W) + b
    h = h / jnp.sqrt(1.0 + BN_EPS) * g + beta
    return jax.nn.elu(h)


def _glorot(k, shape):
    lim = float(np.sqrt(6.0 / (shape[0] + shape[1])))
    return jax.random.uniform(k, shape, minval=-lim, maxval=lim, dtype=jnp.float32)


def setup_inputs(seed: int = 0):
    key = jax.random.key(seed)
    ks = jax.random.split(key, 32)
    inp = {}
    inp["x"] = jax.random.normal(ks[0], (N, D_IN), dtype=jnp.float32)
    inp["edge_index"] = jax.random.randint(ks[1], (2, E), 0, N, dtype=jnp.int32)
    # encoder L1 / L2
    inp["W_e1"] = _glorot(ks[2], (D_IN, FH1)); inp["b_e1"] = jnp.zeros((FH1,), jnp.float32)
    inp["g_e1"] = jnp.ones((FH1,), jnp.float32); inp["be_e1"] = jnp.zeros((FH1,), jnp.float32)
    inp["W_e2"] = _glorot(ks[3], (FH1, FH2)); inp["b_e2"] = jnp.zeros((FH2,), jnp.float32)
    inp["g_e2"] = jnp.ones((FH2,), jnp.float32); inp["be_e2"] = jnp.zeros((FH2,), jnp.float32)
    # GCN layers (xavier_uniform)
    inp["W1"] = _glorot(ks[4], (FH2, GH1))
    inp["W2"] = _glorot(ks[5], (GH1, GH2))
    inp["W3"] = _glorot(ks[6], (GH1, GH2))
    # share / private encoders
    inp["W_s"] = _glorot(ks[7], (LAT, SH)); inp["b_s"] = jnp.zeros((SH,), jnp.float32)
    inp["g_s"] = jnp.ones((SH,), jnp.float32); inp["be_s"] = jnp.zeros((SH,), jnp.float32)
    inp["W_p"] = _glorot(ks[8], (LAT, LAT - SH)); inp["b_p"] = jnp.zeros((LAT - SH,), jnp.float32)
    inp["g_p"] = jnp.ones((LAT - SH,), jnp.float32); inp["be_p"] = jnp.zeros((LAT - SH,), jnp.float32)
    # decoder
    inp["W_d"] = _glorot(ks[9], (LAT, D_IN)); inp["b_d"] = jnp.zeros((D_IN,), jnp.float32)
    inp["g_d"] = jnp.ones((D_IN,), jnp.float32); inp["be_d"] = jnp.zeros((D_IN,), jnp.float32)
    return inp


def reference(x, edge_index, W_e1, b_e1, g_e1, be_e1, W_e2, b_e2, g_e2, be_e2, W1, W2, W3, W_s, b_s, g_s, be_s, W_p, b_p, g_p, be_p, W_d, b_d, g_d, be_d):
    row = edge_index[0]
    col = edge_index[1]

    def spmm(s):
        # out[i] = sum_j adj[i, j] * s[j]  with unit edge weights
        return jax.ops.segment_sum(jnp.take(s, col, axis=0), row, num_segments=N)

    # dense feature encoder
    feat_x = _full_block(x, W_e1, b_e1, g_e1, be_e1)
    feat_x = _full_block(feat_x, W_e2, b_e2, g_e2, be_e2)
    # GCN encode (eval: dropout no-op)
    hidden1 = jax.nn.relu(spmm(jnp.dot(feat_x, W1)))
    gcn_mu = spmm(jnp.dot(hidden1, W2))
    gcn_logstd = spmm(jnp.dot(hidden1, W3))
    # reparameterize in eval mode returns mu
    gcn_z = gcn_mu
    z = jnp.concatenate([feat_x, gcn_z], axis=1)
    z_share = _full_block(z, W_s, b_s, g_s, be_s)
    z_private = _full_block(z, W_p, b_p, g_p, be_p)
    combined = jnp.concatenate([z_share, z_private], axis=1)
    decoded_x = _full_block(combined, W_d, b_d, g_d, be_d)
    return (gcn_mu, gcn_logstd, z_share, z_private, decoded_x)

if __name__ == "__main__":
    import jax
    _d = setup_inputs()
    print(jax.jit(kernel)(*tuple(_d.values())))

</pallas_src>

<mosaic_0001>
#map = affine_map<(d0, d1) -> (0, 0)>
#map1 = affine_map<(d0, d1) -> (0)>
module attributes {stable_mosaic.version = 14 : i64} {
  func.func @_spmm_sc(%arg0: i32, %arg1: i32, %arg2: memref<10000x32xf32, #tpu.memory_space<hbm>>, %arg3: memref<320000xi32, #tpu.memory_space<hbm>>, %arg4: memref<320000xi32, #tpu.memory_space<hbm>>, %arg5: memref<10000x32xf32, #tpu.memory_space<hbm>>, %arg6: memref<10000x32xf32, #tpu.memory_space<hbm>>, %arg7: memref<10000x32xf32, #tpu.memory_space<hbm>>, %arg8: memref<10000xi32, #tpu.memory_space<vmem>>, %arg9: memref<6x128x32xf32, #tpu.memory_space<vmem>>, %arg10: memref<10000x32xf32, #tpu.memory_space<vmem_shared>>, %arg11: memref<10000x32xf32, #tpu.memory_space<vmem_shared>>, %arg12: memref<16xi32, #tpu.memory_space<vmem>>, %arg13: memref<128xi32, #tpu.memory_space<vmem>>, %arg14: memref<128xi32, #tpu.memory_space<vmem>>, %arg15: memref<128xi32, #tpu.memory_space<vmem>>, %arg16: memref<128xi32, #tpu.memory_space<vmem>>, %arg17: memref<128xi32, #tpu.memory_space<vmem>>, %arg18: memref<128xi32, #tpu.memory_space<vmem>>, %arg19: memref<!tpu.dma_semaphore, #tpu.memory_space<semaphore_mem>>, %arg20: memref<!tpu.dma_semaphore, #tpu.memory_space<semaphore_mem>>, %arg21: memref<!tpu.dma_semaphore, #tpu.memory_space<semaphore_mem>>, %arg22: memref<!tpu.dma_semaphore, #tpu.memory_space<semaphore_mem>>, %arg23: memref<!tpu.dma_semaphore, #tpu.memory_space<semaphore_mem>>, %arg24: memref<!tpu.dma_semaphore, #tpu.memory_space<semaphore_mem>>, %arg25: memref<!tpu.dma_semaphore, #tpu.memory_space<semaphore_mem>>, %arg26: memref<!tpu.dma_semaphore, #tpu.memory_space<semaphore_mem>>, %arg27: memref<!tpu.dma_semaphore, #tpu.memory_space<semaphore_mem>>, %arg28: memref<!tpu.dma_semaphore, #tpu.memory_space<semaphore_mem>>, %arg29: memref<!tpu.dma_semaphore, #tpu.memory_space<semaphore_mem>>, %arg30: memref<!tpu.dma_semaphore, #tpu.memory_space<semaphore_mem>>, %arg31: memref<!tpu.dma_semaphore, #tpu.memory_space<semaphore_mem>>, %arg32: memref<!tpu.dma_semaphore, #tpu.memory_space<semaphore_mem>>, %arg33: memref<!tpu.dma_semaphore, #tpu.memory_space<semaphore_mem>>, %arg34: memref<!tpu.dma_semaphore, #tpu.memory_space<semaphore_mem>>, %arg35: memref<!tpu.dma_semaphore, #tpu.memory_space<semaphore_mem>>, %arg36: memref<!tpu.dma_semaphore, #tpu.memory_space<semaphore_mem>>) attributes {dimension_semantics = [#tpu.dimension_semantics<core_parallel>, #tpu.dimension_semantics<subcore_parallel>], iteration_bounds = array<i64: 2, 16>, scalar_prefetch = 0 : i64, scratch_operands = 29 : i64, tpu.core_type = #tpu.core_type<sc_vector_subcore>, window_params = [{transform_indices = #map}, {transform_indices = #map1}, {transform_indices = #map1}, {transform_indices = #map}, {transform_indices = #map}, {transform_indices = #map}]} {
    %mul3A = arith.constant 2 : i32
    %mul3A_0 = arith.muli %arg1, %mul3A : i32
    %add3A = arith.addi %mul3A_0, %arg0 : i32
    %mul3A_1 = arith.constant 10000 : i32
    %mul3A_2 = arith.muli %add3A, %mul3A_1 : i32
    "tpu.region"() ({
      %run_scoped3A_120 = tpu.sem_alloc : memref<!tpu.dma_semaphore, #tpu.memory_space<semaphore_mem>>
      %dma_start3A_121 = tpu.memref_slice %arg4[%mul3A_2] : memref<320000xi32, #tpu.memory_space<hbm>> -> memref<10000xi32, #tpu.memory_space<hbm>>
      %dma_start3A_122 = tpu.memref_slice %arg4[%mul3A_2] : memref<320000xi32, #tpu.memory_space<hbm>> -> memref<10000xi32, #tpu.memory_space<hbm>>
      tpu.enqueue_dma source(%dma_start3A_122 : memref<10000xi32, #tpu.memory_space<hbm>>) target(%arg8 : memref<10000xi32, #tpu.memory_space<vmem>>) target_semaphore(%run_scoped3A_120 : memref<!tpu.dma_semaphore, #tpu.memory_space<semaphore_mem>>)
      %dma_wait3A_123 = tpu.memref_slice %arg4[%mul3A_2] : memref<320000xi32, #tpu.memory_space<hbm>> -> memref<10000xi32, #tpu.memory_space<hbm>>
      %dma_wait3A_124 = tpu.memref_slice %arg4[%mul3A_2] : memref<320000xi32, #tpu.memory_space<hbm>> -> memref<10000xi32, #tpu.memory_space<hbm>>
      tpu.wait_dma2 semaphore(%run_scoped3A_120 : memref<!tpu.dma_semaphore, #tpu.memory_space<semaphore_mem>>) src(%dma_wait3A_124 : memref<10000xi32, #tpu.memory_space<hbm>>) dst(%arg8 : memref<10000xi32, #tpu.memory_space<vmem>>)
      tpu.yield
    }) : () -> ()
    %mul3A_3 = arith.constant 624 : i32
    %mul3A_4 = arith.muli %arg1, %mul3A_3 : i32
    %mul3A_5 = arith.constant 624 : i32
    %mul3A_6 = arith.muli %arg1, %mul3A_5 : i32
    "tpu.region"() ({
      %run_scoped3A_120 = tpu.sem_alloc : memref<!tpu.dma_semaphore, #tpu.memory_space<semaphore_mem>>
      %dma_start3A_121 = arith.constant 0 : i32
      %dma_start3A_122 = tpu.memref_slice %arg10[%mul3A_6, %dma_start3A_121] : memref<10000x32xf32, #tpu.memory_space<vmem_shared>> -> memref<624x32xf32, #tpu.memory_space<vmem_shared>>
      %dma_start3A_123 = arith.constant 0 : i32
      %dma_start3A_124 = tpu.memref_slice %arg5[%mul3A_4, %dma_start3A_123] : memref<10000x32xf32, #tpu.memory_space<hbm>> -> memref<624x32xf32, #tpu.memory_space<hbm>>
      tpu.enqueue_dma source(%dma_start3A_124 : memref<624x32xf32, #tpu.memory_space<hbm>>) target(%dma_start3A_122 : memref<624x32xf32, #tpu.memory_space<vmem_shared>>) target_semaphore(%run_scoped3A_120 : memref<!tpu.dma_semaphore, #tpu.memory_space<semaphore_mem>>)
      %dma_wait3A_125 = arith.constant 0 : i32
      %dma_wait3A_126 = tpu.memref_slice %arg10[%mul3A_6, %dma_wait3A_125] : memref<10000x32xf32, #tpu.memory_space<vmem_shared>> -> memref<624x32xf32, #tpu.memory_space<vmem_shared>>
      %dma_wait3A_127 = arith.constant 0 : i32
      %dma_wait3A_128 = tpu.memref_slice %arg5[%mul3A_4, %dma_wait3A_127] : memref<10000x32xf32, #tpu.memory_space<hbm>> -> memref<624x32xf32, #tpu.memory_space<hbm>>
      tpu.wait_dma2 semaphore(%run_scoped3A_120 : memref<!tpu.dma_semaphore, #tpu.memory_space<semaphore_mem>>) src(%dma_wait3A_128 : memref<624x32xf32, #tpu.memory_space<hbm>>) dst(%dma_wait3A_126 : memref<624x32xf32, #tpu.memory_space<vmem_shared>>)
      tpu.yield
    }) : () -> ()
    %mul3A_7 = arith.constant 624 : i32
    %mul3A_8 = arith.muli %arg1, %mul3A_7 : i32
    %mul3A_9 = arith.constant 624 : i32
    %mul3A_10 = arith.muli %arg1, %mul3A_9 : i32
    "tpu.region"() ({
      %run_scoped3A_120 = tpu.sem_alloc : memref<!tpu.dma_semaphore, #tpu.memory_space<semaphore_mem>>
      %dma_start3A_121 = arith.constant 0 : i32
      %dma_start3A_122 = tpu.memref_slice %arg11[%mul3A_10, %dma_start3A_121] : memref<10000x32xf32, #tpu.memory_space<vmem_shared>> -> memref<624x32xf32, #tpu.memory_space<vmem_shared>>
      %dma_start3A_123 = arith.constant 0 : i32
      %dma_start3A_124 = tpu.memref_slice %arg2[%mul3A_8, %dma_start3A_123] : memref<10000x32xf32, #tpu.memory_space<hbm>> -> memref<624x32xf32, #tpu.memory_space<hbm>>
      tpu.enqueue_dma source(%dma_start3A_124 : memref<624x32xf32, #tpu.memory_space<hbm>>) target(%dma_start3A_122 : memref<624x32xf32, #tpu.memory_space<vmem_shared>>) target_semaphore(%run_scoped3A_120 : memref<!tpu.dma_semaphore, #tpu.memory_space<semaphore_mem>>)
      %dma_wait3A_125 = arith.constant 0 : i32
      %dma_wait3A_126 = tpu.memref_slice %arg11[%mul3A_10, %dma_wait3A_125] : memref<10000x32xf32, #tpu.memory_space<vmem_shared>> -> memref<624x32xf32, #tpu.memory_space<vmem_shared>>
      %dma_wait3A_127 = arith.constant 0 : i32
      %dma_wait3A_128 = tpu.memref_slice %arg2[%mul3A_8, %dma_wait3A_127] : memref<10000x32xf32, #tpu.memory_space<hbm>> -> memref<624x32xf32, #tpu.memory_space<hbm>>
      tpu.wait_dma2 semaphore(%run_scoped3A_120 : memref<!tpu.dma_semaphore, #tpu.memory_space<semaphore_mem>>) src(%dma_wait3A_128 : memref<624x32xf32, #tpu.memory_space<hbm>>) dst(%dma_wait3A_126 : memref<624x32xf32, #tpu.memory_space<vmem_shared>>)
      tpu.yield
    }) : () -> ()
    %eq3A = arith.constant 15 : i32
    %eq3A_11 = arith.cmpi eq, %arg1, %eq3A : i32
    %convert_element_type3A = arith.extui %eq3A_11 : i1 to i32
    %cond3A = arith.constant 0 : i32
    %cond3A_12 = arith.cmpi ne, %convert_element_type3A, %cond3A : i32
    scf.if %cond3A_12 {
      "tpu.region"() ({
        %run_scoped3A_120 = tpu.sem_alloc : memref<!tpu.dma_semaphore, #tpu.memory_space<semaphore_mem>>
        %dma_start3A_121 = arith.constant 9984 : i32
        %dma_start3A_122 = arith.constant 0 : i32
        %dma_start3A_123 = tpu.memref_slice %arg10[%dma_start3A_121, %dma_start3A_122] : memref<10000x32xf32, #tpu.memory_space<vmem_shared>> -> memref<16x32xf32, #tpu.memory_space<vmem_shared>>
        %dma_start3A_124 = arith.constant 9984 : i32
        %dma_start3A_125 = arith.constant 0 : i32
        %dma_start3A_126 = tpu.memref_slice %arg5[%dma_start3A_124, %dma_start3A_125] : memref<10000x32xf32, #tpu.memory_space<hbm>> -> memref<16x32xf32, #tpu.memory_space<hbm>>
        tpu.enqueue_dma source(%dma_start3A_126 : memref<16x32xf32, #tpu.memory_space<hbm>>) target(%dma_start3A_123 : memref<16x32xf32, #tpu.memory_space<vmem_shared>>) target_semaphore(%run_scoped3A_120 : memref<!tpu.dma_semaphore, #tpu.memory_space<semaphore_mem>>)
        %dma_wait3A_127 = arith.constant 9984 : i32
        %dma_wait3A_128 = arith.constant 0 : i32
        %dma_wait3A_129 = tpu.memref_slice %arg10[%dma_wait3A_127, %dma_wait3A_128] : memref<10000x32xf32, #tpu.memory_space<vmem_shared>> -> memref<16x32xf32, #tpu.memory_space<vmem_shared>>
        %dma_wait3A_130 = arith.constant 9984 : i32
        %dma_wait3A_131 = arith.constant 0 : i32
        %dma_wait3A_132 = tpu.memref_slice %arg5[%dma_wait3A_130, %dma_wait3A_131] : memref<10000x32xf32, #tpu.memory_space<hbm>> -> memref<16x32xf32, #tpu.memory_space<hbm>>
        tpu.wait_dma2 semaphore(%run_scoped3A_120 : memref<!tpu.dma_semaphore, #tpu.memory_space<semaphore_mem>>) src(%dma_wait3A_132 : memref<16x32xf32, #tpu.memory_space<hbm>>) dst(%dma_wait3A_129 : memref<16x32xf32, #tpu.memory_space<vmem_shared>>)
        tpu.yield
      }) : () -> ()
      "tpu.region"() ({
        %run_scoped3A_120 = tpu.sem_alloc : memref<!tpu.dma_semaphore, #tpu.memory_space<semaphore_mem>>
        %dma_start3A_121 = arith.constant 9984 : i32
        %dma_start3A_122 = arith.constant 0 : i32
        %dma_start3A_123 = tpu.memref_slice %arg11[%dma_start3A_121, %dma_start3A_122] : memref<10000x32xf32, #tpu.memory_space<vmem_shared>> -> memref<16x32xf32, #tpu.memory_space<vmem_shared>>
        %dma_start3A_124 = arith.constant 9984 : i32
        %dma_start3A_125 = arith.constant 0 : i32
        %dma_start3A_126 = tpu.memref_slice %arg2[%dma_start3A_124, %dma_start3A_125] : memref<10000x32xf32, #tpu.memory_space<hbm>> -> memref<16x32xf32, #tpu.memory_space<hbm>>
        tpu.enqueue_dma source(%dma_start3A_126 : memref<16x32xf32, #tpu.memory_space<hbm>>) target(%dma_start3A_123 : memref<16x32xf32, #tpu.memory_space<vmem_shared>>) target_semaphore(%run_scoped3A_120 : memref<!tpu.dma_semaphore, #tpu.memory_space<semaphore_mem>>)
        %dma_wait3A_127 = arith.constant 9984 : i32
        %dma_wait3A_128 = arith.constant 0 : i32
        %dma_wait3A_129 = tpu.memref_slice %arg11[%dma_wait3A_127, %dma_wait3A_128] : memref<10000x32xf32, #tpu.memory_space<vmem_shared>> -> memref<16x32xf32, #tpu.memory_space<vmem_shared>>
        %dma_wait3A_130 = arith.constant 9984 : i32
        %dma_wait3A_131 = arith.constant 0 : i32
        %dma_wait3A_132 = tpu.memref_slice %arg2[%dma_wait3A_130, %dma_wait3A_131] : memref<10000x32xf32, #tpu.memory_space<hbm>> -> memref<16x32xf32, #tpu.memory_space<hbm>>
        tpu.wait_dma2 semaphore(%run_scoped3A_120 : memref<!tpu.dma_semaphore, #tpu.memory_space<semaphore_mem>>) src(%dma_wait3A_132 : memref<16x32xf32, #tpu.memory_space<hbm>>) dst(%dma_wait3A_129 : memref<16x32xf32, #tpu.memory_space<vmem_shared>>)
        tpu.yield
      }) : () -> ()
    } else {
    }
    %barrier3A = arith.constant 0 : index
    tpu.barrier barrier_id(%barrier3A)
    %add3A_13 = arith.constant 0 : i32
    %add3A_14 = arith.addi %mul3A_2, %add3A_13 : i32
    %dma_start3A = tpu.memref_slice %arg3[%add3A_14] : memref<320000xi32, #tpu.memory_space<hbm>> -> memref<128xi32, #tpu.memory_space<hbm>>
    %dma_start3A_15 = tpu.memref_slice %arg3[%add3A_14] : memref<320000xi32, #tpu.memory_space<hbm>> -> memref<128xi32, #tpu.memory_space<hbm>>
    tpu.enqueue_dma source(%dma_start3A_15 : memref<128xi32, #tpu.memory_space<hbm>>) target(%arg13 : memref<128xi32, #tpu.memory_space<vmem>>) target_semaphore(%arg31 : memref<!tpu.dma_semaphore, #tpu.memory_space<semaphore_mem>>)
    %dma_start3A_16 = arith.constant 0 : i32
    %dma_start3A_17 = arith.constant 0 : i32
    %dma_start3A_18 = arith.constant 0 : i32
    %dma_start3A_19 = tpu.memref_slice %arg9[%dma_start3A_16, %dma_start3A_17, %dma_start3A_18] : memref<6x128x32xf32, #tpu.memory_space<vmem>> -> memref<1x128x32xf32, #tpu.memory_space<vmem>>
    %dma_start3A_20 = tpu.memref_squeeze %dma_start3A_19 : memref<1x128x32xf32, #tpu.memory_space<vmem>> -> memref<128x32xf32, #tpu.memory_space<vmem>>
    %dma_start3A_21 = arith.constant 0 : i32
    %dma_start3A_22 = tpu.memref_slice %arg8[%dma_start3A_21] : memref<10000xi32, #tpu.memory_space<vmem>> -> memref<128xi32, #tpu.memory_space<vmem>>
    %dma_start3A_23 = arith.constant 0 : i32
    %dma_start3A_24 = arith.constant 0 : i32
    %dma_start3A_25 = tpu.memref_slice %arg11[%dma_start3A_23, %dma_start3A_24] : memref<10000x32xf32, #tpu.memory_space<vmem_shared>> -> memref<10000x32xf32, #tpu.memory_space<vmem_shared>>
    tpu.enqueue_indirect_dma source(%dma_start3A_25 : memref<10000x32xf32, #tpu.memory_space<vmem_shared>>) target(%dma_start3A_20 : memref<128x32xf32, #tpu.memory_space<vmem>>) offsets(%dma_start3A_22 : memref<128xi32, #tpu.memory_space<vmem>>) semaphore(%arg19 : memref<!tpu.dma_semaphore, #tpu.memory_space<semaphore_mem>>)
    %add3A_26 = arith.constant 128 : i32
    %add3A_27 = arith.addi %mul3A_2, %add3A_26 : i32
    %dma_start3A_28 = tpu.memref_slice %arg3[%add3A_27] : memref<320000xi32, #tpu.memory_space<hbm>> -> memref<128xi32, #tpu.memory_space<hbm>>
    %dma_start3A_29 = tpu.memref_slice %arg3[%add3A_27] : memref<320000xi32, #tpu.memory_space<hbm>> -> memref<128xi32, #tpu.memory_space<hbm>>
    tpu.enqueue_dma source(%dma_start3A_29 : memref<128xi32, #tpu.memory_space<hbm>>) target(%arg14 : memref<128xi32, #tpu.memory_space<vmem>>) target_semaphore(%arg32 : memref<!tpu.dma_semaphore, #tpu.memory_space<semaphore_mem>>)
    %dma_start3A_30 = arith.constant 1 : i32
    %dma_start3A_31 = arith.constant 0 : i32
    %dma_start3A_32 = arith.constant 0 : i32
    %dma_start3A_33 = tpu.memref_slice %arg9[%dma_start3A_30, %dma_start3A_31, %dma_start3A_32] : memref<6x128x32xf32, #tpu.memory_space<vmem>> -> memref<1x128x32xf32, #tpu.memory_space<vmem>>
    %dma_start3A_34 = tpu.memref_squeeze %dma_start3A_33 : memref<1x128x32xf32, #tpu.memory_space<vmem>> -> memref<128x32xf32, #tpu.memory_space<vmem>>
    %dma_start3A_35 = arith.constant 128 : i32
    %dma_start3A_36 = tpu.memref_slice %arg8[%dma_start3A_35] : memref<10000xi32, #tpu.memory_space<vmem>> -> memref<128xi32, #tpu.memory_space<vmem>>
    %dma_start3A_37 = arith.constant 0 : i32
    %dma_start3A_38 = arith.constant 0 : i32
    %dma_start3A_39 = tpu.memref_slice %arg11[%dma_start3A_37, %dma_start3A_38] : memref<10000x32xf32, #tpu.memory_space<vmem_shared>> -> memref<10000x32xf32, #tpu.memory_space<vmem_shared>>
    tpu.enqueue_indirect_dma source(%dma_start3A_39 : memref<10000x32xf32, #tpu.memory_space<vmem_shared>>) target(%dma_start3A_34 : memref<128x32xf32, #tpu.memory_space<vmem>>) offsets(%dma_start3A_36 : memref<128xi32, #tpu.memory_space<vmem>>) semaphore(%arg20 : memref<!tpu.dma_semaphore, #tpu.memory_space<semaphore_mem>>)
    %add3A_40 = arith.constant 256 : i32
    %add3A_41 = arith.addi %mul3A_2, %add3A_40 : i32
    %dma_start3A_42 = tpu.memref_slice %arg3[%add3A_41] : memref<320000xi32, #tpu.memory_space<hbm>> -> memref<128xi32, #tpu.memory_space<hbm>>
    %dma_start3A_43 = tpu.memref_slice %arg3[%add3A_41] : memref<320000xi32, #tpu.memory_space<hbm>> -> memref<128xi32, #tpu.memory_space<hbm>>
    tpu.enqueue_dma source(%dma_start3A_43 : memref<128xi32, #tpu.memory_space<hbm>>) target(%arg15 : memref<128xi32, #tpu.memory_space<vmem>>) target_semaphore(%arg33 : memref<!tpu.dma_semaphore, #tpu.memory_space<semaphore_mem>>)
    %dma_start3A_44 = arith.constant 2 : i32
    %dma_start3A_45 = arith.constant 0 : i32
    %dma_start3A_46 = arith.constant 0 : i32
    %dma_start3A_47 = tpu.memref_slice %arg9[%dma_start3A_44, %dma_start3A_45, %dma_start3A_46] : memref<6x128x32xf32, #tpu.memory_space<vmem>> -> memref<1x128x32xf32, #tpu.memory_space<vmem>>
    %dma_start3A_48 = tpu.memref_squeeze %dma_start3A_47 : memref<1x128x32xf32, #tpu.memory_space<vmem>> -> memref<128x32xf32, #tpu.memory_space<vmem>>
    %dma_start3A_49 = arith.constant 256 : i32
    %dma_start3A_50 = tpu.memref_slice %arg8[%dma_start3A_49] : memref<10000xi32, #tpu.memory_space<vmem>> -> memref<128xi32, #tpu.memory_space<vmem>>
    %dma_start3A_51 = arith.constant 0 : i32
    %dma_start3A_52 = arith.constant 0 : i32
    %dma_start3A_53 = tpu.memref_slice %arg11[%dma_start3A_51, %dma_start3A_52] : memref<10000x32xf32, #tpu.memory_space<vmem_shared>> -> memref<10000x32xf32, #tpu.memory_space<vmem_shared>>
    tpu.enqueue_indirect_dma source(%dma_start3A_53 : memref<10000x32xf32, #tpu.memory_space<vmem_shared>>) target(%dma_start3A_48 : memref<128x32xf32, #tpu.memory_space<vmem>>) offsets(%dma_start3A_50 : memref<128xi32, #tpu.memory_space<vmem>>) semaphore(%arg21 : memref<!tpu.dma_semaphore, #tpu.memory_space<semaphore_mem>>)
    %add3A_54 = arith.constant 384 : i32
    %add3A_55 = arith.addi %mul3A_2, %add3A_54 : i32
    %dma_start3A_56 = tpu.memref_slice %arg3[%add3A_55] : memref<320000xi32, #tpu.memory_space<hbm>> -> memref<128xi32, #tpu.memory_space<hbm>>
    %dma_start3A_57 = tpu.memref_slice %arg3[%add3A_55] : memref<320000xi32, #tpu.memory_space<hbm>> -> memref<128xi32, #tpu.memory_space<hbm>>
    tpu.enqueue_dma source(%dma_start3A_57 : memref<128xi32, #tpu.memory_space<hbm>>) target(%arg16 : memref<128xi32, #tpu.memory_space<vmem>>) target_semaphore(%arg34 : memref<!tpu.dma_semaphore, #tpu.memory_space<semaphore_mem>>)
    %dma_start3A_58 = arith.constant 3 : i32
    %dma_start3A_59 = arith.constant 0 : i32
    %dma_start3A_60 = arith.constant 0 : i32
    %dma_start3A_61 = tpu.memref_slice %arg9[%dma_start3A_58, %dma_start3A_59, %dma_start3A_60] : memref<6x128x32xf32, #tpu.memory_space<vmem>> -> memref<1x128x32xf32, #tpu.memory_space<vmem>>
    %dma_start3A_62 = tpu.memref_squeeze %dma_start3A_61 : memref<1x128x32xf32, #tpu.memory_space<vmem>> -> memref<128x32xf32, #tpu.memory_space<vmem>>
    %dma_start3A_63 = arith.constant 384 : i32
    %dma_start3A_64 = tpu.memref_slice %arg8[%dma_start3A_63] : memref<10000xi32, #tpu.memory_space<vmem>> -> memref<128xi32, #tpu.memory_space<vmem>>
    %dma_start3A_65 = arith.constant 0 : i32
    %dma_start3A_66 = arith.constant 0 : i32
    %dma_start3A_67 = tpu.memref_slice %arg11[%dma_start3A_65, %dma_start3A_66] : memref<10000x32xf32, #tpu.memory_space<vmem_shared>> -> memref<10000x32xf32, #tpu.memory_space<vmem_shared>>
    tpu.enqueue_indirect_dma source(%dma_start3A_67 : memref<10000x32xf32, #tpu.memory_space<vmem_shared>>) target(%dma_start3A_62 : memref<128x32xf32, #tpu.memory_space<vmem>>) offsets(%dma_start3A_64 : memref<128xi32, #tpu.memory_space<vmem>>) semaphore(%arg22 : memref<!tpu.dma_semaphore, #tpu.memory_space<semaphore_mem>>)
    %scan3A = arith.constant 0 : i32
    %scan3A_68 = arith.constant 13 : i32
    %scan3A_69 = arith.addi %scan3A, %scan3A_68 : i32
    %scan3A_70 = arith.constant 1 : i32
    scf.for %scan3A_120 = %scan3A to %scan3A_69 step %scan3A_70  : i32 {
      %mul3A_121 = arith.constant 1 : i32
      %mul3A_122 = arith.muli %scan3A_120, %mul3A_121 : i32
      %add3A_123 = arith.constant 0 : i32
      %add3A_124 = arith.addi %add3A_123, %mul3A_122 : i32
      %mul3A_125 = arith.constant 6 : i32
      %mul3A_126 = arith.muli %add3A_124, %mul3A_125 : i32
      %add3A_127 = arith.constant 0 : i32
      %add3A_128 = arith.addi %mul3A_126, %add3A_127 : i32
      %mul3A_129 = arith.constant 128 : i32
      %mul3A_130 = arith.muli %add3A_128, %mul3A_129 : i32
      %dma_wait3A_131 = arith.constant 0 : i32
      %dma_wait3A_132 = arith.constant 0 : i32
      %dma_wait3A_133 = arith.constant 0 : i32
      %dma_wait3A_134 = tpu.memref_slice %arg9[%dma_wait3A_131, %dma_wait3A_132, %dma_wait3A_133] : memref<6x128x32xf32, #tpu.memory_space<vmem>> -> memref<1x128x32xf32, #tpu.memory_space<vmem>>
      %dma_wait3A_135 = tpu.memref_squeeze %dma_wait3A_134 : memref<1x128x32xf32, #tpu.memory_space<vmem>> -> memref<128x32xf32, #tpu.memory_space<vmem>>
      %dma_wait3A_136 = tpu.memref_slice %arg8[%mul3A_130] : memref<10000xi32, #tpu.memory_space<vmem>> -> memref<128xi32, #tpu.memory_space<vmem>>
      %dma_wait3A_137 = arith.constant 0 : i32
      %dma_wait3A_138 = arith.constant 0 : i32
      %dma_wait3A_139 = tpu.memref_slice %arg11[%dma_wait3A_137, %dma_wait3A_138] : memref<10000x32xf32, #tpu.memory_space<vmem_shared>> -> memref<10000x32xf32, #tpu.memory_space<vmem_shared>>
      tpu.wait_indirect_dma semaphore(%arg19 : memref<!tpu.dma_semaphore, #tpu.memory_space<semaphore_mem>>) src(%dma_wait3A_139 : memref<10000x32xf32, #tpu.memory_space<vmem_shared>>) dst(%dma_wait3A_135 : memref<128x32xf32, #tpu.memory_space<vmem>>)
      %mul3A_140 = arith.constant 128 : i32
      %mul3A_141 = arith.muli %add3A_128, %mul3A_140 : i32
      %add3A_142 = arith.addi %mul3A_2, %mul3A_141 : i32
      %dma_wait3A_143 = tpu.memref_slice %arg3[%add3A_142] : memref<320000xi32, #tpu.memory_space<hbm>> -> memref<128xi32, #tpu.memory_space<hbm>>
      %dma_wait3A_144 = tpu.memref_slice %arg3[%add3A_142] : memref<320000xi32, #tpu.memory_space<hbm>> -> memref<128xi32, #tpu.memory_space<hbm>>
      tpu.wait_dma2 semaphore(%arg31 : memref<!tpu.dma_semaphore, #tpu.memory_space<semaphore_mem>>) src(%dma_wait3A_144 : memref<128xi32, #tpu.memory_space<hbm>>) dst(%arg13 : memref<128xi32, #tpu.memory_space<vmem>>)
      %dma_start3A_145 = arith.constant 0 : i32
      %dma_start3A_146 = arith.constant 0 : i32
      %dma_start3A_147 = arith.constant 0 : i32
      %dma_start3A_148 = tpu.memref_slice %arg9[%dma_start3A_145, %dma_start3A_146, %dma_start3A_147] : memref<6x128x32xf32, #tpu.memory_space<vmem>> -> memref<1x128x32xf32, #tpu.memory_space<vmem>>
      %dma_start3A_149 = tpu.memref_squeeze %dma_start3A_148 : memref<1x128x32xf32, #tpu.memory_space<vmem>> -> memref<128x32xf32, #tpu.memory_space<vmem>>
      %dma_start3A_150 = arith.constant 0 : i32
      %dma_start3A_151 = arith.constant 0 : i32
      %dma_start3A_152 = tpu.memref_slice %arg10[%dma_start3A_150, %dma_start3A_151] : memref<10000x32xf32, #tpu.memory_space<vmem_shared>> -> memref<10000x32xf32, #tpu.memory_space<vmem_shared>>
      tpu.enqueue_indirect_dma source(%dma_start3A_149 : memref<128x32xf32, #tpu.memory_space<vmem>>) target(%dma_start3A_152 : memref<10000x32xf32, #tpu.memory_space<vmem_shared>>) offsets(%arg13 : memref<128xi32, #tpu.memory_space<vmem>>) semaphore(%arg25 : memref<!tpu.dma_semaphore, #tpu.memory_space<semaphore_mem>>) {add = true}
      %add3A_153 = arith.constant 4 : i32
      %add3A_154 = arith.addi %add3A_128, %add3A_153 : i32
      %ge3A = arith.constant 6 : i32
      %ge3A_155 = arith.cmpi sge, %add3A_154, %ge3A : i32
      %convert_element_type3A_156 = arith.extui %ge3A_155 : i1 to i32
      %cond3A_157 = arith.constant 0 : i32
      %cond3A_158 = arith.cmpi ne, %convert_element_type3A_156, %cond3A_157 : i32
      scf.if %cond3A_158 {
        %dma_wait3A_353 = arith.constant 4 : i32
        %dma_wait3A_354 = arith.constant 0 : i32
        %dma_wait3A_355 = arith.constant 0 : i32
        %dma_wait3A_356 = tpu.memref_slice %arg9[%dma_wait3A_353, %dma_wait3A_354, %dma_wait3A_355] : memref<6x128x32xf32, #tpu.memory_space<vmem>> -> memref<1x128x32xf32, #tpu.memory_space<vmem>>
        %dma_wait3A_357 = tpu.memref_squeeze %dma_wait3A_356 : memref<1x128x32xf32, #tpu.memory_space<vmem>> -> memref<128x32xf32, #tpu.memory_space<vmem>>
        %dma_wait3A_358 = arith.constant 0 : i32
        %dma_wait3A_359 = arith.constant 0 : i32
        %dma_wait3A_360 = tpu.memref_slice %arg10[%dma_wait3A_358, %dma_wait3A_359] : memref<10000x32xf32, #tpu.memory_space<vmem_shared>> -> memref<10000x32xf32, #tpu.memory_space<vmem_shared>>
        tpu.wait_indirect_dma semaphore(%arg29 : memref<!tpu.dma_semaphore, #tpu.memory_space<semaphore_mem>>) src(%dma_wait3A_357 : memref<128x32xf32, #tpu.memory_space<vmem>>) dst(%dma_wait3A_360 : memref<10000x32xf32, #tpu.memory_space<vmem_shared>>)
      } else {
      }
      %lt3A = arith.constant 78 : i32
      %lt3A_159 = arith.cmpi slt, %add3A_154, %lt3A : i32
      %convert_element_type3A_160 = arith.extui %lt3A_159 : i1 to i32
      %cond3A_161 = arith.constant 0 : i32
      %cond3A_162 = arith.cmpi ne, %convert_element_type3A_160, %cond3A_161 : i32
      scf.if %cond3A_162 {
        %mul3A_353 = arith.constant 128 : i32
        %mul3A_354 = arith.muli %add3A_154, %mul3A_353 : i32
        %add3A_355 = arith.addi %mul3A_2, %mul3A_354 : i32
        %dma_start3A_356 = tpu.memref_slice %arg3[%add3A_355] : memref<320000xi32, #tpu.memory_space<hbm>> -> memref<128xi32, #tpu.memory_space<hbm>>
        %dma_start3A_357 = tpu.memref_slice %arg3[%add3A_355] : memref<320000xi32, #tpu.memory_space<hbm>> -> memref<128xi32, #tpu.memory_space<hbm>>
        tpu.enqueue_dma source(%dma_start3A_357 : memref<128xi32, #tpu.memory_space<hbm>>) target(%arg17 : memref<128xi32, #tpu.memory_space<vmem>>) target_semaphore(%arg35 : memref<!tpu.dma_semaphore, #tpu.memory_space<semaphore_mem>>)
        %mul3A_358 = arith.constant 128 : i32
        %mul3A_359 = arith.muli %add3A_154, %mul3A_358 : i32
        %dma_start3A_360 = arith.constant 4 : i32
        %dma_start3A_361 = arith.constant 0 : i32
        %dma_start3A_362 = arith.constant 0 : i32
        %dma_start3A_363 = tpu.memref_slice %arg9[%dma_start3A_360, %dma_start3A_361, %dma_start3A_362] : memref<6x128x32xf32, #tpu.memory_space<vmem>> -> memref<1x128x32xf32, #tpu.memory_space<vmem>>
        %dma_start3A_364 = tpu.memref_squeeze %dma_start3A_363 : memref<1x128x32xf32, #tpu.memory_space<vmem>> -> memref<128x32xf32, #tpu.memory_space<vmem>>
        %dma_start3A_365 = tpu.memref_slice %arg8[%mul3A_359] : memref<10000xi32, #tpu.memory_space<vmem>> -> memref<128xi32, #tpu.memory_space<vmem>>
        %dma_start3A_366 = arith.constant 0 : i32
        %dma_start3A_367 = arith.constant 0 : i32
        %dma_start3A_368 = tpu.memref_slice %arg11[%dma_start3A_366, %dma_start3A_367] : memref<10000x32xf32, #tpu.memory_space<vmem_shared>> -> memref<10000x32xf32, #tpu.memory_space<vmem_shared>>
        tpu.enqueue_indirect_dma source(%dma_start3A_368 : memref<10000x32xf32, #tpu.memory_space<vmem_shared>>) target(%dma_start3A_364 : memref<128x32xf32, #tpu.memory_space<vmem>>) offsets(%dma_start3A_365 : memref<128xi32, #tpu.memory_space<vmem>>) semaphore(%arg23 : memref<!tpu.dma_semaphore, #tpu.memory_space<semaphore_mem>>)
      } else {
      }
      %add3A_163 = arith.constant 1 : i32
      %add3A_164 = arith.addi %mul3A_126, %add3A_163 : i32
      %mul3A_165 = arith.constant 128 : i32
      %mul3A_166 = arith.muli %add3A_164, %mul3A_165 : i32
      %dma_wait3A_167 = arith.constant 1 : i32
      %dma_wait3A_168 = arith.constant 0 : i32
      %dma_wait3A_169 = arith.constant 0 : i32
      %dma_wait3A_170 = tpu.memref_slice %arg9[%dma_wait3A_167, %dma_wait3A_168, %dma_wait3A_169] : memref<6x128x32xf32, #tpu.memory_space<vmem>> -> memref<1x128x32xf32, #tpu.memory_space<vmem>>
      %dma_wait3A_171 = tpu.memref_squeeze %dma_wait3A_170 : memref<1x128x32xf32, #tpu.memory_space<vmem>> -> memref<128x32xf32, #tpu.memory_space<vmem>>
      %dma_wait3A_172 = tpu.memref_slice %arg8[%mul3A_166] : memref<10000xi32, #tpu.memory_space<vmem>> -> memref<128xi32, #tpu.memory_space<vmem>>
      %dma_wait3A_173 = arith.constant 0 : i32
      %dma_wait3A_174 = arith.constant 0 : i32
      %dma_wait3A_175 = tpu.memref_slice %arg11[%dma_wait3A_173, %dma_wait3A_174] : memref<10000x32xf32, #tpu.memory_space<vmem_shared>> -> memref<10000x32xf32, #tpu.memory_space<vmem_shared>>
      tpu.wait_indirect_dma semaphore(%arg20 : memref<!tpu.dma_semaphore, #tpu.memory_space<semaphore_mem>>) src(%dma_wait3A_175 : memref<10000x32xf32, #tpu.memory_space<vmem_shared>>) dst(%dma_wait3A_171 : memref<128x32xf32, #tpu.memory_space<vmem>>)
      %mul3A_176 = arith.constant 128 : i32
      %mul3A_177 = arith.muli %add3A_164, %mul3A_176 : i32
      %add3A_178 = arith.addi %mul3A_2, %mul3A_177 : i32
      %dma_wait3A_179 = tpu.memref_slice %arg3[%add3A_178] : memref<320000xi32, #tpu.memory_space<hbm>> -> memref<128xi32, #tpu.memory_space<hbm>>
      %dma_wait3A_180 = tpu.memref_slice %arg3[%add3A_178] : memref<320000xi32, #tpu.memory_space<hbm>> -> memref<128xi32, #tpu.memory_space<hbm>>
      tpu.wait_dma2 semaphore(%arg32 : memref<!tpu.dma_semaphore, #tpu.memory_space<semaphore_mem>>) src(%dma_wait3A_180 : memref<128xi32, #tpu.memory_space<hbm>>) dst(%arg14 : memref<128xi32, #tpu.memory_space<vmem>>)
      %dma_start3A_181 = arith.constant 1 : i32
      %dma_start3A_182 = arith.constant 0 : i32
      %dma_start3A_183 = arith.constant 0 : i32
      %dma_start3A_184 = tpu.memref_slice %arg9[%dma_start3A_181, %dma_start3A_182, %dma_start3A_183] : memref<6x128x32xf32, #tpu.memory_space<vmem>> -> memref<1x128x32xf32, #tpu.memory_space<vmem>>
      %dma_start3A_185 = tpu.memref_squeeze %dma_start3A_184 : memref<1x128x32xf32, #tpu.memory_space<vmem>> -> memref<128x32xf32, #tpu.memory_space<vmem>>
      %dma_start3A_186 = arith.constant 0 : i32
      %dma_start3A_187 = arith.constant 0 : i32
      %dma_start3A_188 = tpu.memref_slice %arg10[%dma_start3A_186, %dma_start3A_187] : memref<10000x32xf32, #tpu.memory_space<vmem_shared>> -> memref<10000x32xf32, #tpu.memory_space<vmem_shared>>
      tpu.enqueue_indirect_dma source(%dma_start3A_185 : memref<128x32xf32, #tpu.memory_space<vmem>>) target(%dma_start3A_188 : memref<10000x32xf32, #tpu.memory_space<vmem_shared>>) offsets(%arg14 : memref<128xi32, #tpu.memory_space<vmem>>) semaphore(%arg26 : memref<!tpu.dma_semaphore, #tpu.memory_space<semaphore_mem>>) {add = true}
      %add3A_189 = arith.constant 4 : i32
      %add3A_190 = arith.addi %add3A_164, %add3A_189 : i32
      %ge3A_191 = arith.constant 6 : i32
      %ge3A_192 = arith.cmpi sge, %add3A_190, %ge3A_191 : i32
      %convert_element_type3A_193 = arith.extui %ge3A_192 : i1 to i32
      %cond3A_194 = arith.constant 0 : i32
      %cond3A_195 = arith.cmpi ne, %convert_element_type3A_193, %cond3A_194 : i32
      scf.if %cond3A_195 {
        %dma_wait3A_353 = arith.constant 5 : i32
        %dma_wait3A_354 = arith.constant 0 : i32
        %dma_wait3A_355 = arith.constant 0 : i32
        %dma_wait3A_356 = tpu.memref_slice %arg9[%dma_wait3A_353, %dma_wait3A_354, %dma_wait3A_355] : memref<6x128x32xf32, #tpu.memory_space<vmem>> -> memref<1x128x32xf32, #tpu.memory_space<vmem>>
        %dma_wait3A_357 = tpu.memref_squeeze %dma_wait3A_356 : memref<1x128x32xf32, #tpu.memory_space<vmem>> -> memref<128x32xf32, #tpu.memory_space<vmem>>
        %dma_wait3A_358 = arith.constant 0 : i32
        %dma_wait3A_359 = arith.constant 0 : i32
        %dma_wait3A_360 = tpu.memref_slice %arg10[%dma_wait3A_358, %dma_wait3A_359] : memref<10000x32xf32, #tpu.memory_space<vmem_shared>> -> memref<10000x32xf32, #tpu.memory_space<vmem_shared>>
        tpu.wait_indirect_dma semaphore(%arg30 : memref<!tpu.dma_semaphore, #tpu.memory_space<semaphore_mem>>) src(%dma_wait3A_357 : memref<128x32xf32, #tpu.memory_space<vmem>>) dst(%dma_wait3A_360 : memref<10000x32xf32, #tpu.memory_space<vmem_shared>>)
      } else {
      }
      %lt3A_196 = arith.constant 78 : i32
      %lt3A_197 = arith.cmpi slt, %add3A_190, %lt3A_196 : i32
      %convert_element_type3A_198 = arith.extui %lt3A_197 : i1 to i32
      %cond3A_199 = arith.constant 0 : i32
      %cond3A_200 = arith.cmpi ne, %convert_element_type3A_198, %cond3A_199 : i32
      scf.if %cond3A_200 {
        %mul3A_353 = arith.constant 128 : i32
        %mul3A_354 = arith.muli %add3A_190, %mul3A_353 : i32
        %add3A_355 = arith.addi %mul3A_2, %mul3A_354 : i32
        %dma_start3A_356 = tpu.memref_slice %arg3[%add3A_355] : memref<320000xi32, #tpu.memory_space<hbm>> -> memref<128xi32, #tpu.memory_space<hbm>>
        %dma_start3A_357 = tpu.memref_slice %arg3[%add3A_355] : memref<320000xi32, #tpu.memory_space<hbm>> -> memref<128xi32, #tpu.memory_space<hbm>>
        tpu.enqueue_dma source(%dma_start3A_357 : memref<128xi32, #tpu.memory_space<hbm>>) target(%arg18 : memref<128xi32, #tpu.memory_space<vmem>>) target_semaphore(%arg36 : memref<!tpu.dma_semaphore, #tpu.memory_space<semaphore_mem>>)
        %mul3A_358 = arith.constant 128 : i32
        %mul3A_359 = arith.muli %add3A_190, %mul3A_358 : i32
        %dma_start3A_360 = arith.constant 5 : i32
        %dma_start3A_361 = arith.constant 0 : i32
        %dma_start3A_362 = arith.constant 0 : i32
        %dma_start3A_363 = tpu.memref_slice %arg9[%dma_start3A_360, %dma_start3A_361, %dma_start3A_362] : memref<6x128x32xf32, #tpu.memory_space<vmem>> -> memref<1x128x32xf32, #tpu.memory_space<vmem>>
        %dma_start3A_364 = tpu.memref_squeeze %dma_start3A_363 : memref<1x128x32xf32, #tpu.memory_space<vmem>> -> memref<128x32xf32, #tpu.memory_space<vmem>>
        %dma_start3A_365 = tpu.memref_slice %arg8[%mul3A_359] : memref<10000xi32, #tpu.memory_space<vmem>> -> memref<128xi32, #tpu.memory_space<vmem>>
        %dma_start3A_366 = arith.constant 0 : i32
        %dma_start3A_367 = arith.constant 0 : i32
        %dma_start3A_368 = tpu.memref_slice %arg11[%dma_start3A_366, %dma_start3A_367] : memref<10000x32xf32, #tpu.memory_space<vmem_shared>> -> memref<10000x32xf32, #tpu.memory_space<vmem_shared>>
        tpu.enqueue_indirect_dma source(%dma_start3A_368 : memref<10000x32xf32, #tpu.memory_space<vmem_shared>>) target(%dma_start3A_364 : memref<128x32xf32, #tpu.memory_space<vmem>>) offsets(%dma_start3A_365 : memref<128xi32, #tpu.memory_space<vmem>>) semaphore(%arg24 : memref<!tpu.dma_semaphore, #tpu.memory_space<semaphore_mem>>)
      } else {
      }
      %add3A_201 = arith.constant 2 : i32
      %add3A_202 = arith.addi %mul3A_126, %add3A_201 : i32
      %mul3A_203 = arith.constant 128 : i32
      %mul3A_204 = arith.muli %add3A_202, %mul3A_203 : i32
      %dma_wait3A_205 = arith.constant 2 : i32
      %dma_wait3A_206 = arith.constant 0 : i32
      %dma_wait3A_207 = arith.constant 0 : i32
      %dma_wait3A_208 = tpu.memref_slice %arg9[%dma_wait3A_205, %dma_wait3A_206, %dma_wait3A_207] : memref<6x128x32xf32, #tpu.memory_space<vmem>> -> memref<1x128x32xf32, #tpu.memory_space<vmem>>
      %dma_wait3A_209 = tpu.memref_squeeze %dma_wait3A_208 : memref<1x128x32xf32, #tpu.memory_space<vmem>> -> memref<128x32xf32, #tpu.memory_space<vmem>>
      %dma_wait3A_210 = tpu.memref_slice %arg8[%mul3A_204] : memref<10000xi32, #tpu.memory_space<vmem>> -> memref<128xi32, #tpu.memory_space<vmem>>
      %dma_wait3A_211 = arith.constant 0 : i32
      %dma_wait3A_212 = arith.constant 0 : i32
      %dma_wait3A_213 = tpu.memref_slice %arg11[%dma_wait3A_211, %dma_wait3A_212] : memref<10000x32xf32, #tpu.memory_space<vmem_shared>> -> memref<10000x32xf32, #tpu.memory_space<vmem_shared>>
      tpu.wait_indirect_dma semaphore(%arg21 : memref<!tpu.dma_semaphore, #tpu.memory_space<semaphore_mem>>) src(%dma_wait3A_213 : memref<10000x32xf32, #tpu.memory_space<vmem_shared>>) dst(%dma_wait3A_209 : memref<128x32xf32, #tpu.memory_space<vmem>>)
      %mul3A_214 = arith.constant 128 : i32
      %mul3A_215 = arith.muli %add3A_202, %mul3A_214 : i32
      %add3A_216 = arith.addi %mul3A_2, %mul3A_215 : i32
      %dma_wait3A_217 = tpu.memref_slice %arg3[%add3A_216] : memref<320000xi32, #tpu.memory_space<hbm>> -> memref<128xi32, #tpu.memory_space<hbm>>
      %dma_wait3A_218 = tpu.memref_slice %arg3[%add3A_216] : memref<320000xi32, #tpu.memory_space<hbm>> -> memref<128xi32, #tpu.memory_space<hbm>>
      tpu.wait_dma2 semaphore(%arg33 : memref<!tpu.dma_semaphore, #tpu.memory_space<semaphore_mem>>) src(%dma_wait3A_218 : memref<128xi32, #tpu.memory_space<hbm>>) dst(%arg15 : memref<128xi32, #tpu.memory_space<vmem>>)
      %dma_start3A_219 = arith.constant 2 : i32
      %dma_start3A_220 = arith.constant 0 : i32
      %dma_start3A_221 = arith.constant 0 : i32
      %dma_start3A_222 = tpu.memref_slice %arg9[%dma_start3A_219, %dma_start3A_220, %dma_start3A_221] : memref<6x128x32xf32, #tpu.memory_space<vmem>> -> memref<1x128x32xf32, #tpu.memory_space<vmem>>
      %dma_start3A_223 = tpu.memref_squeeze %dma_start3A_222 : memref<1x128x32xf32, #tpu.memory_space<vmem>> -> memref<128x32xf32, #tpu.memory_space<vmem>>
      %dma_start3A_224 = arith.constant 0 : i32
      %dma_start3A_225 = arith.constant 0 : i32
      %dma_start3A_226 = tpu.memref_slice %arg10[%dma_start3A_224, %dma_start3A_225] : memref<10000x32xf32, #tpu.memory_space<vmem_shared>> -> memref<10000x32xf32, #tpu.memory_space<vmem_shared>>
      tpu.enqueue_indirect_dma source(%dma_start3A_223 : memref<128x32xf32, #tpu.memory_space<vmem>>) target(%dma_start3A_226 : memref<10000x32xf32, #tpu.memory_space<vmem_shared>>) offsets(%arg15 : memref<128xi32, #tpu.memory_space<vmem>>) semaphore(%arg27 : memref<!tpu.dma_semaphore, #tpu.memory_space<semaphore_mem>>) {add = true}
      %add3A_227 = arith.constant 4 : i32
      %add3A_228 = arith.addi %add3A_202, %add3A_227 : i32
      %ge3A_229 = arith.constant 6 : i32
      %ge3A_230 = arith.cmpi sge, %add3A_228, %ge3A_229 : i32
      %convert_element_type3A_231 = arith.extui %ge3A_230 : i1 to i32
      %cond3A_232 = arith.constant 0 : i32
      %cond3A_233 = arith.cmpi ne, %convert_element_type3A_231, %cond3A_232 : i32
      scf.if %cond3A_233 {
        %dma_wait3A_353 = arith.constant 0 : i32
        %dma_wait3A_354 = arith.constant 0 : i32
        %dma_wait3A_355 = arith.constant 0 : i32
        %dma_wait3A_356 = tpu.memref_slice %arg9[%dma_wait3A_353, %dma_wait3A_354, %dma_wait3A_355] : memref<6x128x32xf32, #tpu.memory_space<vmem>> -> memref<1x128x32xf32, #tpu.memory_space<vmem>>
        %dma_wait3A_357 = tpu.memref_squeeze %dma_wait3A_356 : memref<1x128x32xf32, #tpu.memory_space<vmem>> -> memref<128x32xf32, #tpu.memory_space<vmem>>
        %dma_wait3A_358 = arith.constant 0 : i32
        %dma_wait3A_359 = arith.constant 0 : i32
        %dma_wait3A_360 = tpu.memref_slice %arg10[%dma_wait3A_358, %dma_wait3A_359] : memref<10000x32xf32, #tpu.memory_space<vmem_shared>> -> memref<10000x32xf32, #tpu.memory_space<vmem_shared>>
        tpu.wait_indirect_dma semaphore(%arg25 : memref<!tpu.dma_semaphore, #tpu.memory_space<semaphore_mem>>) src(%dma_wait3A_357 : memref<128x32xf32, #tpu.memory_space<vmem>>) dst(%dma_wait3A_360 : memref<10000x32xf32, #tpu.memory_space<vmem_shared>>)
      } else {
      }
      %lt3A_234 = arith.constant 78 : i32
      %lt3A_235 = arith.cmpi slt, %add3A_228, %lt3A_234 : i32
      %convert_element_type3A_236 = arith.extui %lt3A_235 : i1 to i32
      %cond3A_237 = arith.constant 0 : i32
      %cond3A_238 = arith.cmpi ne, %convert_element_type3A_236, %cond3A_237 : i32
      scf.if %cond3A_238 {
        %mul3A_353 = arith.constant 128 : i32
        %mul3A_354 = arith.muli %add3A_228, %mul3A_353 : i32
        %add3A_355 = arith.addi %mul3A_2, %mul3A_354 : i32
        %dma_start3A_356 = tpu.memref_slice %arg3[%add3A_355] : memref<320000xi32, #tpu.memory_space<hbm>> -> memref<128xi32, #tpu.memory_space<hbm>>
        %dma_start3A_357 = tpu.memref_slice %arg3[%add3A_355] : memref<320000xi32, #tpu.memory_space<hbm>> -> memref<128xi32, #tpu.memory_space<hbm>>
        tpu.enqueue_dma source(%dma_start3A_357 : memref<128xi32, #tpu.memory_space<hbm>>) target(%arg13 : memref<128xi32, #tpu.memory_space<vmem>>) target_semaphore(%arg31 : memref<!tpu.dma_semaphore, #tpu.memory_space<semaphore_mem>>)
        %mul3A_358 = arith.constant 128 : i32
        %mul3A_359 = arith.muli %add3A_228, %mul3A_358 : i32
        %dma_start3A_360 = arith.constant 0 : i32
        %dma_start3A_361 = arith.constant 0 : i32
        %dma_start3A_362 = arith.constant 0 : i32
        %dma_start3A_363 = tpu.memref_slice %arg9[%dma_start3A_360, %dma_start3A_361, %dma_start3A_362] : memref<6x128x32xf32, #tpu.memory_space<vmem>> -> memref<1x128x32xf32, #tpu.memory_space<vmem>>
        %dma_start3A_364 = tpu.memref_squeeze %dma_start3A_363 : memref<1x128x32xf32, #tpu.memory_space<vmem>> -> memref<128x32xf32, #tpu.memory_space<vmem>>
        %dma_start3A_365 = tpu.memref_slice %arg8[%mul3A_359] : memref<10000xi32, #tpu.memory_space<vmem>> -> memref<128xi32, #tpu.memory_space<vmem>>
        %dma_start3A_366 = arith.constant 0 : i32
        %dma_start3A_367 = arith.constant 0 : i32
        %dma_start3A_368 = tpu.memref_slice %arg11[%dma_start3A_366, %dma_start3A_367] : memref<10000x32xf32, #tpu.memory_space<vmem_shared>> -> memref<10000x32xf32, #tpu.memory_space<vmem_shared>>
        tpu.enqueue_indirect_dma source(%dma_start3A_368 : memref<10000x32xf32, #tpu.memory_space<vmem_shared>>) target(%dma_start3A_364 : memref<128x32xf32, #tpu.memory_space<vmem>>) offsets(%dma_start3A_365 : memref<128xi32, #tpu.memory_space<vmem>>) semaphore(%arg19 : memref<!tpu.dma_semaphore, #tpu.memory_space<semaphore_mem>>)
      } else {
      }
      %add3A_239 = arith.constant 3 : i32
      %add3A_240 = arith.addi %mul3A_126, %add3A_239 : i32
      %mul3A_241 = arith.constant 128 : i32
      %mul3A_242 = arith.muli %add3A_240, %mul3A_241 : i32
      %dma_wait3A_243 = arith.constant 3 : i32
      %dma_wait3A_244 = arith.constant 0 : i32
      %dma_wait3A_245 = arith.constant 0 : i32
      %dma_wait3A_246 = tpu.memref_slice %arg9[%dma_wait3A_243, %dma_wait3A_244, %dma_wait3A_245] : memref<6x128x32xf32, #tpu.memory_space<vmem>> -> memref<1x128x32xf32, #tpu.memory_space<vmem>>
      %dma_wait3A_247 = tpu.memref_squeeze %dma_wait3A_246 : memref<1x128x32xf32, #tpu.memory_space<vmem>> -> memref<128x32xf32, #tpu.memory_space<vmem>>
      %dma_wait3A_248 = tpu.memref_slice %arg8[%mul3A_242] : memref<10000xi32, #tpu.memory_space<vmem>> -> memref<128xi32, #tpu.memory_space<vmem>>
      %dma_wait3A_249 = arith.constant 0 : i32
      %dma_wait3A_250 = arith.constant 0 : i32
      %dma_wait3A_251 = tpu.memref_slice %arg11[%dma_wait3A_249, %dma_wait3A_250] : memref<10000x32xf32, #tpu.memory_space<vmem_shared>> -> memref<10000x32xf32, #tpu.memory_space<vmem_shared>>
      tpu.wait_indirect_dma semaphore(%arg22 : memref<!tpu.dma_semaphore, #tpu.memory_space<semaphore_mem>>) src(%dma_wait3A_251 : memref<10000x32xf32, #tpu.memory_space<vmem_shared>>) dst(%dma_wait3A_247 : memref<128x32xf32, #tpu.memory_space<vmem>>)
      %mul3A_252 = arith.constant 128 : i32
      %mul3A_253 = arith.muli %add3A_240, %mul3A_252 : i32
      %add3A_254 = arith.addi %mul3A_2, %mul3A_253 : i32
      %dma_wait3A_255 = tpu.memref_slice %arg3[%add3A_254] : memref<320000xi32, #tpu.memory_space<hbm>> -> memref<128xi32, #tpu.memory_space<hbm>>
      %dma_wait3A_256 = tpu.memref_slice %arg3[%add3A_254] : memref<320000xi32, #tpu.memory_space<hbm>> -> memref<128xi32, #tpu.memory_space<hbm>>
      tpu.wait_dma2 semaphore(%arg34 : memref<!tpu.dma_semaphore, #tpu.memory_space<semaphore_mem>>) src(%dma_wait3A_256 : memref<128xi32, #tpu.memory_space<hbm>>) dst(%arg16 : memref<128xi32, #tpu.memory_space<vmem>>)
      %dma_start3A_257 = arith.constant 3 : i32
      %dma_start3A_258 = arith.constant 0 : i32
      %dma_start3A_259 = arith.constant 0 : i32
      %dma_start3A_260 = tpu.memref_slice %arg9[%dma_start3A_257, %dma_start3A_258, %dma_start3A_259] : memref<6x128x32xf32, #tpu.memory_space<vmem>> -> memref<1x128x32xf32, #tpu.memory_space<vmem>>
      %dma_start3A_261 = tpu.memref_squeeze %dma_start3A_260 : memref<1x128x32xf32, #tpu.memory_space<vmem>> -> memref<128x32xf32, #tpu.memory_space<vmem>>
      %dma_start3A_262 = arith.constant 0 : i32
      %dma_start3A_263 = arith.constant 0 : i32
      %dma_start3A_264 = tpu.memref_slice %arg10[%dma_start3A_262, %dma_start3A_263] : memref<10000x32xf32, #tpu.memory_space<vmem_shared>> -> memref<10000x32xf32, #tpu.memory_space<vmem_shared>>
      tpu.enqueue_indirect_dma source(%dma_start3A_261 : memref<128x32xf32, #tpu.memory_space<vmem>>) target(%dma_start3A_264 : memref<10000x32xf32, #tpu.memory_space<vmem_shared>>) offsets(%arg16 : memref<128xi32, #tpu.memory_space<vmem>>) semaphore(%arg28 : memref<!tpu.dma_semaphore, #tpu.memory_space<semaphore_mem>>) {add = true}
      %add3A_265 = arith.constant 4 : i32
      %add3A_266 = arith.addi %add3A_240, %add3A_265 : i32
      %ge3A_267 = arith.constant 6 : i32
      %ge3A_268 = arith.cmpi sge, %add3A_266, %ge3A_267 : i32
      %convert_element_type3A_269 = arith.extui %ge3A_268 : i1 to i32
      %cond3A_270 = arith.constant 0 : i32
      %cond3A_271 = arith.cmpi ne, %convert_element_type3A_269, %cond3A_270 : i32
      scf.if %cond3A_271 {
        %dma_wait3A_353 = arith.constant 1 : i32
        %dma_wait3A_354 = arith.constant 0 : i32
        %dma_wait3A_355 = arith.constant 0 : i32
        %dma_wait3A_356 = tpu.memref_slice %arg9[%dma_wait3A_353, %dma_wait3A_354, %dma_wait3A_355] : memref<6x128x32xf32, #tpu.memory_space<vmem>> -> memref<1x128x32xf32, #tpu.memory_space<vmem>>
        %dma_wait3A_357 = tpu.memref_squeeze %dma_wait3A_356 : memref<1x128x32xf32, #tpu.memory_space<vmem>> -> memref<128x32xf32, #tpu.memory_space<vmem>>
        %dma_wait3A_358 = arith.constant 0 : i32
        %dma_wait3A_359 = arith.constant 0 : i32
        %dma_wait3A_360 = tpu.memref_slice %arg10[%dma_wait3A_358, %dma_wait3A_359] : memref<10000x32xf32, #tpu.memory_space<vmem_shared>> -> memref<10000x32xf32, #tpu.memory_space<vmem_shared>>
        tpu.wait_indirect_dma semaphore(%arg26 : memref<!tpu.dma_semaphore, #tpu.memory_space<semaphore_mem>>) src(%dma_wait3A_357 : memref<128x32xf32, #tpu.memory_space<vmem>>) dst(%dma_wait3A_360 : memref<10000x32xf32, #tpu.memory_space<vmem_shared>>)
      } else {
      }
      %lt3A_272 = arith.constant 78 : i32
      %lt3A_273 = arith.cmpi slt, %add3A_266, %lt3A_272 : i32
      %convert_element_type3A_274 = arith.extui %lt3A_273 : i1 to i32
      %cond3A_275 = arith.constant 0 : i32
      %cond3A_276 = arith.cmpi ne, %convert_element_type3A_274, %cond3A_275 : i32
      scf.if %cond3A_276 {
        %mul3A_353 = arith.constant 128 : i32
        %mul3A_354 = arith.muli %add3A_266, %mul3A_353 : i32
        %add3A_355 = arith.addi %mul3A_2, %mul3A_354 : i32
        %dma_start3A_356 = tpu.memref_slice %arg3[%add3A_355] : memref<320000xi32, #tpu.memory_space<hbm>> -> memref<128xi32, #tpu.memory_space<hbm>>
        %dma_start3A_357 = tpu.memref_slice %arg3[%add3A_355] : memref<320000xi32, #tpu.memory_space<hbm>> -> memref<128xi32, #tpu.memory_space<hbm>>
        tpu.enqueue_dma source(%dma_start3A_357 : memref<128xi32, #tpu.memory_space<hbm>>) target(%arg14 : memref<128xi32, #tpu.memory_space<vmem>>) target_semaphore(%arg32 : memref<!tpu.dma_semaphore, #tpu.memory_space<semaphore_mem>>)
        %mul3A_358 = arith.constant 128 : i32
        %mul3A_359 = arith.muli %add3A_266, %mul3A_358 : i32
        %dma_start3A_360 = arith.constant 1 : i32
        %dma_start3A_361 = arith.constant 0 : i32
        %dma_start3A_362 = arith.constant 0 : i32
        %dma_start3A_363 = tpu.memref_slice %arg9[%dma_start3A_360, %dma_start3A_361, %dma_start3A_362] : memref<6x128x32xf32, #tpu.memory_space<vmem>> -> memref<1x128x32xf32, #tpu.memory_space<vmem>>
        %dma_start3A_364 = tpu.memref_squeeze %dma_start3A_363 : memref<1x128x32xf32, #tpu.memory_space<vmem>> -> memref<128x32xf32, #tpu.memory_space<vmem>>
        %dma_start3A_365 = tpu.memref_slice %arg8[%mul3A_359] : memref<10000xi32, #tpu.memory_space<vmem>> -> memref<128xi32, #tpu.memory_space<vmem>>
        %dma_start3A_366 = arith.constant 0 : i32
        %dma_start3A_367 = arith.constant 0 : i32
        %dma_start3A_368 = tpu.memref_slice %arg11[%dma_start3A_366, %dma_start3A_367] : memref<10000x32xf32, #tpu.memory_space<vmem_shared>> -> memref<10000x32xf32, #tpu.memory_space<vmem_shared>>
        tpu.enqueue_indirect_dma source(%dma_start3A_368 : memref<10000x32xf32, #tpu.memory_space<vmem_shared>>) target(%dma_start3A_364 : memref<128x32xf32, #tpu.memory_space<vmem>>) offsets(%dma_start3A_365 : memref<128xi32, #tpu.memory_space<vmem>>) semaphore(%arg20 : memref<!tpu.dma_semaphore, #tpu.memory_space<semaphore_mem>>)
      } else {
      }
      %add3A_277 = arith.constant 4 : i32
      %add3A_278 = arith.addi %mul3A_126, %add3A_277 : i32
      %mul3A_279 = arith.constant 128 : i32
      %mul3A_280 = arith.muli %add3A_278, %mul3A_279 : i32
      %dma_wait3A_281 = arith.constant 4 : i32
      %dma_wait3A_282 = arith.constant 0 : i32
      %dma_wait3A_283 = arith.constant 0 : i32
      %dma_wait3A_284 = tpu.memref_slice %arg9[%dma_wait3A_281, %dma_wait3A_282, %dma_wait3A_283] : memref<6x128x32xf32, #tpu.memory_space<vmem>> -> memref<1x128x32xf32, #tpu.memory_space<vmem>>
      %dma_wait3A_285 = tpu.memref_squeeze %dma_wait3A_284 : memref<1x128x32xf32, #tpu.memory_space<vmem>> -> memref<128x32xf32, #tpu.memory_space<vmem>>
      %dma_wait3A_286 = tpu.memref_slice %arg8[%mul3A_280] : memref<10000xi32, #tpu.memory_space<vmem>> -> memref<128xi32, #tpu.memory_space<vmem>>
      %dma_wait3A_287 = arith.constant 0 : i32
      %dma_wait3A_288 = arith.constant 0 : i32
      %dma_wait3A_289 = tpu.memref_slice %arg11[%dma_wait3A_287, %dma_wait3A_288] : memref<10000x32xf32, #tpu.memory_space<vmem_shared>> -> memref<10000x32xf32, #tpu.memory_space<vmem_shared>>
      tpu.wait_indirect_dma semaphore(%arg23 : memref<!tpu.dma_semaphore, #tpu.memory_space<semaphore_mem>>) src(%dma_wait3A_289 : memref<10000x32xf32, #tpu.memory_space<vmem_shared>>) dst(%dma_wait3A_285 : memref<128x32xf32, #tpu.memory_space<vmem>>)
      %mul3A_290 = arith.constant 128 : i32
      %mul3A_291 = arith.muli %add3A_278, %mul3A_290 : i32
      %add3A_292 = arith.addi %mul3A_2, %mul3A_291 : i32
      %dma_wait3A_293 = tpu.memref_slice %arg3[%add3A_292] : memref<320000xi32, #tpu.memory_space<hbm>> -> memref<128xi32, #tpu.memory_space<hbm>>
      %dma_wait3A_294 = tpu.memref_slice %arg3[%add3A_292] : memref<320000xi32, #tpu.memory_space<hbm>> -> memref<128xi32, #tpu.memory_space<hbm>>
      tpu.wait_dma2 semaphore(%arg35 : memref<!tpu.dma_semaphore, #tpu.memory_space<semaphore_mem>>) src(%dma_wait3A_294 : memref<128xi32, #tpu.memory_space<hbm>>) dst(%arg17 : memref<128xi32, #tpu.memory_space<vmem>>)
      %dma_start3A_295 = arith.constant 4 : i32
      %dma_start3A_296 = arith.constant 0 : i32
      %dma_start3A_297 = arith.constant 0 : i32
      %dma_start3A_298 = tpu.memref_slice %arg9[%dma_start3A_295, %dma_start3A_296, %dma_start3A_297] : memref<6x128x32xf32, #tpu.memory_space<vmem>> -> memref<1x128x32xf32, #tpu.memory_space<vmem>>
      %dma_start3A_299 = tpu.memref_squeeze %dma_start3A_298 : memref<1x128x32xf32, #tpu.memory_space<vmem>> -> memref<128x32xf32, #tpu.memory_space<vmem>>
      %dma_start3A_300 = arith.constant 0 : i32
      %dma_start3A_301 = arith.constant 0 : i32
      %dma_start3A_302 = tpu.memref_slice %arg10[%dma_start3A_300, %dma_start3A_301] : memref<10000x32xf32, #tpu.memory_space<vmem_shared>> -> memref<10000x32xf32, #tpu.memory_space<vmem_shared>>
      tpu.enqueue_indirect_dma source(%dma_start3A_299 : memref<128x32xf32, #tpu.memory_space<vmem>>) target(%dma_start3A_302 : memref<10000x32xf32, #tpu.memory_space<vmem_shared>>) offsets(%arg17 : memref<128xi32, #tpu.memory_space<vmem>>) semaphore(%arg29 : memref<!tpu.dma_semaphore, #tpu.memory_space<semaphore_mem>>) {add = true}
      %add3A_303 = arith.constant 4 : i32
      %add3A_304 = arith.addi %add3A_278, %add3A_303 : i32
      %ge3A_305 = arith.constant 6 : i32
      %ge3A_306 = arith.cmpi sge, %add3A_304, %ge3A_305 : i32
      %convert_element_type3A_307 = arith.extui %ge3A_306 : i1 to i32
      %cond3A_308 = arith.constant 0 : i32
      %cond3A_309 = arith.cmpi ne, %convert_element_type3A_307, %cond3A_308 : i32
      scf.if %cond3A_309 {
        %dma_wait3A_353 = arith.constant 2 : i32
        %dma_wait3A_354 = arith.constant 0 : i32
        %dma_wait3A_355 = arith.constant 0 : i32
        %dma_wait3A_356 = tpu.memref_slice %arg9[%dma_wait3A_353, %dma_wait3A_354, %dma_wait3A_355] : memref<6x128x32xf32, #tpu.memory_space<vmem>> -> memref<1x128x32xf32, #tpu.memory_space<vmem>>
        %dma_wait3A_357 = tpu.memref_squeeze %dma_wait3A_356 : memref<1x128x32xf32, #tpu.memory_space<vmem>> -> memref<128x32xf32, #tpu.memory_space<vmem>>
        %dma_wait3A_358 = arith.constant 0 : i32
        %dma_wait3A_359 = arith.constant 0 : i32
        %dma_wait3A_360 = tpu.memref_slice %arg10[%dma_wait3A_358, %dma_wait3A_359] : memref<10000x32xf32, #tpu.memory_space<vmem_shared>> -> memref<10000x32xf32, #tpu.memory_space<vmem_shared>>
        tpu.wait_indirect_dma semaphore(%arg27 : memref<!tpu.dma_semaphore, #tpu.memory_space<semaphore_mem>>) src(%dma_wait3A_357 : memref<128x32xf32, #tpu.memory_space<vmem>>) dst(%dma_wait3A_360 : memref<10000x32xf32, #tpu.memory_space<vmem_shared>>)
      } else {
      }
      %lt3A_310 = arith.constant 78 : i32
      %lt3A_311 = arith.cmpi slt, %add3A_304, %lt3A_310 : i32
      %convert_element_type3A_312 = arith.extui %lt3A_311 : i1 to i32
      %cond3A_313 = arith.constant 0 : i32
      %cond3A_314 = arith.cmpi ne, %convert_element_type3A_312, %cond3A_313 : i32
      scf.if %cond3A_314 {
        %mul3A_353 = arith.constant 128 : i32
        %mul3A_354 = arith.muli %add3A_304, %mul3A_353 : i32
        %add3A_355 = arith.addi %mul3A_2, %mul3A_354 : i32
        %dma_start3A_356 = tpu.memref_slice %arg3[%add3A_355] : memref<320000xi32, #tpu.memory_space<hbm>> -> memref<128xi32, #tpu.memory_space<hbm>>
        %dma_start3A_357 = tpu.memref_slice %arg3[%add3A_355] : memref<320000xi32, #tpu.memory_space<hbm>> -> memref<128xi32, #tpu.memory_space<hbm>>
        tpu.enqueue_dma source(%dma_start3A_357 : memref<128xi32, #tpu.memory_space<hbm>>) target(%arg15 : memref<128xi32, #tpu.memory_space<vmem>>) target_semaphore(%arg33 : memref<!tpu.dma_semaphore, #tpu.memory_space<semaphore_mem>>)
        %mul3A_358 = arith.constant 128 : i32
        %mul3A_359 = arith.muli %add3A_304, %mul3A_358 : i32
        %dma_start3A_360 = arith.constant 2 : i32
        %dma_start3A_361 = arith.constant 0 : i32
        %dma_start3A_362 = arith.constant 0 : i32
        %dma_start3A_363 = tpu.memref_slice %arg9[%dma_start3A_360, %dma_start3A_361, %dma_start3A_362] : memref<6x128x32xf32, #tpu.memory_space<vmem>> -> memref<1x128x32xf32, #tpu.memory_space<vmem>>
        %dma_start3A_364 = tpu.memref_squeeze %dma_start3A_363 : memref<1x128x32xf32, #tpu.memory_space<vmem>> -> memref<128x32xf32, #tpu.memory_space<vmem>>
        %dma_start3A_365 = tpu.memref_slice %arg8[%mul3A_359] : memref<10000xi32, #tpu.memory_space<vmem>> -> memref<128xi32, #tpu.memory_space<vmem>>
        %dma_start3A_366 = arith.constant 0 : i32
        %dma_start3A_367 = arith.constant 0 : i32
        %dma_start3A_368 = tpu.memref_slice %arg11[%dma_start3A_366, %dma_start3A_367] : memref<10000x32xf32, #tpu.memory_space<vmem_shared>> -> memref<10000x32xf32, #tpu.memory_space<vmem_shared>>
        tpu.enqueue_indirect_dma source(%dma_start3A_368 : memref<10000x32xf32, #tpu.memory_space<vmem_shared>>) target(%dma_start3A_364 : memref<128x32xf32, #tpu.memory_space<vmem>>) offsets(%dma_start3A_365 : memref<128xi32, #tpu.memory_space<vmem>>) semaphore(%arg21 : memref<!tpu.dma_semaphore, #tpu.memory_space<semaphore_mem>>)
      } else {
      }
      %add3A_315 = arith.constant 5 : i32
      %add3A_316 = arith.addi %mul3A_126, %add3A_315 : i32
      %mul3A_317 = arith.constant 128 : i32
      %mul3A_318 = arith.muli %add3A_316, %mul3A_317 : i32
      %dma_wait3A_319 = arith.constant 5 : i32
      %dma_wait3A_320 = arith.constant 0 : i32
      %dma_wait3A_321 = arith.constant 0 : i32
      %dma_wait3A_322 = tpu.memref_slice %arg9[%dma_wait3A_319, %dma_wait3A_320, %dma_wait3A_321] : memref<6x128x32xf32, #tpu.memory_space<vmem>> -> memref<1x128x32xf32, #tpu.memory_space<vmem>>
      %dma_wait3A_323 = tpu.memref_squeeze %dma_wait3A_322 : memref<1x128x32xf32, #tpu.memory_space<vmem>> -> memref<128x32xf32, #tpu.memory_space<vmem>>
      %dma_wait3A_324 = tpu.memref_slice %arg8[%mul3A_318] : memref<10000xi32, #tpu.memory_space<vmem>> -> memref<128xi32, #tpu.memory_space<vmem>>
      %dma_wait3A_325 = arith.constant 0 : i32
      %dma_wait3A_326 = arith.constant 0 : i32
      %dma_wait3A_327 = tpu.memref_slice %arg11[%dma_wait3A_325, %dma_wait3A_326] : memref<10000x32xf32, #tpu.memory_space<vmem_shared>> -> memref<10000x32xf32, #tpu.memory_space<vmem_shared>>
      tpu.wait_indirect_dma semaphore(%arg24 : memref<!tpu.dma_semaphore, #tpu.memory_space<semaphore_mem>>) src(%dma_wait3A_327 : memref<10000x32xf32, #tpu.memory_space<vmem_shared>>) dst(%dma_wait3A_323 : memref<128x32xf32, #tpu.memory_space<vmem>>)
      %mul3A_328 = arith.constant 128 : i32
      %mul3A_329 = arith.muli %add3A_316, %mul3A_328 : i32
      %add3A_330 = arith.addi %mul3A_2, %mul3A_329 : i32
      %dma_wait3A_331 = tpu.memref_slice %arg3[%add3A_330] : memref<320000xi32, #tpu.memory_space<hbm>> -> memref<128xi32, #tpu.memory_space<hbm>>
      %dma_wait3A_332 = tpu.memref_slice %arg3[%add3A_330] : memref<320000xi32, #tpu.memory_space<hbm>> -> memref<128xi32, #tpu.memory_space<hbm>>
      tpu.wait_dma2 semaphore(%arg36 : memref<!tpu.dma_semaphore, #tpu.memory_space<semaphore_mem>>) src(%dma_wait3A_332 : memref<128xi32, #tpu.memory_space<hbm>>) dst(%arg18 : memref<128xi32, #tpu.memory_space<vmem>>)
      %dma_start3A_333 = arith.constant 5 : i32
      %dma_start3A_334 = arith.constant 0 : i32
      %dma_start3A_335 = arith.constant 0 : i32
      %dma_start3A_336 = tpu.memref_slice %arg9[%dma_start3A_333, %dma_start3A_334, %dma_start3A_335] : memref<6x128x32xf32, #tpu.memory_space<vmem>> -> memref<1x128x32xf32, #tpu.memory_space<vmem>>
      %dma_start3A_337 = tpu.memref_squeeze %dma_start3A_336 : memref<1x128x32xf32, #tpu.memory_space<vmem>> -> memref<128x32xf32, #tpu.memory_space<vmem>>
      %dma_start3A_338 = arith.constant 0 : i32
      %dma_start3A_339 = arith.constant 0 : i32
      %dma_start3A_340 = tpu.memref_slice %arg10[%dma_start3A_338, %dma_start3A_339] : memref<10000x32xf32, #tpu.memory_space<vmem_shared>> -> memref<10000x32xf32, #tpu.memory_space<vmem_shared>>
      tpu.enqueue_indirect_dma source(%dma_start3A_337 : memref<128x32xf32, #tpu.memory_space<vmem>>) target(%dma_start3A_340 : memref<10000x32xf32, #tpu.memory_space<vmem_shared>>) offsets(%arg18 : memref<128xi32, #tpu.memory_space<vmem>>) semaphore(%arg30 : memref<!tpu.dma_semaphore, #tpu.memory_space<semaphore_mem>>) {add = true}
      %add3A_341 = arith.constant 4 : i32
      %add3A_342 = arith.addi %add3A_316, %add3A_341 : i32
      %ge3A_343 = arith.constant 6 : i32
      %ge3A_344 = arith.cmpi sge, %add3A_342, %ge3A_343 : i32
      %convert_element_type3A_345 = arith.extui %ge3A_344 : i1 to i32
      %cond3A_346 = arith.constant 0 : i32
      %cond3A_347 = arith.cmpi ne, %convert_element_type3A_345, %cond3A_346 : i32
      scf.if %cond3A_347 {
        %dma_wait3A_353 = arith.constant 3 : i32
        %dma_wait3A_354 = arith.constant 0 : i32
        %dma_wait3A_355 = arith.constant 0 : i32
        %dma_wait3A_356 = tpu.memref_slice %arg9[%dma_wait3A_353, %dma_wait3A_354, %dma_wait3A_355] : memref<6x128x32xf32, #tpu.memory_space<vmem>> -> memref<1x128x32xf32, #tpu.memory_space<vmem>>
        %dma_wait3A_357 = tpu.memref_squeeze %dma_wait3A_356 : memref<1x128x32xf32, #tpu.memory_space<vmem>> -> memref<128x32xf32, #tpu.memory_space<vmem>>
        %dma_wait3A_358 = arith.constant 0 : i32
        %dma_wait3A_359 = arith.constant 0 : i32
        %dma_wait3A_360 = tpu.memref_slice %arg10[%dma_wait3A_358, %dma_wait3A_359] : memref<10000x32xf32, #tpu.memory_space<vmem_shared>> -> memref<10000x32xf32, #tpu.memory_space<vmem_shared>>
        tpu.wait_indirect_dma semaphore(%arg28 : memref<!tpu.dma_semaphore, #tpu.memory_space<semaphore_mem>>) src(%dma_wait3A_357 : memref<128x32xf32, #tpu.memory_space<vmem>>) dst(%dma_wait3A_360 : memref<10000x32xf32, #tpu.memory_space<vmem_shared>>)
      } else {
      }
      %lt3A_348 = arith.constant 78 : i32
      %lt3A_349 = arith.cmpi slt, %add3A_342, %lt3A_348 : i32
      %convert_element_type3A_350 = arith.extui %lt3A_349 : i1 to i32
      %cond3A_351 = arith.constant 0 : i32
      %cond3A_352 = arith.cmpi ne, %convert_element_type3A_350, %cond3A_351 : i32
      scf.if %cond3A_352 {
        %mul3A_353 = arith.constant 128 : i32
        %mul3A_354 = arith.muli %add3A_342, %mul3A_353 : i32
        %add3A_355 = arith.addi %mul3A_2, %mul3A_354 : i32
        %dma_start3A_356 = tpu.memref_slice %arg3[%add3A_355] : memref<320000xi32, #tpu.memory_space<hbm>> -> memref<128xi32, #tpu.memory_space<hbm>>
        %dma_start3A_357 = tpu.memref_slice %arg3[%add3A_355] : memref<320000xi32, #tpu.memory_space<hbm>> -> memref<128xi32, #tpu.memory_space<hbm>>
        tpu.enqueue_dma source(%dma_start3A_357 : memref<128xi32, #tpu.memory_space<hbm>>) target(%arg16 : memref<128xi32, #tpu.memory_space<vmem>>) target_semaphore(%arg34 : memref<!tpu.dma_semaphore, #tpu.memory_space<semaphore_mem>>)
        %mul3A_358 = arith.constant 128 : i32
        %mul3A_359 = arith.muli %add3A_342, %mul3A_358 : i32
        %dma_start3A_360 = arith.constant 3 : i32
        %dma_start3A_361 = arith.constant 0 : i32
        %dma_start3A_362 = arith.constant 0 : i32
        %dma_start3A_363 = tpu.memref_slice %arg9[%dma_start3A_360, %dma_start3A_361, %dma_start3A_362] : memref<6x128x32xf32, #tpu.memory_space<vmem>> -> memref<1x128x32xf32, #tpu.memory_space<vmem>>
        %dma_start3A_364 = tpu.memref_squeeze %dma_start3A_363 : memref<1x128x32xf32, #tpu.memory_space<vmem>> -> memref<128x32xf32, #tpu.memory_space<vmem>>
        %dma_start3A_365 = tpu.memref_slice %arg8[%mul3A_359] : memref<10000xi32, #tpu.memory_space<vmem>> -> memref<128xi32, #tpu.memory_space<vmem>>
        %dma_start3A_366 = arith.constant 0 : i32
        %dma_start3A_367 = arith.constant 0 : i32
        %dma_start3A_368 = tpu.memref_slice %arg11[%dma_start3A_366, %dma_start3A_367] : memref<10000x32xf32, #tpu.memory_space<vmem_shared>> -> memref<10000x32xf32, #tpu.memory_space<vmem_shared>>
        tpu.enqueue_indirect_dma source(%dma_start3A_368 : memref<10000x32xf32, #tpu.memory_space<vmem_shared>>) target(%dma_start3A_364 : memref<128x32xf32, #tpu.memory_space<vmem>>) offsets(%dma_start3A_365 : memref<128xi32, #tpu.memory_space<vmem>>) semaphore(%arg22 : memref<!tpu.dma_semaphore, #tpu.memory_space<semaphore_mem>>)
      } else {
      }
    }
    %scan3A_71 = arith.constant 13 : i32
    %dma_wait3A = arith.constant 4 : i32
    %dma_wait3A_72 = arith.constant 0 : i32
    %dma_wait3A_73 = arith.constant 0 : i32
    %dma_wait3A_74 = tpu.memref_slice %arg9[%dma_wait3A, %dma_wait3A_72, %dma_wait3A_73] : memref<6x128x32xf32, #tpu.memory_space<vmem>> -> memref<1x128x32xf32, #tpu.memory_space<vmem>>
    %dma_wait3A_75 = tpu.memref_squeeze %dma_wait3A_74 : memref<1x128x32xf32, #tpu.memory_space<vmem>> -> memref<128x32xf32, #tpu.memory_space<vmem>>
    %dma_wait3A_76 = arith.constant 0 : i32
    %dma_wait3A_77 = arith.constant 0 : i32
    %dma_wait3A_78 = tpu.memref_slice %arg10[%dma_wait3A_76, %dma_wait3A_77] : memref<10000x32xf32, #tpu.memory_space<vmem_shared>> -> memref<10000x32xf32, #tpu.memory_space<vmem_shared>>
    tpu.wait_indirect_dma semaphore(%arg29 : memref<!tpu.dma_semaphore, #tpu.memory_space<semaphore_mem>>) src(%dma_wait3A_75 : memref<128x32xf32, #tpu.memory_space<vmem>>) dst(%dma_wait3A_78 : memref<10000x32xf32, #tpu.memory_space<vmem_shared>>)
    %dma_wait3A_79 = arith.constant 5 : i32
    %dma_wait3A_80 = arith.constant 0 : i32
    %dma_wait3A_81 = arith.constant 0 : i32
    %dma_wait3A_82 = tpu.memref_slice %arg9[%dma_wait3A_79, %dma_wait3A_80, %dma_wait3A_81] : memref<6x128x32xf32, #tpu.memory_space<vmem>> -> memref<1x128x32xf32, #tpu.memory_space<vmem>>
    %dma_wait3A_83 = tpu.memref_squeeze %dma_wait3A_82 : memref<1x128x32xf32, #tpu.memory_space<vmem>> -> memref<128x32xf32, #tpu.memory_space<vmem>>
    %dma_wait3A_84 = arith.constant 0 : i32
    %dma_wait3A_85 = arith.constant 0 : i32
    %dma_wait3A_86 = tpu.memref_slice %arg10[%dma_wait3A_84, %dma_wait3A_85] : memref<10000x32xf32, #tpu.memory_space<vmem_shared>> -> memref<10000x32xf32, #tpu.memory_space<vmem_shared>>
    tpu.wait_indirect_dma semaphore(%arg30 : memref<!tpu.dma_semaphore, #tpu.memory_space<semaphore_mem>>) src(%dma_wait3A_83 : memref<128x32xf32, #tpu.memory_space<vmem>>) dst(%dma_wait3A_86 : memref<10000x32xf32, #tpu.memory_space<vmem_shared>>)
    %add3A_87 = arith.constant 9984 : i32
    %add3A_88 = arith.addi %mul3A_2, %add3A_87 : i32
    "tpu.region"() ({
      %run_scoped3A_120 = tpu.sem_alloc : memref<!tpu.dma_semaphore, #tpu.memory_space<semaphore_mem>>
      %dma_start3A_121 = tpu.memref_slice %arg3[%add3A_88] : memref<320000xi32, #tpu.memory_space<hbm>> -> memref<16xi32, #tpu.memory_space<hbm>>
      %dma_start3A_122 = tpu.memref_slice %arg3[%add3A_88] : memref<320000xi32, #tpu.memory_space<hbm>> -> memref<16xi32, #tpu.memory_space<hbm>>
      tpu.enqueue_dma source(%dma_start3A_122 : memref<16xi32, #tpu.memory_space<hbm>>) target(%arg12 : memref<16xi32, #tpu.memory_space<vmem>>) target_semaphore(%run_scoped3A_120 : memref<!tpu.dma_semaphore, #tpu.memory_space<semaphore_mem>>)
      %dma_wait3A_123 = tpu.memref_slice %arg3[%add3A_88] : memref<320000xi32, #tpu.memory_space<hbm>> -> memref<16xi32, #tpu.memory_space<hbm>>
      %dma_wait3A_124 = tpu.memref_slice %arg3[%add3A_88] : memref<320000xi32, #tpu.memory_space<hbm>> -> memref<16xi32, #tpu.memory_space<hbm>>
      tpu.wait_dma2 semaphore(%run_scoped3A_120 : memref<!tpu.dma_semaphore, #tpu.memory_space<semaphore_mem>>) src(%dma_wait3A_124 : memref<16xi32, #tpu.memory_space<hbm>>) dst(%arg12 : memref<16xi32, #tpu.memory_space<vmem>>)
      tpu.yield
    }) : () -> ()
    %dma_start3A_89 = arith.constant 0 : i32
    %dma_start3A_90 = arith.constant 0 : i32
    %dma_start3A_91 = arith.constant 0 : i32
    %dma_start3A_92 = tpu.memref_slice %arg9[%dma_start3A_89, %dma_start3A_90, %dma_start3A_91] : memref<6x128x32xf32, #tpu.memory_space<vmem>> -> memref<1x16x32xf32, #tpu.memory_space<vmem>>
    %dma_start3A_93 = tpu.memref_squeeze %dma_start3A_92 : memref<1x16x32xf32, #tpu.memory_space<vmem>> -> memref<16x32xf32, #tpu.memory_space<vmem>>
    %dma_start3A_94 = arith.constant 9984 : i32
    %dma_start3A_95 = tpu.memref_slice %arg8[%dma_start3A_94] : memref<10000xi32, #tpu.memory_space<vmem>> -> memref<16xi32, #tpu.memory_space<vmem>>
    %dma_start3A_96 = arith.constant 0 : i32
    %dma_start3A_97 = arith.constant 0 : i32
    %dma_start3A_98 = tpu.memref_slice %arg11[%dma_start3A_96, %dma_start3A_97] : memref<10000x32xf32, #tpu.memory_space<vmem_shared>> -> memref<10000x32xf32, #tpu.memory_space<vmem_shared>>
    tpu.enqueue_indirect_dma source(%dma_start3A_98 : memref<10000x32xf32, #tpu.memory_space<vmem_shared>>) target(%dma_start3A_93 : memref<16x32xf32, #tpu.memory_space<vmem>>) offsets(%dma_start3A_95 : memref<16xi32, #tpu.memory_space<vmem>>) semaphore(%arg19 : memref<!tpu.dma_semaphore, #tpu.memory_space<semaphore_mem>>)
    %dma_wait3A_99 = arith.constant 0 : i32
    %dma_wait3A_100 = arith.constant 0 : i32
    %dma_wait3A_101 = arith.constant 0 : i32
    %dma_wait3A_102 = tpu.memref_slice %arg9[%dma_wait3A_99, %dma_wait3A_100, %dma_wait3A_101] : memref<6x128x32xf32, #tpu.memory_space<vmem>> -> memref<1x16x32xf32, #tpu.memory_space<vmem>>
    %dma_wait3A_103 = tpu.memref_squeeze %dma_wait3A_102 : memref<1x16x32xf32, #tpu.memory_space<vmem>> -> memref<16x32xf32, #tpu.memory_space<vmem>>
    %dma_wait3A_104 = arith.constant 9984 : i32
    %dma_wait3A_105 = tpu.memref_slice %arg8[%dma_wait3A_104] : memref<10000xi32, #tpu.memory_space<vmem>> -> memref<16xi32, #tpu.memory_space<vmem>>
    %dma_wait3A_106 = arith.constant 0 : i32
    %dma_wait3A_107 = arith.constant 0 : i32
    %dma_wait3A_108 = tpu.memref_slice %arg11[%dma_wait3A_106, %dma_wait3A_107] : memref<10000x32xf32, #tpu.memory_space<vmem_shared>> -> memref<10000x32xf32, #tpu.memory_space<vmem_shared>>
    tpu.wait_indirect_dma semaphore(%arg19 : memref<!tpu.dma_semaphore, #tpu.memory_space<semaphore_mem>>) src(%dma_wait3A_108 : memref<10000x32xf32, #tpu.memory_space<vmem_shared>>) dst(%dma_wait3A_103 : memref<16x32xf32, #tpu.memory_space<vmem>>)
    %run_scoped3A = arith.constant 0 : i32
    "tpu.region"() ({
      %run_scoped3A_120 = tpu.sem_alloc : memref<!tpu.dma_semaphore, #tpu.memory_space<semaphore_mem>>
      %dma_start3A_121 = arith.constant 0 : i32
      %dma_start3A_122 = arith.constant 0 : i32
      %dma_start3A_123 = tpu.memref_slice %arg9[%run_scoped3A, %dma_start3A_121, %dma_start3A_122] : memref<6x128x32xf32, #tpu.memory_space<vmem>> -> memref<1x16x32xf32, #tpu.memory_space<vmem>>
      %dma_start3A_124 = tpu.memref_squeeze %dma_start3A_123 : memref<1x16x32xf32, #tpu.memory_space<vmem>> -> memref<16x32xf32, #tpu.memory_space<vmem>>
      %dma_start3A_125 = arith.constant 0 : i32
      %dma_start3A_126 = arith.constant 0 : i32
      %dma_start3A_127 = tpu.memref_slice %arg10[%dma_start3A_125, %dma_start3A_126] : memref<10000x32xf32, #tpu.memory_space<vmem_shared>> -> memref<10000x32xf32, #tpu.memory_space<vmem_shared>>
      tpu.enqueue_indirect_dma source(%dma_start3A_124 : memref<16x32xf32, #tpu.memory_space<vmem>>) target(%dma_start3A_127 : memref<10000x32xf32, #tpu.memory_space<vmem_shared>>) offsets(%arg12 : memref<16xi32, #tpu.memory_space<vmem>>) semaphore(%run_scoped3A_120 : memref<!tpu.dma_semaphore, #tpu.memory_space<semaphore_mem>>) {add = true}
      %dma_wait3A_128 = arith.constant 0 : i32
      %dma_wait3A_129 = arith.constant 0 : i32
      %dma_wait3A_130 = tpu.memref_slice %arg9[%run_scoped3A, %dma_wait3A_128, %dma_wait3A_129] : memref<6x128x32xf32, #tpu.memory_space<vmem>> -> memref<1x16x32xf32, #tpu.memory_space<vmem>>
      %dma_wait3A_131 = tpu.memref_squeeze %dma_wait3A_130 : memref<1x16x32xf32, #tpu.memory_space<vmem>> -> memref<16x32xf32, #tpu.memory_space<vmem>>
      %dma_wait3A_132 = arith.constant 0 : i32
      %dma_wait3A_133 = arith.constant 0 : i32
      %dma_wait3A_134 = tpu.memref_slice %arg10[%dma_wait3A_132, %dma_wait3A_133] : memref<10000x32xf32, #tpu.memory_space<vmem_shared>> -> memref<10000x32xf32, #tpu.memory_space<vmem_shared>>
      tpu.wait_indirect_dma semaphore(%run_scoped3A_120 : memref<!tpu.dma_semaphore, #tpu.memory_space<semaphore_mem>>) src(%dma_wait3A_131 : memref<16x32xf32, #tpu.memory_space<vmem>>) dst(%dma_wait3A_134 : memref<10000x32xf32, #tpu.memory_space<vmem_shared>>)
      tpu.yield
    }) : () -> ()
    %barrier3A_109 = arith.constant 0 : index
    tpu.barrier barrier_id(%barrier3A_109)
    %eq3A_110 = arith.constant 0 : i32
    %eq3A_111 = arith.cmpi eq, %arg0, %eq3A_110 : i32
    %convert_element_type3A_112 = arith.extui %eq3A_111 : i1 to i32
    %cond3A_113 = arith.constant 0 : i32
    %cond3A_114 = arith.cmpi ne, %convert_element_type3A_112, %cond3A_113 : i32
    scf.if %cond3A_114 {
      %mul3A_120 = arith.constant 624 : i32
      %mul3A_121 = arith.muli %arg1, %mul3A_120 : i32
      %mul3A_122 = arith.constant 624 : i32
      %mul3A_123 = arith.muli %arg1, %mul3A_122 : i32
      "tpu.region"() ({
        %run_scoped3A_129 = tpu.sem_alloc : memref<!tpu.dma_semaphore, #tpu.memory_space<semaphore_mem>>
        %dma_start3A_130 = arith.constant 0 : i32
        %dma_start3A_131 = tpu.memref_slice %arg6[%mul3A_123, %dma_start3A_130] : memref<10000x32xf32, #tpu.memory_space<hbm>> -> memref<624x32xf32, #tpu.memory_space<hbm>>
        %dma_start3A_132 = arith.constant 0 : i32
        %dma_start3A_133 = tpu.memref_slice %arg10[%mul3A_121, %dma_start3A_132] : memref<10000x32xf32, #tpu.memory_space<vmem_shared>> -> memref<624x32xf32, #tpu.memory_space<vmem_shared>>
        tpu.enqueue_dma source(%dma_start3A_133 : memref<624x32xf32, #tpu.memory_space<vmem_shared>>) target(%dma_start3A_131 : memref<624x32xf32, #tpu.memory_space<hbm>>) target_semaphore(%run_scoped3A_129 : memref<!tpu.dma_semaphore, #tpu.memory_space<semaphore_mem>>)
        %dma_wait3A_134 = arith.constant 0 : i32
        %dma_wait3A_135 = tpu.memref_slice %arg6[%mul3A_123, %dma_wait3A_134] : memref<10000x32xf32, #tpu.memory_space<hbm>> -> memref<624x32xf32, #tpu.memory_space<hbm>>
        %dma_wait3A_136 = arith.constant 0 : i32
        %dma_wait3A_137 = tpu.memref_slice %arg10[%mul3A_121, %dma_wait3A_136] : memref<10000x32xf32, #tpu.memory_space<vmem_shared>> -> memref<624x32xf32, #tpu.memory_space<vmem_shared>>
        tpu.wait_dma2 semaphore(%run_scoped3A_129 : memref<!tpu.dma_semaphore, #tpu.memory_space<semaphore_mem>>) src(%dma_wait3A_137 : memref<624x32xf32, #tpu.memory_space<vmem_shared>>) dst(%dma_wait3A_135 : memref<624x32xf32, #tpu.memory_space<hbm>>)
        tpu.yield
      }) : () -> ()
      %eq3A_124 = arith.constant 15 : i32
      %eq3A_125 = arith.cmpi eq, %arg1, %eq3A_124 : i32
      %convert_element_type3A_126 = arith.extui %eq3A_125 : i1 to i32
      %cond3A_127 = arith.constant 0 : i32
      %cond3A_128 = arith.cmpi ne, %convert_element_type3A_126, %cond3A_127 : i32
      scf.if %cond3A_128 {
        "tpu.region"() ({
          %run_scoped3A_129 = tpu.sem_alloc : memref<!tpu.dma_semaphore, #tpu.memory_space<semaphore_mem>>
          %dma_start3A_130 = arith.constant 9984 : i32
          %dma_start3A_131 = arith.constant 0 : i32
          %dma_start3A_132 = tpu.memref_slice %arg6[%dma_start3A_130, %dma_start3A_131] : memref<10000x32xf32, #tpu.memory_space<hbm>> -> memref<16x32xf32, #tpu.memory_space<hbm>>
          %dma_start3A_133 = arith.constant 9984 : i32
          %dma_start3A_134 = arith.constant 0 : i32
          %dma_start3A_135 = tpu.memref_slice %arg10[%dma_start3A_133, %dma_start3A_134] : memref<10000x32xf32, #tpu.memory_space<vmem_shared>> -> memref<16x32xf32, #tpu.memory_space<vmem_shared>>
          tpu.enqueue_dma source(%dma_start3A_135 : memref<16x32xf32, #tpu.memory_space<vmem_shared>>) target(%dma_start3A_132 : memref<16x32xf32, #tpu.memory_space<hbm>>) target_semaphore(%run_scoped3A_129 : memref<!tpu.dma_semaphore, #tpu.memory_space<semaphore_mem>>)
          %dma_wait3A_136 = arith.constant 9984 : i32
          %dma_wait3A_137 = arith.constant 0 : i32
          %dma_wait3A_138 = tpu.memref_slice %arg6[%dma_wait3A_136, %dma_wait3A_137] : memref<10000x32xf32, #tpu.memory_space<hbm>> -> memref<16x32xf32, #tpu.memory_space<hbm>>
          %dma_wait3A_139 = arith.constant 9984 : i32
          %dma_wait3A_140 = arith.constant 0 : i32
          %dma_wait3A_141 = tpu.memref_slice %arg10[%dma_wait3A_139, %dma_wait3A_140] : memref<10000x32xf32, #tpu.memory_space<vmem_shared>> -> memref<16x32xf32, #tpu.memory_space<vmem_shared>>
          tpu.wait_dma2 semaphore(%run_scoped3A_129 : memref<!tpu.dma_semaphore, #tpu.memory_space<semaphore_mem>>) src(%dma_wait3A_141 : memref<16x32xf32, #tpu.memory_space<vmem_shared>>) dst(%dma_wait3A_138 : memref<16x32xf32, #tpu.memory_space<hbm>>)
          tpu.yield
        }) : () -> ()
      } else {
      }
    } else {
    }
    %eq3A_115 = arith.constant 1 : i32
    %eq3A_116 = arith.cmpi eq, %arg0, %eq3A_115 : i32
    %convert_element_type3A_117 = arith.extui %eq3A_116 : i1 to i32
    %cond3A_118 = arith.constant 0 : i32
    %cond3A_119 = arith.cmpi ne, %convert_element_type3A_117, %cond3A_118 : i32
    scf.if %cond3A_119 {
      %mul3A_120 = arith.constant 624 : i32
      %mul3A_121 = arith.muli %arg1, %mul3A_120 : i32
      %mul3A_122 = arith.constant 624 : i32
      %mul3A_123 = arith.muli %arg1, %mul3A_122 : i32
      "tpu.region"() ({
        %run_scoped3A_129 = tpu.sem_alloc : memref<!tpu.dma_semaphore, #tpu.memory_space<semaphore_mem>>
        %dma_start3A_130 = arith.constant 0 : i32
        %dma_start3A_131 = tpu.memref_slice %arg7[%mul3A_123, %dma_start3A_130] : memref<10000x32xf32, #tpu.memory_space<hbm>> -> memref<624x32xf32, #tpu.memory_space<hbm>>
        %dma_start3A_132 = arith.constant 0 : i32
        %dma_start3A_133 = tpu.memref_slice %arg10[%mul3A_121, %dma_start3A_132] : memref<10000x32xf32, #tpu.memory_space<vmem_shared>> -> memref<624x32xf32, #tpu.memory_space<vmem_shared>>
        tpu.enqueue_dma source(%dma_start3A_133 : memref<624x32xf32, #tpu.memory_space<vmem_shared>>) target(%dma_start3A_131 : memref<624x32xf32, #tpu.memory_space<hbm>>) target_semaphore(%run_scoped3A_129 : memref<!tpu.dma_semaphore, #tpu.memory_space<semaphore_mem>>)
        %dma_wait3A_134 = arith.constant 0 : i32
        %dma_wait3A_135 = tpu.memref_slice %arg7[%mul3A_123, %dma_wait3A_134] : memref<10000x32xf32, #tpu.memory_space<hbm>> -> memref<624x32xf32, #tpu.memory_space<hbm>>
        %dma_wait3A_136 = arith.constant 0 : i32
        %dma_wait3A_137 = tpu.memref_slice %arg10[%mul3A_121, %dma_wait3A_136] : memref<10000x32xf32, #tpu.memory_space<vmem_shared>> -> memref<624x32xf32, #tpu.memory_space<vmem_shared>>
        tpu.wait_dma2 semaphore(%run_scoped3A_129 : memref<!tpu.dma_semaphore, #tpu.memory_space<semaphore_mem>>) src(%dma_wait3A_137 : memref<624x32xf32, #tpu.memory_space<vmem_shared>>) dst(%dma_wait3A_135 : memref<624x32xf32, #tpu.memory_space<hbm>>)
        tpu.yield
      }) : () -> ()
      %eq3A_124 = arith.constant 15 : i32
      %eq3A_125 = arith.cmpi eq, %arg1, %eq3A_124 : i32
      %convert_element_type3A_126 = arith.extui %eq3A_125 : i1 to i32
      %cond3A_127 = arith.constant 0 : i32
      %cond3A_128 = arith.cmpi ne, %convert_element_type3A_126, %cond3A_127 : i32
      scf.if %cond3A_128 {
        "tpu.region"() ({
          %run_scoped3A_129 = tpu.sem_alloc : memref<!tpu.dma_semaphore, #tpu.memory_space<semaphore_mem>>
          %dma_start3A_130 = arith.constant 9984 : i32
          %dma_start3A_131 = arith.constant 0 : i32
          %dma_start3A_132 = tpu.memref_slice %arg7[%dma_start3A_130, %dma_start3A_131] : memref<10000x32xf32, #tpu.memory_space<hbm>> -> memref<16x32xf32, #tpu.memory_space<hbm>>
          %dma_start3A_133 = arith.constant 9984 : i32
          %dma_start3A_134 = arith.constant 0 : i32
          %dma_start3A_135 = tpu.memref_slice %arg10[%dma_start3A_133, %dma_start3A_134] : memref<10000x32xf32, #tpu.memory_space<vmem_shared>> -> memref<16x32xf32, #tpu.memory_space<vmem_shared>>
          tpu.enqueue_dma source(%dma_start3A_135 : memref<16x32xf32, #tpu.memory_space<vmem_shared>>) target(%dma_start3A_132 : memref<16x32xf32, #tpu.memory_space<hbm>>) target_semaphore(%run_scoped3A_129 : memref<!tpu.dma_semaphore, #tpu.memory_space<semaphore_mem>>)
          %dma_wait3A_136 = arith.constant 9984 : i32
          %dma_wait3A_137 = arith.constant 0 : i32
          %dma_wait3A_138 = tpu.memref_slice %arg7[%dma_wait3A_136, %dma_wait3A_137] : memref<10000x32xf32, #tpu.memory_space<hbm>> -> memref<16x32xf32, #tpu.memory_space<hbm>>
          %dma_wait3A_139 = arith.constant 9984 : i32
          %dma_wait3A_140 = arith.constant 0 : i32
          %dma_wait3A_141 = tpu.memref_slice %arg10[%dma_wait3A_139, %dma_wait3A_140] : memref<10000x32xf32, #tpu.memory_space<vmem_shared>> -> memref<16x32xf32, #tpu.memory_space<vmem_shared>>
          tpu.wait_dma2 semaphore(%run_scoped3A_129 : memref<!tpu.dma_semaphore, #tpu.memory_space<semaphore_mem>>) src(%dma_wait3A_141 : memref<16x32xf32, #tpu.memory_space<vmem_shared>>) dst(%dma_wait3A_138 : memref<16x32xf32, #tpu.memory_space<hbm>>)
          tpu.yield
        }) : () -> ()
      } else {
      }
    } else {
    }
    return
  }
}

#map = affine_map<(d0, d1) -> (0, 0)>
#map1 = affine_map<(d0, d1) -> (0)>
module attributes {stable_mosaic.version = 14 : i64} {
  func.func @_spmm_sc(%arg0: i32, %arg1: i32, %arg2: memref<10000x32xf32, #tpu.memory_space<hbm>>, %arg3: memref<320000xi32, #tpu.memory_space<hbm>>, %arg4: memref<320000xi32, #tpu.memory_space<hbm>>, %arg5: memref<10000x32xf32, #tpu.memory_space<hbm>>, %arg6: memref<10000x32xf32, #tpu.memory_space<hbm>>, %arg7: memref<10000x32xf32, #tpu.memory_space<hbm>>, %arg8: memref<10000xi32, #tpu.memory_space<vmem>>, %arg9: memref<6x128x32xf32, #tpu.memory_space<vmem>>, %arg10: memref<10000x32xf32, #tpu.memory_space<vmem_shared>>, %arg11: memref<10000x32xf32, #tpu.memory_space<vmem_shared>>, %arg12: memref<16xi32, #tpu.memory_space<vmem>>, %arg13: memref<128xi32, #tpu.memory_space<vmem>>, %arg14: memref<128xi32, #tpu.memory_space<vmem>>, %arg15: memref<128xi32, #tpu.memory_space<vmem>>, %arg16: memref<128xi32, #tpu.memory_space<vmem>>, %arg17: memref<128xi32, #tpu.memory_space<vmem>>, %arg18: memref<128xi32, #tpu.memory_space<vmem>>, %arg19: memref<!tpu.dma_semaphore, #tpu.memory_space<semaphore_mem>>, %arg20: memref<!tpu.dma_semaphore, #tpu.memory_space<semaphore_mem>>, %arg21: memref<!tpu.dma_semaphore, #tpu.memory_space<semaphore_mem>>, %arg22: memref<!tpu.dma_semaphore, #tpu.memory_space<semaphore_mem>>, %arg23: memref<!tpu.dma_semaphore, #tpu.memory_space<semaphore_mem>>, %arg24: memref<!tpu.dma_semaphore, #tpu.memory_space<semaphore_mem>>, %arg25: memref<!tpu.dma_semaphore, #tpu.memory_space<semaphore_mem>>, %arg26: memref<!tpu.dma_semaphore, #tpu.memory_space<semaphore_mem>>, %arg27: memref<!tpu.dma_semaphore, #tpu.memory_space<semaphore_mem>>, %arg28: memref<!tpu.dma_semaphore, #tpu.memory_space<semaphore_mem>>, %arg29: memref<!tpu.dma_semaphore, #tpu.memory_space<semaphore_mem>>, %arg30: memref<!tpu.dma_semaphore, #tpu.memory_space<semaphore_mem>>, %arg31: memref<!tpu.dma_semaphore, #tpu.memory_space<semaphore_mem>>, %arg32: memref<!tpu.dma_semaphore, #tpu.memory_space<semaphore_mem>>, %arg33: memref<!tpu.dma_semaphore, #tpu.memory_space<semaphore_mem>>, %arg34: memref<!tpu.dma_semaphore, #tpu.memory_space<semaphore_mem>>, %arg35: memref<!tpu.dma_semaphore, #tpu.memory_space<semaphore_mem>>, %arg36: memref<!tpu.dma_semaphore, #tpu.memory_space<semaphore_mem>>) attributes {dimension_semantics = [#tpu.dimension_semantics<core_parallel>, #tpu.dimension_semantics<subcore_parallel>], iteration_bounds = array<i64: 2, 16>, scalar_prefetch = 0 : i64, scratch_operands = 29 : i64, tpu.core_type = #tpu.core_type<sc_vector_subcore>, window_params = [{transform_indices = #map}, {transform_indices = #map1}, {transform_indices = #map1}, {transform_indices = #map}, {transform_indices = #map}, {transform_indices = #map}]} {
    %mul3A = arith.constant 2 : i32
    %mul3A_0 = arith.muli %arg1, %mul3A : i32
    %add3A = arith.addi %mul3A_0, %arg0 : i32
    %mul3A_1 = arith.constant 10000 : i32
    %mul3A_2 = arith.muli %add3A, %mul3A_1 : i32
    "tpu.region"() ({
      %run_scoped3A_120 = tpu.sem_alloc : memref<!tpu.dma_semaphore, #tpu.memory_space<semaphore_mem>>
      %dma_start3A_121 = tpu.memref_slice %arg4[%mul3A_2] : memref<320000xi32, #tpu.memory_space<hbm>> -> memref<10000xi32, #tpu.memory_space<hbm>>
      %dma_start3A_122 = tpu.memref_slice %arg4[%mul3A_2] : memref<320000xi32, #tpu.memory_space<hbm>> -> memref<10000xi32, #tpu.memory_space<hbm>>
      tpu.enqueue_dma source(%dma_start3A_122 : memref<10000xi32, #tpu.memory_space<hbm>>) target(%arg8 : memref<10000xi32, #tpu.memory_space<vmem>>) target_semaphore(%run_scoped3A_120 : memref<!tpu.dma_semaphore, #tpu.memory_space<semaphore_mem>>)
      %dma_wait3A_123 = tpu.memref_slice %arg4[%mul3A_2] : memref<320000xi32, #tpu.memory_space<hbm>> -> memref<10000xi32, #tpu.memory_space<hbm>>
      %dma_wait3A_124 = tpu.memref_slice %arg4[%mul3A_2] : memref<320000xi32, #tpu.memory_space<hbm>> -> memref<10000xi32, #tpu.memory_space<hbm>>
      tpu.wait_dma2 semaphore(%run_scoped3A_120 : memref<!tpu.dma_semaphore, #tpu.memory_space<semaphore_mem>>) src(%dma_wait3A_124 : memref<10000xi32, #tpu.memory_space<hbm>>) dst(%arg8 : memref<10000xi32, #tpu.memory_space<vmem>>)
      tpu.yield
    }) : () -> ()
    %mul3A_3 = arith.constant 624 : i32
    %mul3A_4 = arith.muli %arg1, %mul3A_3 : i32
    %mul3A_5 = arith.constant 624 : i32
    %mul3A_6 = arith.muli %arg1, %mul3A_5 : i32
    "tpu.region"() ({
      %run_scoped3A_120 = tpu.sem_alloc : memref<!tpu.dma_semaphore, #tpu.memory_space<semaphore_mem>>
      %dma_start3A_121 = arith.constant 0 : i32
      %dma_start3A_122 = tpu.memref_slice %arg10[%mul3A_6, %dma_start3A_121] : memref<10000x32xf32, #tpu.memory_space<vmem_shared>> -> memref<624x32xf32, #tpu.memory_space<vmem_shared>>
      %dma_start3A_123 = arith.constant 0 : i32
      %dma_start3A_124 = tpu.memref_slice %arg5[%mul3A_4, %dma_start3A_123] : memref<10000x32xf32, #tpu.memory_space<hbm>> -> memref<624x32xf32, #tpu.memory_space<hbm>>
      tpu.enqueue_dma source(%dma_start3A_124 : memref<624x32xf32, #tpu.memory_space<hbm>>) target(%dma_start3A_122 : memref<624x32xf32, #tpu.memory_space<vmem_shared>>) target_semaphore(%run_scoped3A_120 : memref<!tpu.dma_semaphore, #tpu.memory_space<semaphore_mem>>)
      %dma_wait3A_125 = arith.constant 0 : i32
      %dma_wait3A_126 = tpu.memref_slice %arg10[%mul3A_6, %dma_wait3A_125] : memref<10000x32xf32, #tpu.memory_space<vmem_shared>> -> memref<624x32xf32, #tpu.memory_space<vmem_shared>>
      %dma_wait3A_127 = arith.constant 0 : i32
      %dma_wait3A_128 = tpu.memref_slice %arg5[%mul3A_4, %dma_wait3A_127] : memref<10000x32xf32, #tpu.memory_space<hbm>> -> memref<624x32xf32, #tpu.memory_space<hbm>>
      tpu.wait_dma2 semaphore(%run_scoped3A_120 : memref<!tpu.dma_semaphore, #tpu.memory_space<semaphore_mem>>) src(%dma_wait3A_128 : memref<624x32xf32, #tpu.memory_space<hbm>>) dst(%dma_wait3A_126 : memref<624x32xf32, #tpu.memory_space<vmem_shared>>)
      tpu.yield
    }) : () -> ()
    %mul3A_7 = arith.constant 624 : i32
    %mul3A_8 = arith.muli %arg1, %mul3A_7 : i32
    %mul3A_9 = arith.constant 624 : i32
    %mul3A_10 = arith.muli %arg1, %mul3A_9 : i32
    "tpu.region"() ({
      %run_scoped3A_120 = tpu.sem_alloc : memref<!tpu.dma_semaphore, #tpu.memory_space<semaphore_mem>>
      %dma_start3A_121 = arith.constant 0 : i32
      %dma_start3A_122 = tpu.memref_slice %arg11[%mul3A_10, %dma_start3A_121] : memref<10000x32xf32, #tpu.memory_space<vmem_shared>> -> memref<624x32xf32, #tpu.memory_space<vmem_shared>>
      %dma_start3A_123 = arith.constant 0 : i32
      %dma_start3A_124 = tpu.memref_slice %arg2[%mul3A_8, %dma_start3A_123] : memref<10000x32xf32, #tpu.memory_space<hbm>> -> memref<624x32xf32, #tpu.memory_space<hbm>>
      tpu.enqueue_dma source(%dma_start3A_124 : memref<624x32xf32, #tpu.memory_space<hbm>>) target(%dma_start3A_122 : memref<624x32xf32, #tpu.memory_space<vmem_shared>>) target_semaphore(%run_scoped3A_120 : memref<!tpu.dma_semaphore, #tpu.memory_space<semaphore_mem>>)
      %dma_wait3A_125 = arith.constant 0 : i32
      %dma_wait3A_126 = tpu.memref_slice %arg11[%mul3A_10, %dma_wait3A_125] : memref<10000x32xf32, #tpu.memory_space<vmem_shared>> -> memref<624x32xf32, #tpu.memory_space<vmem_shared>>
      %dma_wait3A_127 = arith.constant 0 : i32
      %dma_wait3A_128 = tpu.memref_slice %arg2[%mul3A_8, %dma_wait3A_127] : memref<10000x32xf32, #tpu.memory_space<hbm>> -> memref<624x32xf32, #tpu.memory_space<hbm>>
      tpu.wait_dma2 semaphore(%run_scoped3A_120 : memref<!tpu.dma_semaphore, #tpu.memory_space<semaphore_mem>>) src(%dma_wait3A_128 : memref<624x32xf32, #tpu.memory_space<hbm>>) dst(%dma_wait3A_126 : memref<624x32xf32, #tpu.memory_space<vmem_shared>>)
      tpu.yield
    }) : () -> ()
    %eq3A = arith.constant 15 : i32
    %eq3A_11 = arith.cmpi eq, %arg1, %eq3A : i32
    %convert_element_type3A = arith.extui %eq3A_11 : i1 to i32
    %cond3A = arith.constant 0 : i32
    %cond3A_12 = arith.cmpi ne, %convert_element_type3A, %cond3A : i32
    scf.if %cond3A_12 {
      "tpu.region"() ({
        %run_scoped3A_120 = tpu.sem_alloc : memref<!tpu.dma_semaphore, #tpu.memory_space<semaphore_mem>>
        %dma_start3A_121 = arith.constant 9984 : i32
        %dma_start3A_122 = arith.constant 0 : i32
        %dma_start3A_123 = tpu.memref_slice %arg10[%dma_start3A_121, %dma_start3A_122] : memref<10000x32xf32, #tpu.memory_space<vmem_shared>> -> memref<16x32xf32, #tpu.memory_space<vmem_shared>>
        %dma_start3A_124 = arith.constant 9984 : i32
        %dma_start3A_125 = arith.constant 0 : i32
        %dma_start3A_126 = tpu.memref_slice %arg5[%dma_start3A_124, %dma_start3A_125] : memref<10000x32xf32, #tpu.memory_space<hbm>> -> memref<16x32xf32, #tpu.memory_space<hbm>>
        tpu.enqueue_dma source(%dma_start3A_126 : memref<16x32xf32, #tpu.memory_space<hbm>>) target(%dma_start3A_123 : memref<16x32xf32, #tpu.memory_space<vmem_shared>>) target_semaphore(%run_scoped3A_120 : memref<!tpu.dma_semaphore, #tpu.memory_space<semaphore_mem>>)
        %dma_wait3A_127 = arith.constant 9984 : i32
        %dma_wait3A_128 = arith.constant 0 : i32
        %dma_wait3A_129 = tpu.memref_slice %arg10[%dma_wait3A_127, %dma_wait3A_128] : memref<10000x32xf32, #tpu.memory_space<vmem_shared>> -> memref<16x32xf32, #tpu.memory_space<vmem_shared>>
        %dma_wait3A_130 = arith.constant 9984 : i32
        %dma_wait3A_131 = arith.constant 0 : i32
        %dma_wait3A_132 = tpu.memref_slice %arg5[%dma_wait3A_130, %dma_wait3A_131] : memref<10000x32xf32, #tpu.memory_space<hbm>> -> memref<16x32xf32, #tpu.memory_space<hbm>>
        tpu.wait_dma2 semaphore(%run_scoped3A_120 : memref<!tpu.dma_semaphore, #tpu.memory_space<semaphore_mem>>) src(%dma_wait3A_132 : memref<16x32xf32, #tpu.memory_space<hbm>>) dst(%dma_wait3A_129 : memref<16x32xf32, #tpu.memory_space<vmem_shared>>)
        tpu.yield
      }) : () -> ()
      "tpu.region"() ({
        %run_scoped3A_120 = tpu.sem_alloc : memref<!tpu.dma_semaphore, #tpu.memory_space<semaphore_mem>>
        %dma_start3A_121 = arith.constant 9984 : i32
        %dma_start3A_122 = arith.constant 0 : i32
        %dma_start3A_123 = tpu.memref_slice %arg11[%dma_start3A_121, %dma_start3A_122] : memref<10000x32xf32, #tpu.memory_space<vmem_shared>> -> memref<16x32xf32, #tpu.memory_space<vmem_shared>>
        %dma_start3A_124 = arith.constant 9984 : i32
        %dma_start3A_125 = arith.constant 0 : i32
        %dma_start3A_126 = tpu.memref_slice %arg2[%dma_start3A_124, %dma_start3A_125] : memref<10000x32xf32, #tpu.memory_space<hbm>> -> memref<16x32xf32, #tpu.memory_space<hbm>>
        tpu.enqueue_dma source(%dma_start3A_126 : memref<16x32xf32, #tpu.memory_space<hbm>>) target(%dma_start3A_123 : memref<16x32xf32, #tpu.memory_space<vmem_shared>>) target_semaphore(%run_scoped3A_120 : memref<!tpu.dma_semaphore, #tpu.memory_space<semaphore_mem>>)
        %dma_wait3A_127 = arith.constant 9984 : i32
        %dma_wait3A_128 = arith.constant 0 : i32
        %dma_wait3A_129 = tpu.memref_slice %arg11[%dma_wait3A_127, %dma_wait3A_128] : memref<10000x32xf32, #tpu.memory_space<vmem_shared>> -> memref<16x32xf32, #tpu.memory_space<vmem_shared>>
        %dma_wait3A_130 = arith.constant 9984 : i32
        %dma_wait3A_131 = arith.constant 0 : i32
        %dma_wait3A_132 = tpu.memref_slice %arg2[%dma_wait3A_130, %dma_wait3A_131] : memref<10000x32xf32, #tpu.memory_space<hbm>> -> memref<16x32xf32, #tpu.memory_space<hbm>>
        tpu.wait_dma2 semaphore(%run_scoped3A_120 : memref<!tpu.dma_semaphore, #tpu.memory_space<semaphore_mem>>) src(%dma_wait3A_132 : memref<16x32xf32, #tpu.memory_space<hbm>>) dst(%dma_wait3A_129 : memref<16x32xf32, #tpu.memory_space<vmem_shared>>)
        tpu.yield
      }) : () -> ()
    } else {
    }
    %barrier3A = arith.constant 0 : index
    tpu.barrier barrier_id(%barrier3A)
    %add3A_13 = arith.constant 0 : i32
    %add3A_14 = arith.addi %mul3A_2, %add3A_13 : i32
    %dma_start3A = tpu.memref_slice %arg3[%add3A_14] : memref<320000xi32, #tpu.memory_space<hbm>> -> memref<128xi32, #tpu.memory_space<hbm>>
    %dma_start3A_15 = tpu.memref_slice %arg3[%add3A_14] : memref<320000xi32, #tpu.memory_space<hbm>> -> memref<128xi32, #tpu.memory_space<hbm>>
    tpu.enqueue_dma source(%dma_start3A_15 : memref<128xi32, #tpu.memory_space<hbm>>) target(%arg13 : memref<128xi32, #tpu.memory_space<vmem>>) target_semaphore(%arg31 : memref<!tpu.dma_semaphore, #tpu.memory_space<semaphore_mem>>)
    %dma_start3A_16 = arith.constant 0 : i32
    %dma_start3A_17 = arith.constant 0 : i32
    %dma_start3A_18 = arith.constant 0 : i32
    %dma_start3A_19 = tpu.memref_slice %arg9[%dma_start3A_16, %dma_start3A_17, %dma_start3A_18] : memref<6x128x32xf32, #tpu.memory_space<vmem>> -> memref<1x128x32xf32, #tpu.memory_space<vmem>>
    %dma_start3A_20 = tpu.memref_squeeze %dma_start3A_19 : memref<1x128x32xf32, #tpu.memory_space<vmem>> -> memref<128x32xf32, #tpu.memory_space<vmem>>
    %dma_start3A_21 = arith.constant 0 : i32
    %dma_start3A_22 = tpu.memref_slice %arg8[%dma_start3A_21] : memref<10000xi32, #tpu.memory_space<vmem>> -> memref<128xi32, #tpu.memory_space<vmem>>
    %dma_start3A_23 = arith.constant 0 : i32
    %dma_start3A_24 = arith.constant 0 : i32
    %dma_start3A_25 = tpu.memref_slice %arg11[%dma_start3A_23, %dma_start3A_24] : memref<10000x32xf32, #tpu.memory_space<vmem_shared>> -> memref<10000x32xf32, #tpu.memory_space<vmem_shared>>
    tpu.enqueue_indirect_dma source(%dma_start3A_25 : memref<10000x32xf32, #tpu.memory_space<vmem_shared>>) target(%dma_start3A_20 : memref<128x32xf32, #tpu.memory_space<vmem>>) offsets(%dma_start3A_22 : memref<128xi32, #tpu.memory_space<vmem>>) semaphore(%arg19 : memref<!tpu.dma_semaphore, #tpu.memory_space<semaphore_mem>>)
    %add3A_26 = arith.constant 128 : i32
    %add3A_27 = arith.addi %mul3A_2, %add3A_26 : i32
    %dma_start3A_28 = tpu.memref_slice %arg3[%add3A_27] : memref<320000xi32, #tpu.memory_space<hbm>> -> memref<128xi32, #tpu.memory_space<hbm>>
    %dma_start3A_29 = tpu.memref_slice %arg3[%add3A_27] : memref<320000xi32, #tpu.memory_space<hbm>> -> memref<128xi32, #tpu.memory_space<hbm>>
    tpu.enqueue_dma source(%dma_start3A_29 : memref<128xi32, #tpu.memory_space<hbm>>) target(%arg14 : memref<128xi32, #tpu.memory_space<vmem>>) target_semaphore(%arg32 : memref<!tpu.dma_semaphore, #tpu.memory_space<semaphore_mem>>)
    %dma_start3A_30 = arith.constant 1 : i32
    %dma_start3A_31 = arith.constant 0 : i32
    %dma_start3A_32 = arith.constant 0 : i32
    %dma_start3A_33 = tpu.memref_slice %arg9[%dma_start3A_30, %dma_start3A_31, %dma_start3A_32] : memref<6x128x32xf32, #tpu.memory_space<vmem>> -> memref<1x128x32xf32, #tpu.memory_space<vmem>>
    %dma_start3A_34 = tpu.memref_squeeze %dma_start3A_33 : memref<1x128x32xf32, #tpu.memory_space<vmem>> -> memref<128x32xf32, #tpu.memory_space<vmem>>
    %dma_start3A_35 = arith.constant 128 : i32
    %dma_start3A_36 = tpu.memref_slice %arg8[%dma_start3A_35] : memref<10000xi32, #tpu.memory_space<vmem>> -> memref<128xi32, #tpu.memory_space<vmem>>
    %dma_start3A_37 = arith.constant 0 : i32
    %dma_start3A_38 = arith.constant 0 : i32
    %dma_start3A_39 = tpu.memref_slice %arg11[%dma_start3A_37, %dma_start3A_38] : memref<10000x32xf32, #tpu.memory_space<vmem_shared>> -> memref<10000x32xf32, #tpu.memory_space<vmem_shared>>
    tpu.enqueue_indirect_dma source(%dma_start3A_39 : memref<10000x32xf32, #tpu.memory_space<vmem_shared>>) target(%dma_start3A_34 : memref<128x32xf32, #tpu.memory_space<vmem>>) offsets(%dma_start3A_36 : memref<128xi32, #tpu.memory_space<vmem>>) semaphore(%arg20 : memref<!tpu.dma_semaphore, #tpu.memory_space<semaphore_mem>>)
    %add3A_40 = arith.constant 256 : i32
    %add3A_41 = arith.addi %mul3A_2, %add3A_40 : i32
    %dma_start3A_42 = tpu.memref_slice %arg3[%add3A_41] : memref<320000xi32, #tpu.memory_space<hbm>> -> memref<128xi32, #tpu.memory_space<hbm>>
    %dma_start3A_43 = tpu.memref_slice %arg3[%add3A_41] : memref<320000xi32, #tpu.memory_space<hbm>> -> memref<128xi32, #tpu.memory_space<hbm>>
    tpu.enqueue_dma source(%dma_start3A_43 : memref<128xi32, #tpu.memory_space<hbm>>) target(%arg15 : memref<128xi32, #tpu.memory_space<vmem>>) target_semaphore(%arg33 : memref<!tpu.dma_semaphore, #tpu.memory_space<semaphore_mem>>)
    %dma_start3A_44 = arith.constant 2 : i32
    %dma_start3A_45 = arith.constant 0 : i32
    %dma_start3A_46 = arith.constant 0 : i32
    %dma_start3A_47 = tpu.memref_slice %arg9[%dma_start3A_44, %dma_start3A_45, %dma_start3A_46] : memref<6x128x32xf32, #tpu.memory_space<vmem>> -> memref<1x128x32xf32, #tpu.memory_space<vmem>>
    %dma_start3A_48 = tpu.memref_squeeze %dma_start3A_47 : memref<1x128x32xf32, #tpu.memory_space<vmem>> -> memref<128x32xf32, #tpu.memory_space<vmem>>
    %dma_start3A_49 = arith.constant 256 : i32
    %dma_start3A_50 = tpu.memref_slice %arg8[%dma_start3A_49] : memref<10000xi32, #tpu.memory_space<vmem>> -> memref<128xi32, #tpu.memory_space<vmem>>
    %dma_start3A_51 = arith.constant 0 : i32
    %dma_start3A_52 = arith.constant 0 : i32
    %dma_start3A_53 = tpu.memref_slice %arg11[%dma_start3A_51, %dma_start3A_52] : memref<10000x32xf32, #tpu.memory_space<vmem_shared>> -> memref<10000x32xf32, #tpu.memory_space<vmem_shared>>
    tpu.enqueue_indirect_dma source(%dma_start3A_53 : memref<10000x32xf32, #tpu.memory_space<vmem_shared>>) target(%dma_start3A_48 : memref<128x32xf32, #tpu.memory_space<vmem>>) offsets(%dma_start3A_50 : memref<128xi32, #tpu.memory_space<vmem>>) semaphore(%arg21 : memref<!tpu.dma_semaphore, #tpu.memory_space<semaphore_mem>>)
    %add3A_54 = arith.constant 384 : i32
    %add3A_55 = arith.addi %mul3A_2, %add3A_54 : i32
    %dma_start3A_56 = tpu.memref_slice %arg3[%add3A_55] : memref<320000xi32, #tpu.memory_space<hbm>> -> memref<128xi32, #tpu.memory_space<hbm>>
    %dma_start3A_57 = tpu.memref_slice %arg3[%add3A_55] : memref<320000xi32, #tpu.memory_space<hbm>> -> memref<128xi32, #tpu.memory_space<hbm>>
    tpu.enqueue_dma source(%dma_start3A_57 : memref<128xi32, #tpu.memory_space<hbm>>) target(%arg16 : memref<128xi32, #tpu.memory_space<vmem>>) target_semaphore(%arg34 : memref<!tpu.dma_semaphore, #tpu.memory_space<semaphore_mem>>)
    %dma_start3A_58 = arith.constant 3 : i32
    %dma_start3A_59 = arith.constant 0 : i32
    %dma_start3A_60 = arith.constant 0 : i32
    %dma_start3A_61 = tpu.memref_slice %arg9[%dma_start3A_58, %dma_start3A_59, %dma_start3A_60] : memref<6x128x32xf32, #tpu.memory_space<vmem>> -> memref<1x128x32xf32, #tpu.memory_space<vmem>>
    %dma_start3A_62 = tpu.memref_squeeze %dma_start3A_61 : memref<1x128x32xf32, #tpu.memory_space<vmem>> -> memref<128x32xf32, #tpu.memory_space<vmem>>
    %dma_start3A_63 = arith.constant 384 : i32
    %dma_start3A_64 = tpu.memref_slice %arg8[%dma_start3A_63] : memref<10000xi32, #tpu.memory_space<vmem>> -> memref<128xi32, #tpu.memory_space<vmem>>
    %dma_start3A_65 = arith.constant 0 : i32
    %dma_start3A_66 = arith.constant 0 : i32
    %dma_start3A_67 = tpu.memref_slice %arg11[%dma_start3A_65, %dma_start3A_66] : memref<10000x32xf32, #tpu.memory_space<vmem_shared>> -> memref<10000x32xf32, #tpu.memory_space<vmem_shared>>
    tpu.enqueue_indirect_dma source(%dma_start3A_67 : memref<10000x32xf32, #tpu.memory_space<vmem_shared>>) target(%dma_start3A_62 : memref<128x32xf32, #tpu.memory_space<vmem>>) offsets(%dma_start3A_64 : memref<128xi32, #tpu.memory_space<vmem>>) semaphore(%arg22 : memref<!tpu.dma_semaphore, #tpu.memory_space<semaphore_mem>>)
    %scan3A = arith.constant 0 : i32
    %scan3A_68 = arith.constant 13 : i32
    %scan3A_69 = arith.addi %scan3A, %scan3A_68 : i32
    %scan3A_70 = arith.constant 1 : i32
    scf.for %scan3A_120 = %scan3A to %scan3A_69 step %scan3A_70  : i32 {
      %mul3A_121 = arith.constant 1 : i32
      %mul3A_122 = arith.muli %scan3A_120, %mul3A_121 : i32
      %add3A_123 = arith.constant 0 : i32
      %add3A_124 = arith.addi %add3A_123, %mul3A_122 : i32
      %mul3A_125 = arith.constant 6 : i32
      %mul3A_126 = arith.muli %add3A_124, %mul3A_125 : i32
      %add3A_127 = arith.constant 0 : i32
      %add3A_128 = arith.addi %mul3A_126, %add3A_127 : i32
      %mul3A_129 = arith.constant 128 : i32
      %mul3A_130 = arith.muli %add3A_128, %mul3A_129 : i32
      %dma_wait3A_131 = arith.constant 0 : i32
      %dma_wait3A_132 = arith.constant 0 : i32
      %dma_wait3A_133 = arith.constant 0 : i32
      %dma_wait3A_134 = tpu.memref_slice %arg9[%dma_wait3A_131, %dma_wait3A_132, %dma_wait3A_133] : memref<6x128x32xf32, #tpu.memory_space<vmem>> -> memref<1x128x32xf32, #tpu.memory_space<vmem>>
      %dma_wait3A_135 = tpu.memref_squeeze %dma_wait3A_134 : memref<1x128x32xf32, #tpu.memory_space<vmem>> -> memref<128x32xf32, #tpu.memory_space<vmem>>
      %dma_wait3A_136 = tpu.memref_slice %arg8[%mul3A_130] : memref<10000xi32, #tpu.memory_space<vmem>> -> memref<128xi32, #tpu.memory_space<vmem>>
      %dma_wait3A_137 = arith.constant 0 : i32
      %dma_wait3A_138 = arith.constant 0 : i32
      %dma_wait3A_139 = tpu.memref_slice %arg11[%dma_wait3A_137, %dma_wait3A_138] : memref<10000x32xf32, #tpu.memory_space<vmem_shared>> -> memref<10000x32xf32, #tpu.memory_space<vmem_shared>>
      tpu.wait_indirect_dma semaphore(%arg19 : memref<!tpu.dma_semaphore, #tpu.memory_space<semaphore_mem>>) src(%dma_wait3A_139 : memref<10000x32xf32, #tpu.memory_space<vmem_shared>>) dst(%dma_wait3A_135 : memref<128x32xf32, #tpu.memory_space<vmem>>)
      %mul3A_140 = arith.constant 128 : i32
      %mul3A_141 = arith.muli %add3A_128, %mul3A_140 : i32
      %add3A_142 = arith.addi %mul3A_2, %mul3A_141 : i32
      %dma_wait3A_143 = tpu.memref_slice %arg3[%add3A_142] : memref<320000xi32, #tpu.memory_space<hbm>> -> memref<128xi32, #tpu.memory_space<hbm>>
      %dma_wait3A_144 = tpu.memref_slice %arg3[%add3A_142] : memref<320000xi32, #tpu.memory_space<hbm>> -> memref<128xi32, #tpu.memory_space<hbm>>
      tpu.wait_dma2 semaphore(%arg31 : memref<!tpu.dma_semaphore, #tpu.memory_space<semaphore_mem>>) src(%dma_wait3A_144 : memref<128xi32, #tpu.memory_space<hbm>>) dst(%arg13 : memref<128xi32, #tpu.memory_space<vmem>>)
      %dma_start3A_145 = arith.constant 0 : i32
      %dma_start3A_146 = arith.constant 0 : i32
      %dma_start3A_147 = arith.constant 0 : i32
      %dma_start3A_148 = tpu.memref_slice %arg9[%dma_start3A_145, %dma_start3A_146, %dma_start3A_147] : memref<6x128x32xf32, #tpu.memory_space<vmem>> -> memref<1x128x32xf32, #tpu.memory_space<vmem>>
      %dma_start3A_149 = tpu.memref_squeeze %dma_start3A_148 : memref<1x128x32xf32, #tpu.memory_space<vmem>> -> memref<128x32xf32, #tpu.memory_space<vmem>>
      %dma_start3A_150 = arith.constant 0 : i32
      %dma_start3A_151 = arith.constant 0 : i32
      %dma_start3A_152 = tpu.memref_slice %arg10[%dma_start3A_150, %dma_start3A_151] : memref<10000x32xf32, #tpu.memory_space<vmem_shared>> -> memref<10000x32xf32, #tpu.memory_space<vmem_shared>>
      tpu.enqueue_indirect_dma source(%dma_start3A_149 : memref<128x32xf32, #tpu.memory_space<vmem>>) target(%dma_start3A_152 : memref<10000x32xf32, #tpu.memory_space<vmem_shared>>) offsets(%arg13 : memref<128xi32, #tpu.memory_space<vmem>>) semaphore(%arg25 : memref<!tpu.dma_semaphore, #tpu.memory_space<semaphore_mem>>) {add = true}
      %add3A_153 = arith.constant 4 : i32
      %add3A_154 = arith.addi %add3A_128, %add3A_153 : i32
      %ge3A = arith.constant 6 : i32
      %ge3A_155 = arith.cmpi sge, %add3A_154, %ge3A : i32
      %convert_element_type3A_156 = arith.extui %ge3A_155 : i1 to i32
      %cond3A_157 = arith.constant 0 : i32
      %cond3A_158 = arith.cmpi ne, %convert_element_type3A_156, %cond3A_157 : i32
      scf.if %cond3A_158 {
        %dma_wait3A_353 = arith.constant 4 : i32
        %dma_wait3A_354 = arith.constant 0 : i32
        %dma_wait3A_355 = arith.constant 0 : i32
        %dma_wait3A_356 = tpu.memref_slice %arg9[%dma_wait3A_353, %dma_wait3A_354, %dma_wait3A_355] : memref<6x128x32xf32, #tpu.memory_space<vmem>> -> memref<1x128x32xf32, #tpu.memory_space<vmem>>
        %dma_wait3A_357 = tpu.memref_squeeze %dma_wait3A_356 : memref<1x128x32xf32, #tpu.memory_space<vmem>> -> memref<128x32xf32, #tpu.memory_space<vmem>>
        %dma_wait3A_358 = arith.constant 0 : i32
        %dma_wait3A_359 = arith.constant 0 : i32
        %dma_wait3A_360 = tpu.memref_slice %arg10[%dma_wait3A_358, %dma_wait3A_359] : memref<10000x32xf32, #tpu.memory_space<vmem_shared>> -> memref<10000x32xf32, #tpu.memory_space<vmem_shared>>
        tpu.wait_indirect_dma semaphore(%arg29 : memref<!tpu.dma_semaphore, #tpu.memory_space<semaphore_mem>>) src(%dma_wait3A_357 : memref<128x32xf32, #tpu.memory_space<vmem>>) dst(%dma_wait3A_360 : memref<10000x32xf32, #tpu.memory_space<vmem_shared>>)
      } else {
      }
      %lt3A = arith.constant 78 : i32
      %lt3A_159 = arith.cmpi slt, %add3A_154, %lt3A : i32
      %convert_element_type3A_160 = arith.extui %lt3A_159 : i1 to i32
      %cond3A_161 = arith.constant 0 : i32
      %cond3A_162 = arith.cmpi ne, %convert_element_type3A_160, %cond3A_161 : i32
      scf.if %cond3A_162 {
        %mul3A_353 = arith.constant 128 : i32
        %mul3A_354 = arith.muli %add3A_154, %mul3A_353 : i32
        %add3A_355 = arith.addi %mul3A_2, %mul3A_354 : i32
        %dma_start3A_356 = tpu.memref_slice %arg3[%add3A_355] : memref<320000xi32, #tpu.memory_space<hbm>> -> memref<128xi32, #tpu.memory_space<hbm>>
        %dma_start3A_357 = tpu.memref_slice %arg3[%add3A_355] : memref<320000xi32, #tpu.memory_space<hbm>> -> memref<128xi32, #tpu.memory_space<hbm>>
        tpu.enqueue_dma source(%dma_start3A_357 : memref<128xi32, #tpu.memory_space<hbm>>) target(%arg17 : memref<128xi32, #tpu.memory_space<vmem>>) target_semaphore(%arg35 : memref<!tpu.dma_semaphore, #tpu.memory_space<semaphore_mem>>)
        %mul3A_358 = arith.constant 128 : i32
        %mul3A_359 = arith.muli %add3A_154, %mul3A_358 : i32
        %dma_start3A_360 = arith.constant 4 : i32
        %dma_start3A_361 = arith.constant 0 : i32
        %dma_start3A_362 = arith.constant 0 : i32
        %dma_start3A_363 = tpu.memref_slice %arg9[%dma_start3A_360, %dma_start3A_361, %dma_start3A_362] : memref<6x128x32xf32, #tpu.memory_space<vmem>> -> memref<1x128x32xf32, #tpu.memory_space<vmem>>
        %dma_start3A_364 = tpu.memref_squeeze %dma_start3A_363 : memref<1x128x32xf32, #tpu.memory_space<vmem>> -> memref<128x32xf32, #tpu.memory_space<vmem>>
        %dma_start3A_365 = tpu.memref_slice %arg8[%mul3A_359] : memref<10000xi32, #tpu.memory_space<vmem>> -> memref<128xi32, #tpu.memory_space<vmem>>
        %dma_start3A_366 = arith.constant 0 : i32
        %dma_start3A_367 = arith.constant 0 : i32
        %dma_start3A_368 = tpu.memref_slice %arg11[%dma_start3A_366, %dma_start3A_367] : memref<10000x32xf32, #tpu.memory_space<vmem_shared>> -> memref<10000x32xf32, #tpu.memory_space<vmem_shared>>
        tpu.enqueue_indirect_dma source(%dma_start3A_368 : memref<10000x32xf32, #tpu.memory_space<vmem_shared>>) target(%dma_start3A_364 : memref<128x32xf32, #tpu.memory_space<vmem>>) offsets(%dma_start3A_365 : memref<128xi32, #tpu.memory_space<vmem>>) semaphore(%arg23 : memref<!tpu.dma_semaphore, #tpu.memory_space<semaphore_mem>>)
      } else {
      }
      %add3A_163 = arith.constant 1 : i32
      %add3A_164 = arith.addi %mul3A_126, %add3A_163 : i32
      %mul3A_165 = arith.constant 128 : i32
      %mul3A_166 = arith.muli %add3A_164, %mul3A_165 : i32
      %dma_wait3A_167 = arith.constant 1 : i32
      %dma_wait3A_168 = arith.constant 0 : i32
      %dma_wait3A_169 = arith.constant 0 : i32
      %dma_wait3A_170 = tpu.memref_slice %arg9[%dma_wait3A_167, %dma_wait3A_168, %dma_wait3A_169] : memref<6x128x32xf32, #tpu.memory_space<vmem>> -> memref<1x128x32xf32, #tpu.memory_space<vmem>>
      %dma_wait3A_171 = tpu.memref_squeeze %dma_wait3A_170 : memref<1x128x32xf32, #tpu.memory_space<vmem>> -> memref<128x32xf32, #tpu.memory_space<vmem>>
      %dma_wait3A_172 = tpu.memref_slice %arg8[%mul3A_166] : memref<10000xi32, #tpu.memory_space<vmem>> -> memref<128xi32, #tpu.memory_space<vmem>>
      %dma_wait3A_173 = arith.constant 0 : i32
      %dma_wait3A_174 = arith.constant 0 : i32
      %dma_wait3A_175 = tpu.memref_slice %arg11[%dma_wait3A_173, %dma_wait3A_174] : memref<10000x32xf32, #tpu.memory_space<vmem_shared>> -> memref<10000x32xf32, #tpu.memory_space<vmem_shared>>
      tpu.wait_indirect_dma semaphore(%arg20 : memref<!tpu.dma_semaphore, #tpu.memory_space<semaphore_mem>>) src(%dma_wait3A_175 : memref<10000x32xf32, #tpu.memory_space<vmem_shared>>) dst(%dma_wait3A_171 : memref<128x32xf32, #tpu.memory_space<vmem>>)
      %mul3A_176 = arith.constant 128 : i32
      %mul3A_177 = arith.muli %add3A_164, %mul3A_176 : i32
      %add3A_178 = arith.addi %mul3A_2, %mul3A_177 : i32
      %dma_wait3A_179 = tpu.memref_slice %arg3[%add3A_178] : memref<320000xi32, #tpu.memory_space<hbm>> -> memref<128xi32, #tpu.memory_space<hbm>>
      %dma_wait3A_180 = tpu.memref_slice %arg3[%add3A_178] : memref<320000xi32, #tpu.memory_space<hbm>> -> memref<128xi32, #tpu.memory_space<hbm>>
      tpu.wait_dma2 semaphore(%arg32 : memref<!tpu.dma_semaphore, #tpu.memory_space<semaphore_mem>>) src(%dma_wait3A_180 : memref<128xi32, #tpu.memory_space<hbm>>) dst(%arg14 : memref<128xi32, #tpu.memory_space<vmem>>)
      %dma_start3A_181 = arith.constant 1 : i32
      %dma_start3A_182 = arith.constant 0 : i32
      %dma_start3A_183 = arith.constant 0 : i32
      %dma_start3A_184 = tpu.memref_slice %arg9[%dma_start3A_181, %dma_start3A_182, %dma_start3A_183] : memref<6x128x32xf32, #tpu.memory_space<vmem>> -> memref<1x128x32xf32, #tpu.memory_space<vmem>>
      %dma_start3A_185 = tpu.memref_squeeze %dma_start3A_184 : memref<1x128x32xf32, #tpu.memory_space<vmem>> -> memref<128x32xf32, #tpu.memory_space<vmem>>
      %dma_start3A_186 = arith.constant 0 : i32
      %dma_start3A_187 = arith.constant 0 : i32
      %dma_start3A_188 = tpu.memref_slice %arg10[%dma_start3A_186, %dma_start3A_187] : memref<10000x32xf32, #tpu.memory_space<vmem_shared>> -> memref<10000x32xf32, #tpu.memory_space<vmem_shared>>
      tpu.enqueue_indirect_dma source(%dma_start3A_185 : memref<128x32xf32, #tpu.memory_space<vmem>>) target(%dma_start3A_188 : memref<10000x32xf32, #tpu.memory_space<vmem_shared>>) offsets(%arg14 : memref<128xi32, #tpu.memory_space<vmem>>) semaphore(%arg26 : memref<!tpu.dma_semaphore, #tpu.memory_space<semaphore_mem>>) {add = true}
      %add3A_189 = arith.constant 4 : i32
      %add3A_190 = arith.addi %add3A_164, %add3A_189 : i32
      %ge3A_191 = arith.constant 6 : i32
      %ge3A_192 = arith.cmpi sge, %add3A_190, %ge3A_191 : i32
      %convert_element_type3A_193 = arith.extui %ge3A_192 : i1 to i32
      %cond3A_194 = arith.constant 0 : i32
      %cond3A_195 = arith.cmpi ne, %convert_element_type3A_193, %cond3A_194 : i32
      scf.if %cond3A_195 {
        %dma_wait3A_353 = arith.constant 5 : i32
        %dma_wait3A_354 = arith.constant 0 : i32
        %dma_wait3A_355 = arith.constant 0 : i32
        %dma_wait3A_356 = tpu.memref_slice %arg9[%dma_wait3A_353, %dma_wait3A_354, %dma_wait3A_355] : memref<6x128x32xf32, #tpu.memory_space<vmem>> -> memref<1x128x32xf32, #tpu.memory_space<vmem>>
        %dma_wait3A_357 = tpu.memref_squeeze %dma_wait3A_356 : memref<1x128x32xf32, #tpu.memory_space<vmem>> -> memref<128x32xf32, #tpu.memory_space<vmem>>
        %dma_wait3A_358 = arith.constant 0 : i32
        %dma_wait3A_359 = arith.constant 0 : i32
        %dma_wait3A_360 = tpu.memref_slice %arg10[%dma_wait3A_358, %dma_wait3A_359] : memref<10000x32xf32, #tpu.memory_space<vmem_shared>> -> memref<10000x32xf32, #tpu.memory_space<vmem_shared>>
        tpu.wait_indirect_dma semaphore(%arg30 : memref<!tpu.dma_semaphore, #tpu.memory_space<semaphore_mem>>) src(%dma_wait3A_357 : memref<128x32xf32, #tpu.memory_space<vmem>>) dst(%dma_wait3A_360 : memref<10000x32xf32, #tpu.memory_space<vmem_shared>>)
      } else {
      }
      %lt3A_196 = arith.constant 78 : i32
      %lt3A_197 = arith.cmpi slt, %add3A_190, %lt3A_196 : i32
      %convert_element_type3A_198 = arith.extui %lt3A_197 : i1 to i32
      %cond3A_199 = arith.constant 0 : i32
      %cond3A_200 = arith.cmpi ne, %convert_element_type3A_198, %cond3A_199 : i32
      scf.if %cond3A_200 {
        %mul3A_353 = arith.constant 128 : i32
        %mul3A_354 = arith.muli %add3A_190, %mul3A_353 : i32
        %add3A_355 = arith.addi %mul3A_2, %mul3A_354 : i32
        %dma_start3A_356 = tpu.memref_slice %arg3[%add3A_355] : memref<320000xi32, #tpu.memory_space<hbm>> -> memref<128xi32, #tpu.memory_space<hbm>>
        %dma_start3A_357 = tpu.memref_slice %arg3[%add3A_355] : memref<320000xi32, #tpu.memory_space<hbm>> -> memref<128xi32, #tpu.memory_space<hbm>>
        tpu.enqueue_dma source(%dma_start3A_357 : memref<128xi32, #tpu.memory_space<hbm>>) target(%arg18 : memref<128xi32, #tpu.memory_space<vmem>>) target_semaphore(%arg36 : memref<!tpu.dma_semaphore, #tpu.memory_space<semaphore_mem>>)
        %mul3A_358 = arith.constant 128 : i32
        %mul3A_359 = arith.muli %add3A_190, %mul3A_358 : i32
        %dma_start3A_360 = arith.constant 5 : i32
        %dma_start3A_361 = arith.constant 0 : i32
        %dma_start3A_362 = arith.constant 0 : i32
        %dma_start3A_363 = tpu.memref_slice %arg9[%dma_start3A_360, %dma_start3A_361, %dma_start3A_362] : memref<6x128x32xf32, #tpu.memory_space<vmem>> -> memref<1x128x32xf32, #tpu.memory_space<vmem>>
        %dma_start3A_364 = tpu.memref_squeeze %dma_start3A_363 : memref<1x128x32xf32, #tpu.memory_space<vmem>> -> memref<128x32xf32, #tpu.memory_space<vmem>>
        %dma_start3A_365 = tpu.memref_slice %arg8[%mul3A_359] : memref<10000xi32, #tpu.memory_space<vmem>> -> memref<128xi32, #tpu.memory_space<vmem>>
        %dma_start3A_366 = arith.constant 0 : i32
        %dma_start3A_367 = arith.constant 0 : i32
        %dma_start3A_368 = tpu.memref_slice %arg11[%dma_start3A_366, %dma_start3A_367] : memref<10000x32xf32, #tpu.memory_space<vmem_shared>> -> memref<10000x32xf32, #tpu.memory_space<vmem_shared>>
        tpu.enqueue_indirect_dma source(%dma_start3A_368 : memref<10000x32xf32, #tpu.memory_space<vmem_shared>>) target(%dma_start3A_364 : memref<128x32xf32, #tpu.memory_space<vmem>>) offsets(%dma_start3A_365 : memref<128xi32, #tpu.memory_space<vmem>>) semaphore(%arg24 : memref<!tpu.dma_semaphore, #tpu.memory_space<semaphore_mem>>)
      } else {
      }
      %add3A_201 = arith.constant 2 : i32
      %add3A_202 = arith.addi %mul3A_126, %add3A_201 : i32
      %mul3A_203 = arith.constant 128 : i32
      %mul3A_204 = arith.muli %add3A_202, %mul3A_203 : i32
      %dma_wait3A_205 = arith.constant 2 : i32
      %dma_wait3A_206 = arith.constant 0 : i32
      %dma_wait3A_207 = arith.constant 0 : i32
      %dma_wait3A_208 = tpu.memref_slice %arg9[%dma_wait3A_205, %dma_wait3A_206, %dma_wait3A_207] : memref<6x128x32xf32, #tpu.memory_space<vmem>> -> memref<1x128x32xf32, #tpu.memory_space<vmem>>
      %dma_wait3A_209 = tpu.memref_squeeze %dma_wait3A_208 : memref<1x128x32xf32, #tpu.memory_space<vmem>> -> memref<128x32xf32, #tpu.memory_space<vmem>>
      %dma_wait3A_210 = tpu.memref_slice %arg8[%mul3A_204] : memref<10000xi32, #tpu.memory_space<vmem>> -> memref<128xi32, #tpu.memory_space<vmem>>
      %dma_wait3A_211 = arith.constant 0 : i32
      %dma_wait3A_212 = arith.constant 0 : i32
      %dma_wait3A_213 = tpu.memref_slice %arg11[%dma_wait3A_211, %dma_wait3A_212] : memref<10000x32xf32, #tpu.memory_space<vmem_shared>> -> memref<10000x32xf32, #tpu.memory_space<vmem_shared>>
      tpu.wait_indirect_dma semaphore(%arg21 : memref<!tpu.dma_semaphore, #tpu.memory_space<semaphore_mem>>) src(%dma_wait3A_213 : memref<10000x32xf32, #tpu.memory_space<vmem_shared>>) dst(%dma_wait3A_209 : memref<128x32xf32, #tpu.memory_space<vmem>>)
      %mul3A_214 = arith.constant 128 : i32
      %mul3A_215 = arith.muli %add3A_202, %mul3A_214 : i32
      %add3A_216 = arith.addi %mul3A_2, %mul3A_215 : i32
      %dma_wait3A_217 = tpu.memref_slice %arg3[%add3A_216] : memref<320000xi32, #tpu.memory_space<hbm>> -> memref<128xi32, #tpu.memory_space<hbm>>
      %dma_wait3A_218 = tpu.memref_slice %arg3[%add3A_216] : memref<320000xi32, #tpu.memory_space<hbm>> -> memref<128xi32, #tpu.memory_space<hbm>>
      tpu.wait_dma2 semaphore(%arg33 : memref<!tpu.dma_semaphore, #tpu.memory_space<semaphore_mem>>) src(%dma_wait3A_218 : memref<128xi32, #tpu.memory_space<hbm>>) dst(%arg15 : memref<128xi32, #tpu.memory_space<vmem>>)
      %dma_start3A_219 = arith.constant 2 : i32
      %dma_start3A_220 = arith.constant 0 : i32
      %dma_start3A_221 = arith.constant 0 : i32
      %dma_start3A_222 = tpu.memref_slice %arg9[%dma_start3A_219, %dma_start3A_220, %dma_start3A_221] : memref<6x128x32xf32, #tpu.memory_space<vmem>> -> memref<1x128x32xf32, #tpu.memory_space<vmem>>
      %dma_start3A_223 = tpu.memref_squeeze %dma_start3A_222 : memref<1x128x32xf32, #tpu.memory_space<vmem>> -> memref<128x32xf32, #tpu.memory_space<vmem>>
      %dma_start3A_224 = arith.constant 0 : i32
      %dma_start3A_225 = arith.constant 0 : i32
      %dma_start3A_226 = tpu.memref_slice %arg10[%dma_start3A_224, %dma_start3A_225] : memref<10000x32xf32, #tpu.memory_space<vmem_shared>> -> memref<10000x32xf32, #tpu.memory_space<vmem_shared>>
      tpu.enqueue_indirect_dma source(%dma_start3A_223 : memref<128x32xf32, #tpu.memory_space<vmem>>) target(%dma_start3A_226 : memref<10000x32xf32, #tpu.memory_space<vmem_shared>>) offsets(%arg15 : memref<128xi32, #tpu.memory_space<vmem>>) semaphore(%arg27 : memref<!tpu.dma_semaphore, #tpu.memory_space<semaphore_mem>>) {add = true}
      %add3A_227 = arith.constant 4 : i32
      %add3A_228 = arith.addi %add3A_202, %add3A_227 : i32
      %ge3A_229 = arith.constant 6 : i32
      %ge3A_230 = arith.cmpi sge, %add3A_228, %ge3A_229 : i32
      %convert_element_type3A_231 = arith.extui %ge3A_230 : i1 to i32
      %cond3A_232 = arith.constant 0 : i32
      %cond3A_233 = arith.cmpi ne, %convert_element_type3A_231, %cond3A_232 : i32
      scf.if %cond3A_233 {
        %dma_wait3A_353 = arith.constant 0 : i32
        %dma_wait3A_354 = arith.constant 0 : i32
        %dma_wait3A_355 = arith.constant 0 : i32
        %dma_wait3A_356 = tpu.memref_slice %arg9[%dma_wait3A_353, %dma_wait3A_354, %dma_wait3A_355] : memref<6x128x32xf32, #tpu.memory_space<vmem>> -> memref<1x128x32xf32, #tpu.memory_space<vmem>>
        %dma_wait3A_357 = tpu.memref_squeeze %dma_wait3A_356 : memref<1x128x32xf32, #tpu.memory_space<vmem>> -> memref<128x32xf32, #tpu.memory_space<vmem>>
        %dma_wait3A_358 = arith.constant 0 : i32
        %dma_wait3A_359 = arith.constant 0 : i32
        %dma_wait3A_360 = tpu.memref_slice %arg10[%dma_wait3A_358, %dma_wait3A_359] : memref<10000x32xf32, #tpu.memory_space<vmem_shared>> -> memref<10000x32xf32, #tpu.memory_space<vmem_shared>>
        tpu.wait_indirect_dma semaphore(%arg25 : memref<!tpu.dma_semaphore, #tpu.memory_space<semaphore_mem>>) src(%dma_wait3A_357 : memref<128x32xf32, #tpu.memory_space<vmem>>) dst(%dma_wait3A_360 : memref<10000x32xf32, #tpu.memory_space<vmem_shared>>)
      } else {
      }
      %lt3A_234 = arith.constant 78 : i32
      %lt3A_235 = arith.cmpi slt, %add3A_228, %lt3A_234 : i32
      %convert_element_type3A_236 = arith.extui %lt3A_235 : i1 to i32
      %cond3A_237 = arith.constant 0 : i32
      %cond3A_238 = arith.cmpi ne, %convert_element_type3A_236, %cond3A_237 : i32
      scf.if %cond3A_238 {
        %mul3A_353 = arith.constant 128 : i32
        %mul3A_354 = arith.muli %add3A_228, %mul3A_353 : i32
        %add3A_355 = arith.addi %mul3A_2, %mul3A_354 : i32
        %dma_start3A_356 = tpu.memref_slice %arg3[%add3A_355] : memref<320000xi32, #tpu.memory_space<hbm>> -> memref<128xi32, #tpu.memory_space<hbm>>
        %dma_start3A_357 = tpu.memref_slice %arg3[%add3A_355] : memref<320000xi32, #tpu.memory_space<hbm>> -> memref<128xi32, #tpu.memory_space<hbm>>
        tpu.enqueue_dma source(%dma_start3A_357 : memref<128xi32, #tpu.memory_space<hbm>>) target(%arg13 : memref<128xi32, #tpu.memory_space<vmem>>) target_semaphore(%arg31 : memref<!tpu.dma_semaphore, #tpu.memory_space<semaphore_mem>>)
        %mul3A_358 = arith.constant 128 : i32
        %mul3A_359 = arith.muli %add3A_228, %mul3A_358 : i32
        %dma_start3A_360 = arith.constant 0 : i32
        %dma_start3A_361 = arith.constant 0 : i32
        %dma_start3A_362 = arith.constant 0 : i32
        %dma_start3A_363 = tpu.memref_slice %arg9[%dma_start3A_360, %dma_start3A_361, %dma_start3A_362] : memref<6x128x32xf32, #tpu.memory_space<vmem>> -> memref<1x128x32xf32, #tpu.memory_space<vmem>>
        %dma_start3A_364 = tpu.memref_squeeze %dma_start3A_363 : memref<1x128x32xf32, #tpu.memory_space<vmem>> -> memref<128x32xf32, #tpu.memory_space<vmem>>
        %dma_start3A_365 = tpu.memref_slice %arg8[%mul3A_359] : memref<10000xi32, #tpu.memory_space<vmem>> -> memref<128xi32, #tpu.memory_space<vmem>>
        %dma_start3A_366 = arith.constant 0 : i32
        %dma_start3A_367 = arith.constant 0 : i32
        %dma_start3A_368 = tpu.memref_slice %arg11[%dma_start3A_366, %dma_start3A_367] : memref<10000x32xf32, #tpu.memory_space<vmem_shared>> -> memref<10000x32xf32, #tpu.memory_space<vmem_shared>>
        tpu.enqueue_indirect_dma source(%dma_start3A_368 : memref<10000x32xf32, #tpu.memory_space<vmem_shared>>) target(%dma_start3A_364 : memref<128x32xf32, #tpu.memory_space<vmem>>) offsets(%dma_start3A_365 : memref<128xi32, #tpu.memory_space<vmem>>) semaphore(%arg19 : memref<!tpu.dma_semaphore, #tpu.memory_space<semaphore_mem>>)
      } else {
      }
      %add3A_239 = arith.constant 3 : i32
      %add3A_240 = arith.addi %mul3A_126, %add3A_239 : i32
      %mul3A_241 = arith.constant 128 : i32
      %mul3A_242 = arith.muli %add3A_240, %mul3A_241 : i32
      %dma_wait3A_243 = arith.constant 3 : i32
      %dma_wait3A_244 = arith.constant 0 : i32
      %dma_wait3A_245 = arith.constant 0 : i32
      %dma_wait3A_246 = tpu.memref_slice %arg9[%dma_wait3A_243, %dma_wait3A_244, %dma_wait3A_245] : memref<6x128x32xf32, #tpu.memory_space<vmem>> -> memref<1x128x32xf32, #tpu.memory_space<vmem>>
      %dma_wait3A_247 = tpu.memref_squeeze %dma_wait3A_246 : memref<1x128x32xf32, #tpu.memory_space<vmem>> -> memref<128x32xf32, #tpu.memory_space<vmem>>
      %dma_wait3A_248 = tpu.memref_slice %arg8[%mul3A_242] : memref<10000xi32, #tpu.memory_space<vmem>> -> memref<128xi32, #tpu.memory_space<vmem>>
      %dma_wait3A_249 = arith.constant 0 : i32
      %dma_wait3A_250 = arith.constant 0 : i32
      %dma_wait3A_251 = tpu.memref_slice %arg11[%dma_wait3A_249, %dma_wait3A_250] : memref<10000x32xf32, #tpu.memory_space<vmem_shared>> -> memref<10000x32xf32, #tpu.memory_space<vmem_shared>>
      tpu.wait_indirect_dma semaphore(%arg22 : memref<!tpu.dma_semaphore, #tpu.memory_space<semaphore_mem>>) src(%dma_wait3A_251 : memref<10000x32xf32, #tpu.memory_space<vmem_shared>>) dst(%dma_wait3A_247 : memref<128x32xf32, #tpu.memory_space<vmem>>)
      %mul3A_252 = arith.constant 128 : i32
      %mul3A_253 = arith.muli %add3A_240, %mul3A_252 : i32
      %add3A_254 = arith.addi %mul3A_2, %mul3A_253 : i32
      %dma_wait3A_255 = tpu.memref_slice %arg3[%add3A_254] : memref<320000xi32, #tpu.memory_space<hbm>> -> memref<128xi32, #tpu.memory_space<hbm>>
      %dma_wait3A_256 = tpu.memref_slice %arg3[%add3A_254] : memref<320000xi32, #tpu.memory_space<hbm>> -> memref<128xi32, #tpu.memory_space<hbm>>
      tpu.wait_dma2 semaphore(%arg34 : memref<!tpu.dma_semaphore, #tpu.memory_space<semaphore_mem>>) src(%dma_wait3A_256 : memref<128xi32, #tpu.memory_space<hbm>>) dst(%arg16 : memref<128xi32, #tpu.memory_space<vmem>>)
      %dma_start3A_257 = arith.constant 3 : i32
      %dma_start3A_258 = arith.constant 0 : i32
      %dma_start3A_259 = arith.constant 0 : i32
      %dma_start3A_260 = tpu.memref_slice %arg9[%dma_start3A_257, %dma_start3A_258, %dma_start3A_259] : memref<6x128x32xf32, #tpu.memory_space<vmem>> -> memref<1x128x32xf32, #tpu.memory_space<vmem>>
      %dma_start3A_261 = tpu.memref_squeeze %dma_start3A_260 : memref<1x128x32xf32, #tpu.memory_space<vmem>> -> memref<128x32xf32, #tpu.memory_space<vmem>>
      %dma_start3A_262 = arith.constant 0 : i32
      %dma_start3A_263 = arith.constant 0 : i32
      %dma_start3A_264 = tpu.memref_slice %arg10[%dma_start3A_262, %dma_start3A_263] : memref<10000x32xf32, #tpu.memory_space<vmem_shared>> -> memref<10000x32xf32, #tpu.memory_space<vmem_shared>>
      tpu.enqueue_indirect_dma source(%dma_start3A_261 : memref<128x32xf32, #tpu.memory_space<vmem>>) target(%dma_start3A_264 : memref<10000x32xf32, #tpu.memory_space<vmem_shared>>) offsets(%arg16 : memref<128xi32, #tpu.memory_space<vmem>>) semaphore(%arg28 : memref<!tpu.dma_semaphore, #tpu.memory_space<semaphore_mem>>) {add = true}
      %add3A_265 = arith.constant 4 : i32
      %add3A_266 = arith.addi %add3A_240, %add3A_265 : i32
      %ge3A_267 = arith.constant 6 : i32
      %ge3A_268 = arith.cmpi sge, %add3A_266, %ge3A_267 : i32
      %convert_element_type3A_269 = arith.extui %ge3A_268 : i1 to i32
      %cond3A_270 = arith.constant 0 : i32
      %cond3A_271 = arith.cmpi ne, %convert_element_type3A_269, %cond3A_270 : i32
      scf.if %cond3A_271 {
        %dma_wait3A_353 = arith.constant 1 : i32
        %dma_wait3A_354 = arith.constant 0 : i32
        %dma_wait3A_355 = arith.constant 0 : i32
        %dma_wait3A_356 = tpu.memref_slice %arg9[%dma_wait3A_353, %dma_wait3A_354, %dma_wait3A_355] : memref<6x128x32xf32, #tpu.memory_space<vmem>> -> memref<1x128x32xf32, #tpu.memory_space<vmem>>
        %dma_wait3A_357 = tpu.memref_squeeze %dma_wait3A_356 : memref<1x128x32xf32, #tpu.memory_space<vmem>> -> memref<128x32xf32, #tpu.memory_space<vmem>>
        %dma_wait3A_358 = arith.constant 0 : i32
        %dma_wait3A_359 = arith.constant 0 : i32
        %dma_wait3A_360 = tpu.memref_slice %arg10[%dma_wait3A_358, %dma_wait3A_359] : memref<10000x32xf32, #tpu.memory_space<vmem_shared>> -> memref<10000x32xf32, #tpu.memory_space<vmem_shared>>
        tpu.wait_indirect_dma semaphore(%arg26 : memref<!tpu.dma_semaphore, #tpu.memory_space<semaphore_mem>>) src(%dma_wait3A_357 : memref<128x32xf32, #tpu.memory_space<vmem>>) dst(%dma_wait3A_360 : memref<10000x32xf32, #tpu.memory_space<vmem_shared>>)
      } else {
      }
      %lt3A_272 = arith.constant 78 : i32
      %lt3A_273 = arith.cmpi slt, %add3A_266, %lt3A_272 : i32
      %convert_element_type3A_274 = arith.extui %lt3A_273 : i1 to i32
      %cond3A_275 = arith.constant 0 : i32
      %cond3A_276 = arith.cmpi ne, %convert_element_type3A_274, %cond3A_275 : i32
      scf.if %cond3A_276 {
        %mul3A_353 = arith.constant 128 : i32
        %mul3A_354 = arith.muli %add3A_266, %mul3A_353 : i32
        %add3A_355 = arith.addi %mul3A_2, %mul3A_354 : i32
        %dma_start3A_356 = tpu.memref_slice %arg3[%add3A_355] : memref<320000xi32, #tpu.memory_space<hbm>> -> memref<128xi32, #tpu.memory_space<hbm>>
        %dma_start3A_357 = tpu.memref_slice %arg3[%add3A_355] : memref<320000xi32, #tpu.memory_space<hbm>> -> memref<128xi32, #tpu.memory_space<hbm>>
        tpu.enqueue_dma source(%dma_start3A_357 : memref<128xi32, #tpu.memory_space<hbm>>) target(%arg14 : memref<128xi32, #tpu.memory_space<vmem>>) target_semaphore(%arg32 : memref<!tpu.dma_semaphore, #tpu.memory_space<semaphore_mem>>)
        %mul3A_358 = arith.constant 128 : i32
        %mul3A_359 = arith.muli %add3A_266, %mul3A_358 : i32
        %dma_start3A_360 = arith.constant 1 : i32
        %dma_start3A_361 = arith.constant 0 : i32
        %dma_start3A_362 = arith.constant 0 : i32
        %dma_start3A_363 = tpu.memref_slice %arg9[%dma_start3A_360, %dma_start3A_361, %dma_start3A_362] : memref<6x128x32xf32, #tpu.memory_space<vmem>> -> memref<1x128x32xf32, #tpu.memory_space<vmem>>
        %dma_start3A_364 = tpu.memref_squeeze %dma_start3A_363 : memref<1x128x32xf32, #tpu.memory_space<vmem>> -> memref<128x32xf32, #tpu.memory_space<vmem>>
        %dma_start3A_365 = tpu.memref_slice %arg8[%mul3A_359] : memref<10000xi32, #tpu.memory_space<vmem>> -> memref<128xi32, #tpu.memory_space<vmem>>
        %dma_start3A_366 = arith.constant 0 : i32
        %dma_start3A_367 = arith.constant 0 : i32
        %dma_start3A_368 = tpu.memref_slice %arg11[%dma_start3A_366, %dma_start3A_367] : memref<10000x32xf32, #tpu.memory_space<vmem_shared>> -> memref<10000x32xf32, #tpu.memory_space<vmem_shared>>
        tpu.enqueue_indirect_dma source(%dma_start3A_368 : memref<10000x32xf32, #tpu.memory_space<vmem_shared>>) target(%dma_start3A_364 : memref<128x32xf32, #tpu.memory_space<vmem>>) offsets(%dma_start3A_365 : memref<128xi32, #tpu.memory_space<vmem>>) semaphore(%arg20 : memref<!tpu.dma_semaphore, #tpu.memory_space<semaphore_mem>>)
      } else {
      }
      %add3A_277 = arith.constant 4 : i32
      %add3A_278 = arith.addi %mul3A_126, %add3A_277 : i32
      %mul3A_279 = arith.constant 128 : i32
      %mul3A_280 = arith.muli %add3A_278, %mul3A_279 : i32
      %dma_wait3A_281 = arith.constant 4 : i32
      %dma_wait3A_282 = arith.constant 0 : i32
      %dma_wait3A_283 = arith.constant 0 : i32
      %dma_wait3A_284 = tpu.memref_slice %arg9[%dma_wait3A_281, %dma_wait3A_282, %dma_wait3A_283] : memref<6x128x32xf32, #tpu.memory_space<vmem>> -> memref<1x128x32xf32, #tpu.memory_space<vmem>>
      %dma_wait3A_285 = tpu.memref_squeeze %dma_wait3A_284 : memref<1x128x32xf32, #tpu.memory_space<vmem>> -> memref<128x32xf32, #tpu.memory_space<vmem>>
      %dma_wait3A_286 = tpu.memref_slice %arg8[%mul3A_280] : memref<10000xi32, #tpu.memory_space<vmem>> -> memref<128xi32, #tpu.memory_space<vmem>>
      %dma_wait3A_287 = arith.constant 0 : i32
      %dma_wait3A_288 = arith.constant 0 : i32
      %dma_wait3A_289 = tpu.memref_slice %arg11[%dma_wait3A_287, %dma_wait3A_288] : memref<10000x32xf32, #tpu.memory_space<vmem_shared>> -> memref<10000x32xf32, #tpu.memory_space<vmem_shared>>
      tpu.wait_indirect_dma semaphore(%arg23 : memref<!tpu.dma_semaphore, #tpu.memory_space<semaphore_mem>>) src(%dma_wait3A_289 : memref<10000x32xf32, #tpu.memory_space<vmem_shared>>) dst(%dma_wait3A_285 : memref<128x32xf32, #tpu.memory_space<vmem>>)
      %mul3A_290 = arith.constant 128 : i32
      %mul3A_291 = arith.muli %add3A_278, %mul3A_290 : i32
      %add3A_292 = arith.addi %mul3A_2, %mul3A_291 : i32
      %dma_wait3A_293 = tpu.memref_slice %arg3[%add3A_292] : memref<320000xi32, #tpu.memory_space<hbm>> -> memref<128xi32, #tpu.memory_space<hbm>>
      %dma_wait3A_294 = tpu.memref_slice %arg3[%add3A_292] : memref<320000xi32, #tpu.memory_space<hbm>> -> memref<128xi32, #tpu.memory_space<hbm>>
      tpu.wait_dma2 semaphore(%arg35 : memref<!tpu.dma_semaphore, #tpu.memory_space<semaphore_mem>>) src(%dma_wait3A_294 : memref<128xi32, #tpu.memory_space<hbm>>) dst(%arg17 : memref<128xi32, #tpu.memory_space<vmem>>)
      %dma_start3A_295 = arith.constant 4 : i32
      %dma_start3A_296 = arith.constant 0 : i32
      %dma_start3A_297 = arith.constant 0 : i32
      %dma_start3A_298 = tpu.memref_slice %arg9[%dma_start3A_295, %dma_start3A_296, %dma_start3A_297] : memref<6x128x32xf32, #tpu.memory_space<vmem>> -> memref<1x128x32xf32, #tpu.memory_space<vmem>>
      %dma_start3A_299 = tpu.memref_squeeze %dma_start3A_298 : memref<1x128x32xf32, #tpu.memory_space<vmem>> -> memref<128x32xf32, #tpu.memory_space<vmem>>
      %dma_start3A_300 = arith.constant 0 : i32
      %dma_start3A_301 = arith.constant 0 : i32
      %dma_start3A_302 = tpu.memref_slice %arg10[%dma_start3A_300, %dma_start3A_301] : memref<10000x32xf32, #tpu.memory_space<vmem_shared>> -> memref<10000x32xf32, #tpu.memory_space<vmem_shared>>
      tpu.enqueue_indirect_dma source(%dma_start3A_299 : memref<128x32xf32, #tpu.memory_space<vmem>>) target(%dma_start3A_302 : memref<10000x32xf32, #tpu.memory_space<vmem_shared>>) offsets(%arg17 : memref<128xi32, #tpu.memory_space<vmem>>) semaphore(%arg29 : memref<!tpu.dma_semaphore, #tpu.memory_space<semaphore_mem>>) {add = true}
      %add3A_303 = arith.constant 4 : i32
      %add3A_304 = arith.addi %add3A_278, %add3A_303 : i32
      %ge3A_305 = arith.constant 6 : i32
      %ge3A_306 = arith.cmpi sge, %add3A_304, %ge3A_305 : i32
      %convert_element_type3A_307 = arith.extui %ge3A_306 : i1 to i32
      %cond3A_308 = arith.constant 0 : i32
      %cond3A_309 = arith.cmpi ne, %convert_element_type3A_307, %cond3A_308 : i32
      scf.if %cond3A_309 {
        %dma_wait3A_353 = arith.constant 2 : i32
        %dma_wait3A_354 = arith.constant 0 : i32
        %dma_wait3A_355 = arith.constant 0 : i32
        %dma_wait3A_356 = tpu.memref_slice %arg9[%dma_wait3A_353, %dma_wait3A_354, %dma_wait3A_355] : memref<6x128x32xf32, #tpu.memory_space<vmem>> -> memref<1x128x32xf32, #tpu.memory_space<vmem>>
        %dma_wait3A_357 = tpu.memref_squeeze %dma_wait3A_356 : memref<1x128x32xf32, #tpu.memory_space<vmem>> -> memref<128x32xf32, #tpu.memory_space<vmem>>
        %dma_wait3A_358 = arith.constant 0 : i32
        %dma_wait3A_359 = arith.constant 0 : i32
        %dma_wait3A_360 = tpu.memref_slice %arg10[%dma_wait3A_358, %dma_wait3A_359] : memref<10000x32xf32, #tpu.memory_space<vmem_shared>> -> memref<10000x32xf32, #tpu.memory_space<vmem_shared>>
        tpu.wait_indirect_dma semaphore(%arg27 : memref<!tpu.dma_semaphore, #tpu.memory_space<semaphore_mem>>) src(%dma_wait3A_357 : memref<128x32xf32, #tpu.memory_space<vmem>>) dst(%dma_wait3A_360 : memref<10000x32xf32, #tpu.memory_space<vmem_shared>>)
      } else {
      }
      %lt3A_310 = arith.constant 78 : i32
      %lt3A_311 = arith.cmpi slt, %add3A_304, %lt3A_310 : i32
      %convert_element_type3A_312 = arith.extui %lt3A_311 : i1 to i32
      %cond3A_313 = arith.constant 0 : i32
      %cond3A_314 = arith.cmpi ne, %convert_element_type3A_312, %cond3A_313 : i32
      scf.if %cond3A_314 {
        %mul3A_353 = arith.constant 128 : i32
        %mul3A_354 = arith.muli %add3A_304, %mul3A_353 : i32
        %add3A_355 = arith.addi %mul3A_2, %mul3A_354 : i32
        %dma_start3A_356 = tpu.memref_slice %arg3[%add3A_355] : memref<320000xi32, #tpu.memory_space<hbm>> -> memref<128xi32, #tpu.memory_space<hbm>>
        %dma_start3A_357 = tpu.memref_slice %arg3[%add3A_355] : memref<320000xi32, #tpu.memory_space<hbm>> -> memref<128xi32, #tpu.memory_space<hbm>>
        tpu.enqueue_dma source(%dma_start3A_357 : memref<128xi32, #tpu.memory_space<hbm>>) target(%arg15 : memref<128xi32, #tpu.memory_space<vmem>>) target_semaphore(%arg33 : memref<!tpu.dma_semaphore, #tpu.memory_space<semaphore_mem>>)
        %mul3A_358 = arith.constant 128 : i32
        %mul3A_359 = arith.muli %add3A_304, %mul3A_358 : i32
        %dma_start3A_360 = arith.constant 2 : i32
        %dma_start3A_361 = arith.constant 0 : i32
        %dma_start3A_362 = arith.constant 0 : i32
        %dma_start3A_363 = tpu.memref_slice %arg9[%dma_start3A_360, %dma_start3A_361, %dma_start3A_362] : memref<6x128x32xf32, #tpu.memory_space<vmem>> -> memref<1x128x32xf32, #tpu.memory_space<vmem>>
        %dma_start3A_364 = tpu.memref_squeeze %dma_start3A_363 : memref<1x128x32xf32, #tpu.memory_space<vmem>> -> memref<128x32xf32, #tpu.memory_space<vmem>>
        %dma_start3A_365 = tpu.memref_slice %arg8[%mul3A_359] : memref<10000xi32, #tpu.memory_space<vmem>> -> memref<128xi32, #tpu.memory_space<vmem>>
        %dma_start3A_366 = arith.constant 0 : i32
        %dma_start3A_367 = arith.constant 0 : i32
        %dma_start3A_368 = tpu.memref_slice %arg11[%dma_start3A_366, %dma_start3A_367] : memref<10000x32xf32, #tpu.memory_space<vmem_shared>> -> memref<10000x32xf32, #tpu.memory_space<vmem_shared>>
        tpu.enqueue_indirect_dma source(%dma_start3A_368 : memref<10000x32xf32, #tpu.memory_space<vmem_shared>>) target(%dma_start3A_364 : memref<128x32xf32, #tpu.memory_space<vmem>>) offsets(%dma_start3A_365 : memref<128xi32, #tpu.memory_space<vmem>>) semaphore(%arg21 : memref<!tpu.dma_semaphore, #tpu.memory_space<semaphore_mem>>)
      } else {
      }
      %add3A_315 = arith.constant 5 : i32
      %add3A_316 = arith.addi %mul3A_126, %add3A_315 : i32
      %mul3A_317 = arith.constant 128 : i32
      %mul3A_318 = arith.muli %add3A_316, %mul3A_317 : i32
      %dma_wait3A_319 = arith.constant 5 : i32
      %dma_wait3A_320 = arith.constant 0 : i32
      %dma_wait3A_321 = arith.constant 0 : i32
      %dma_wait3A_322 = tpu.memref_slice %arg9[%dma_wait3A_319, %dma_wait3A_320, %dma_wait3A_321] : memref<6x128x32xf32, #tpu.memory_space<vmem>> -> memref<1x128x32xf32, #tpu.memory_space<vmem>>
      %dma_wait3A_323 = tpu.memref_squeeze %dma_wait3A_322 : memref<1x128x32xf32, #tpu.memory_space<vmem>> -> memref<128x32xf32, #tpu.memory_space<vmem>>
      %dma_wait3A_324 = tpu.memref_slice %arg8[%mul3A_318] : memref<10000xi32, #tpu.memory_space<vmem>> -> memref<128xi32, #tpu.memory_space<vmem>>
      %dma_wait3A_325 = arith.constant 0 : i32
      %dma_wait3A_326 = arith.constant 0 : i32
      %dma_wait3A_327 = tpu.memref_slice %arg11[%dma_wait3A_325, %dma_wait3A_326] : memref<10000x32xf32, #tpu.memory_space<vmem_shared>> -> memref<10000x32xf32, #tpu.memory_space<vmem_shared>>
      tpu.wait_indirect_dma semaphore(%arg24 : memref<!tpu.dma_semaphore, #tpu.memory_space<semaphore_mem>>) src(%dma_wait3A_327 : memref<10000x32xf32, #tpu.memory_space<vmem_shared>>) dst(%dma_wait3A_323 : memref<128x32xf32, #tpu.memory_space<vmem>>)
      %mul3A_328 = arith.constant 128 : i32
      %mul3A_329 = arith.muli %add3A_316, %mul3A_328 : i32
      %add3A_330 = arith.addi %mul3A_2, %mul3A_329 : i32
      %dma_wait3A_331 = tpu.memref_slice %arg3[%add3A_330] : memref<320000xi32, #tpu.memory_space<hbm>> -> memref<128xi32, #tpu.memory_space<hbm>>
      %dma_wait3A_332 = tpu.memref_slice %arg3[%add3A_330] : memref<320000xi32, #tpu.memory_space<hbm>> -> memref<128xi32, #tpu.memory_space<hbm>>
      tpu.wait_dma2 semaphore(%arg36 : memref<!tpu.dma_semaphore, #tpu.memory_space<semaphore_mem>>) src(%dma_wait3A_332 : memref<128xi32, #tpu.memory_space<hbm>>) dst(%arg18 : memref<128xi32, #tpu.memory_space<vmem>>)
      %dma_start3A_333 = arith.constant 5 : i32
      %dma_start3A_334 = arith.constant 0 : i32
      %dma_start3A_335 = arith.constant 0 : i32
      %dma_start3A_336 = tpu.memref_slice %arg9[%dma_start3A_333, %dma_start3A_334, %dma_start3A_335] : memref<6x128x32xf32, #tpu.memory_space<vmem>> -> memref<1x128x32xf32, #tpu.memory_space<vmem>>
      %dma_start3A_337 = tpu.memref_squeeze %dma_start3A_336 : memref<1x128x32xf32, #tpu.memory_space<vmem>> -> memref<128x32xf32, #tpu.memory_space<vmem>>
      %dma_start3A_338 = arith.constant 0 : i32
      %dma_start3A_339 = arith.constant 0 : i32
      %dma_start3A_340 = tpu.memref_slice %arg10[%dma_start3A_338, %dma_start3A_339] : memref<10000x32xf32, #tpu.memory_space<vmem_shared>> -> memref<10000x32xf32, #tpu.memory_space<vmem_shared>>
      tpu.enqueue_indirect_dma source(%dma_start3A_337 : memref<128x32xf32, #tpu.memory_space<vmem>>) target(%dma_start3A_340 : memref<10000x32xf32, #tpu.memory_space<vmem_shared>>) offsets(%arg18 : memref<128xi32, #tpu.memory_space<vmem>>) semaphore(%arg30 : memref<!tpu.dma_semaphore, #tpu.memory_space<semaphore_mem>>) {add = true}
      %add3A_341 = arith.constant 4 : i32
      %add3A_342 = arith.addi %add3A_316, %add3A_341 : i32
      %ge3A_343 = arith.constant 6 : i32
      %ge3A_344 = arith.cmpi sge, %add3A_342, %ge3A_343 : i32
      %convert_element_type3A_345 = arith.extui %ge3A_344 : i1 to i32
      %cond3A_346 = arith.constant 0 : i32
      %cond3A_347 = arith.cmpi ne, %convert_element_type3A_345, %cond3A_346 : i32
      scf.if %cond3A_347 {
        %dma_wait3A_353 = arith.constant 3 : i32
        %dma_wait3A_354 = arith.constant 0 : i32
        %dma_wait3A_355 = arith.constant 0 : i32
        %dma_wait3A_356 = tpu.memref_slice %arg9[%dma_wait3A_353, %dma_wait3A_354, %dma_wait3A_355] : memref<6x128x32xf32, #tpu.memory_space<vmem>> -> memref<1x128x32xf32, #tpu.memory_space<vmem>>
        %dma_wait3A_357 = tpu.memref_squeeze %dma_wait3A_356 : memref<1x128x32xf32, #tpu.memory_space<vmem>> -> memref<128x32xf32, #tpu.memory_space<vmem>>
        %dma_wait3A_358 = arith.constant 0 : i32
        %dma_wait3A_359 = arith.constant 0 : i32
        %dma_wait3A_360 = tpu.memref_slice %arg10[%dma_wait3A_358, %dma_wait3A_359] : memref<10000x32xf32, #tpu.memory_space<vmem_shared>> -> memref<10000x32xf32, #tpu.memory_space<vmem_shared>>
        tpu.wait_indirect_dma semaphore(%arg28 : memref<!tpu.dma_semaphore, #tpu.memory_space<semaphore_mem>>) src(%dma_wait3A_357 : memref<128x32xf32, #tpu.memory_space<vmem>>) dst(%dma_wait3A_360 : memref<10000x32xf32, #tpu.memory_space<vmem_shared>>)
      } else {
      }
      %lt3A_348 = arith.constant 78 : i32
      %lt3A_349 = arith.cmpi slt, %add3A_342, %lt3A_348 : i32
      %convert_element_type3A_350 = arith.extui %lt3A_349 : i1 to i32
      %cond3A_351 = arith.constant 0 : i32
      %cond3A_352 = arith.cmpi ne, %convert_element_type3A_350, %cond3A_351 : i32
      scf.if %cond3A_352 {
        %mul3A_353 = arith.constant 128 : i32
        %mul3A_354 = arith.muli %add3A_342, %mul3A_353 : i32
        %add3A_355 = arith.addi %mul3A_2, %mul3A_354 : i32
        %dma_start3A_356 = tpu.memref_slice %arg3[%add3A_355] : memref<320000xi32, #tpu.memory_space<hbm>> -> memref<128xi32, #tpu.memory_space<hbm>>
        %dma_start3A_357 = tpu.memref_slice %arg3[%add3A_355] : memref<320000xi32, #tpu.memory_space<hbm>> -> memref<128xi32, #tpu.memory_space<hbm>>
        tpu.enqueue_dma source(%dma_start3A_357 : memref<128xi32, #tpu.memory_space<hbm>>) target(%arg16 : memref<128xi32, #tpu.memory_space<vmem>>) target_semaphore(%arg34 : memref<!tpu.dma_semaphore, #tpu.memory_space<semaphore_mem>>)
        %mul3A_358 = arith.constant 128 : i32
        %mul3A_359 = arith.muli %add3A_342, %mul3A_358 : i32
        %dma_start3A_360 = arith.constant 3 : i32
        %dma_start3A_361 = arith.constant 0 : i32
        %dma_start3A_362 = arith.constant 0 : i32
        %dma_start3A_363 = tpu.memref_slice %arg9[%dma_start3A_360, %dma_start3A_361, %dma_start3A_362] : memref<6x128x32xf32, #tpu.memory_space<vmem>> -> memref<1x128x32xf32, #tpu.memory_space<vmem>>
        %dma_start3A_364 = tpu.memref_squeeze %dma_start3A_363 : memref<1x128x32xf32, #tpu.memory_space<vmem>> -> memref<128x32xf32, #tpu.memory_space<vmem>>
        %dma_start3A_365 = tpu.memref_slice %arg8[%mul3A_359] : memref<10000xi32, #tpu.memory_space<vmem>> -> memref<128xi32, #tpu.memory_space<vmem>>
        %dma_start3A_366 = arith.constant 0 : i32
        %dma_start3A_367 = arith.constant 0 : i32
        %dma_start3A_368 = tpu.memref_slice %arg11[%dma_start3A_366, %dma_start3A_367] : memref<10000x32xf32, #tpu.memory_space<vmem_shared>> -> memref<10000x32xf32, #tpu.memory_space<vmem_shared>>
        tpu.enqueue_indirect_dma source(%dma_start3A_368 : memref<10000x32xf32, #tpu.memory_space<vmem_shared>>) target(%dma_start3A_364 : memref<128x32xf32, #tpu.memory_space<vmem>>) offsets(%dma_start3A_365 : memref<128xi32, #tpu.memory_space<vmem>>) semaphore(%arg22 : memref<!tpu.dma_semaphore, #tpu.memory_space<semaphore_mem>>)
      } else {
      }
    }
    %scan3A_71 = arith.constant 13 : i32
    %dma_wait3A = arith.constant 4 : i32
    %dma_wait3A_72 = arith.constant 0 : i32
    %dma_wait3A_73 = arith.constant 0 : i32
    %dma_wait3A_74 = tpu.memref_slice %arg9[%dma_wait3A, %dma_wait3A_72, %dma_wait3A_73] : memref<6x128x32xf32, #tpu.memory_space<vmem>> -> memref<1x128x32xf32, #tpu.memory_space<vmem>>
    %dma_wait3A_75 = tpu.memref_squeeze %dma_wait3A_74 : memref<1x128x32xf32, #tpu.memory_space<vmem>> -> memref<128x32xf32, #tpu.memory_space<vmem>>
    %dma_wait3A_76 = arith.constant 0 : i32
    %dma_wait3A_77 = arith.constant 0 : i32
    %dma_wait3A_78 = tpu.memref_slice %arg10[%dma_wait3A_76, %dma_wait3A_77] : memref<10000x32xf32, #tpu.memory_space<vmem_shared>> -> memref<10000x32xf32, #tpu.memory_space<vmem_shared>>
    tpu.wait_indirect_dma semaphore(%arg29 : memref<!tpu.dma_semaphore, #tpu.memory_space<semaphore_mem>>) src(%dma_wait3A_75 : memref<128x32xf32, #tpu.memory_space<vmem>>) dst(%dma_wait3A_78 : memref<10000x32xf32, #tpu.memory_space<vmem_shared>>)
    %dma_wait3A_79 = arith.constant 5 : i32
    %dma_wait3A_80 = arith.constant 0 : i32
    %dma_wait3A_81 = arith.constant 0 : i32
    %dma_wait3A_82 = tpu.memref_slice %arg9[%dma_wait3A_79, %dma_wait3A_80, %dma_wait3A_81] : memref<6x128x32xf32, #tpu.memory_space<vmem>> -> memref<1x128x32xf32, #tpu.memory_space<vmem>>
    %dma_wait3A_83 = tpu.memref_squeeze %dma_wait3A_82 : memref<1x128x32xf32, #tpu.memory_space<vmem>> -> memref<128x32xf32, #tpu.memory_space<vmem>>
    %dma_wait3A_84 = arith.constant 0 : i32
    %dma_wait3A_85 = arith.constant 0 : i32
    %dma_wait3A_86 = tpu.memref_slice %arg10[%dma_wait3A_84, %dma_wait3A_85] : memref<10000x32xf32, #tpu.memory_space<vmem_shared>> -> memref<10000x32xf32, #tpu.memory_space<vmem_shared>>
    tpu.wait_indirect_dma semaphore(%arg30 : memref<!tpu.dma_semaphore, #tpu.memory_space<semaphore_mem>>) src(%dma_wait3A_83 : memref<128x32xf32, #tpu.memory_space<vmem>>) dst(%dma_wait3A_86 : memref<10000x32xf32, #tpu.memory_space<vmem_shared>>)
    %add3A_87 = arith.constant 9984 : i32
    %add3A_88 = arith.addi %mul3A_2, %add3A_87 : i32
    "tpu.region"() ({
      %run_scoped3A_120 = tpu.sem_alloc : memref<!tpu.dma_semaphore, #tpu.memory_space<semaphore_mem>>
      %dma_start3A_121 = tpu.memref_slice %arg3[%add3A_88] : memref<320000xi32, #tpu.memory_space<hbm>> -> memref<16xi32, #tpu.memory_space<hbm>>
      %dma_start3A_122 = tpu.memref_slice %arg3[%add3A_88] : memref<320000xi32, #tpu.memory_space<hbm>> -> memref<16xi32, #tpu.memory_space<hbm>>
      tpu.enqueue_dma source(%dma_start3A_122 : memref<16xi32, #tpu.memory_space<hbm>>) target(%arg12 : memref<16xi32, #tpu.memory_space<vmem>>) target_semaphore(%run_scoped3A_120 : memref<!tpu.dma_semaphore, #tpu.memory_space<semaphore_mem>>)
      %dma_wait3A_123 = tpu.memref_slice %arg3[%add3A_88] : memref<320000xi32, #tpu.memory_space<hbm>> -> memref<16xi32, #tpu.memory_space<hbm>>
      %dma_wait3A_124 = tpu.memref_slice %arg3[%add3A_88] : memref<320000xi32, #tpu.memory_space<hbm>> -> memref<16xi32, #tpu.memory_space<hbm>>
      tpu.wait_dma2 semaphore(%run_scoped3A_120 : memref<!tpu.dma_semaphore, #tpu.memory_space<semaphore_mem>>) src(%dma_wait3A_124 : memref<16xi32, #tpu.memory_space<hbm>>) dst(%arg12 : memref<16xi32, #tpu.memory_space<vmem>>)
      tpu.yield
    }) : () -> ()
    %dma_start3A_89 = arith.constant 0 : i32
    %dma_start3A_90 = arith.constant 0 : i32
    %dma_start3A_91 = arith.constant 0 : i32
    %dma_start3A_92 = tpu.memref_slice %arg9[%dma_start3A_89, %dma_start3A_90, %dma_start3A_91] : memref<6x128x32xf32, #tpu.memory_space<vmem>> -> memref<1x16x32xf32, #tpu.memory_space<vmem>>
    %dma_start3A_93 = tpu.memref_squeeze %dma_start3A_92 : memref<1x16x32xf32, #tpu.memory_space<vmem>> -> memref<16x32xf32, #tpu.memory_space<vmem>>
    %dma_start3A_94 = arith.constant 9984 : i32
    %dma_start3A_95 = tpu.memref_slice %arg8[%dma_start3A_94] : memref<10000xi32, #tpu.memory_space<vmem>> -> memref<16xi32, #tpu.memory_space<vmem>>
    %dma_start3A_96 = arith.constant 0 : i32
    %dma_start3A_97 = arith.constant 0 : i32
    %dma_start3A_98 = tpu.memref_slice %arg11[%dma_start3A_96, %dma_start3A_97] : memref<10000x32xf32, #tpu.memory_space<vmem_shared>> -> memref<10000x32xf32, #tpu.memory_space<vmem_shared>>
    tpu.enqueue_indirect_dma source(%dma_start3A_98 : memref<10000x32xf32, #tpu.memory_space<vmem_shared>>) target(%dma_start3A_93 : memref<16x32xf32, #tpu.memory_space<vmem>>) offsets(%dma_start3A_95 : memref<16xi32, #tpu.memory_space<vmem>>) semaphore(%arg19 : memref<!tpu.dma_semaphore, #tpu.memory_space<semaphore_mem>>)
    %dma_wait3A_99 = arith.constant 0 : i32
    %dma_wait3A_100 = arith.constant 0 : i32
    %dma_wait3A_101 = arith.constant 0 : i32
    %dma_wait3A_102 = tpu.memref_slice %arg9[%dma_wait3A_99, %dma_wait3A_100, %dma_wait3A_101] : memref<6x128x32xf32, #tpu.memory_space<vmem>> -> memref<1x16x32xf32, #tpu.memory_space<vmem>>
    %dma_wait3A_103 = tpu.memref_squeeze %dma_wait3A_102 : memref<1x16x32xf32, #tpu.memory_space<vmem>> -> memref<16x32xf32, #tpu.memory_space<vmem>>
    %dma_wait3A_104 = arith.constant 9984 : i32
    %dma_wait3A_105 = tpu.memref_slice %arg8[%dma_wait3A_104] : memref<10000xi32, #tpu.memory_space<vmem>> -> memref<16xi32, #tpu.memory_space<vmem>>
    %dma_wait3A_106 = arith.constant 0 : i32
    %dma_wait3A_107 = arith.constant 0 : i32
    %dma_wait3A_108 = tpu.memref_slice %arg11[%dma_wait3A_106, %dma_wait3A_107] : memref<10000x32xf32, #tpu.memory_space<vmem_shared>> -> memref<10000x32xf32, #tpu.memory_space<vmem_shared>>
    tpu.wait_indirect_dma semaphore(%arg19 : memref<!tpu.dma_semaphore, #tpu.memory_space<semaphore_mem>>) src(%dma_wait3A_108 : memref<10000x32xf32, #tpu.memory_space<vmem_shared>>) dst(%dma_wait3A_103 : memref<16x32xf32, #tpu.memory_space<vmem>>)
    %run_scoped3A = arith.constant 0 : i32
    "tpu.region"() ({
      %run_scoped3A_120 = tpu.sem_alloc : memref<!tpu.dma_semaphore, #tpu.memory_space<semaphore_mem>>
      %dma_start3A_121 = arith.constant 0 : i32
      %dma_start3A_122 = arith.constant 0 : i32
      %dma_start3A_123 = tpu.memref_slice %arg9[%run_scoped3A, %dma_start3A_121, %dma_start3A_122] : memref<6x128x32xf32, #tpu.memory_space<vmem>> -> memref<1x16x32xf32, #tpu.memory_space<vmem>>
      %dma_start3A_124 = tpu.memref_squeeze %dma_start3A_123 : memref<1x16x32xf32, #tpu.memory_space<vmem>> -> memref<16x32xf32, #tpu.memory_space<vmem>>
      %dma_start3A_125 = arith.constant 0 : i32
      %dma_start3A_126 = arith.constant 0 : i32
      %dma_start3A_127 = tpu.memref_slice %arg10[%dma_start3A_125, %dma_start3A_126] : memref<10000x32xf32, #tpu.memory_space<vmem_shared>> -> memref<10000x32xf32, #tpu.memory_space<vmem_shared>>
      tpu.enqueue_indirect_dma source(%dma_start3A_124 : memref<16x32xf32, #tpu.memory_space<vmem>>) target(%dma_start3A_127 : memref<10000x32xf32, #tpu.memory_space<vmem_shared>>) offsets(%arg12 : memref<16xi32, #tpu.memory_space<vmem>>) semaphore(%run_scoped3A_120 : memref<!tpu.dma_semaphore, #tpu.memory_space<semaphore_mem>>) {add = true}
      %dma_wait3A_128 = arith.constant 0 : i32
      %dma_wait3A_129 = arith.constant 0 : i32
      %dma_wait3A_130 = tpu.memref_slice %arg9[%run_scoped3A, %dma_wait3A_128, %dma_wait3A_129] : memref<6x128x32xf32, #tpu.memory_space<vmem>> -> memref<1x16x32xf32, #tpu.memory_space<vmem>>
      %dma_wait3A_131 = tpu.memref_squeeze %dma_wait3A_130 : memref<1x16x32xf32, #tpu.memory_space<vmem>> -> memref<16x32xf32, #tpu.memory_space<vmem>>
      %dma_wait3A_132 = arith.constant 0 : i32
      %dma_wait3A_133 = arith.constant 0 : i32
      %dma_wait3A_134 = tpu.memref_slice %arg10[%dma_wait3A_132, %dma_wait3A_133] : memref<10000x32xf32, #tpu.memory_space<vmem_shared>> -> memref<10000x32xf32, #tpu.memory_space<vmem_shared>>
      tpu.wait_indirect_dma semaphore(%run_scoped3A_120 : memref<!tpu.dma_semaphore, #tpu.memory_space<semaphore_mem>>) src(%dma_wait3A_131 : memref<16x32xf32, #tpu.memory_space<vmem>>) dst(%dma_wait3A_134 : memref<10000x32xf32, #tpu.memory_space<vmem_shared>>)
      tpu.yield
    }) : () -> ()
    %barrier3A_109 = arith.constant 0 : index
    tpu.barrier barrier_id(%barrier3A_109)
    %eq3A_110 = arith.constant 0 : i32
    %eq3A_111 = arith.cmpi eq, %arg0, %eq3A_110 : i32
    %convert_element_type3A_112 = arith.extui %eq3A_111 : i1 to i32
    %cond3A_113 = arith.constant 0 : i32
    %cond3A_114 = arith.cmpi ne, %convert_element_type3A_112, %cond3A_113 : i32
    scf.if %cond3A_114 {
      %mul3A_120 = arith.constant 624 : i32
      %mul3A_121 = arith.muli %arg1, %mul3A_120 : i32
      %mul3A_122 = arith.constant 624 : i32
      %mul3A_123 = arith.muli %arg1, %mul3A_122 : i32
      "tpu.region"() ({
        %run_scoped3A_129 = tpu.sem_alloc : memref<!tpu.dma_semaphore, #tpu.memory_space<semaphore_mem>>
        %dma_start3A_130 = arith.constant 0 : i32
        %dma_start3A_131 = tpu.memref_slice %arg6[%mul3A_123, %dma_start3A_130] : memref<10000x32xf32, #tpu.memory_space<hbm>> -> memref<624x32xf32, #tpu.memory_space<hbm>>
        %dma_start3A_132 = arith.constant 0 : i32
        %dma_start3A_133 = tpu.memref_slice %arg10[%mul3A_121, %dma_start3A_132] : memref<10000x32xf32, #tpu.memory_space<vmem_shared>> -> memref<624x32xf32, #tpu.memory_space<vmem_shared>>
        tpu.enqueue_dma source(%dma_start3A_133 : memref<624x32xf32, #tpu.memory_space<vmem_shared>>) target(%dma_start3A_131 : memref<624x32xf32, #tpu.memory_space<hbm>>) target_semaphore(%run_scoped3A_129 : memref<!tpu.dma_semaphore, #tpu.memory_space<semaphore_mem>>)
        %dma_wait3A_134 = arith.constant 0 : i32
        %dma_wait3A_135 = tpu.memref_slice %arg6[%mul3A_123, %dma_wait3A_134] : memref<10000x32xf32, #tpu.memory_space<hbm>> -> memref<624x32xf32, #tpu.memory_space<hbm>>
        %dma_wait3A_136 = arith.constant 0 : i32
        %dma_wait3A_137 = tpu.memref_slice %arg10[%mul3A_121, %dma_wait3A_136] : memref<10000x32xf32, #tpu.memory_space<vmem_shared>> -> memref<624x32xf32, #tpu.memory_space<vmem_shared>>
        tpu.wait_dma2 semaphore(%run_scoped3A_129 : memref<!tpu.dma_semaphore, #tpu.memory_space<semaphore_mem>>) src(%dma_wait3A_137 : memref<624x32xf32, #tpu.memory_space<vmem_shared>>) dst(%dma_wait3A_135 : memref<624x32xf32, #tpu.memory_space<hbm>>)
        tpu.yield
      }) : () -> ()
      %eq3A_124 = arith.constant 15 : i32
      %eq3A_125 = arith.cmpi eq, %arg1, %eq3A_124 : i32
      %convert_element_type3A_126 = arith.extui %eq3A_125 : i1 to i32
      %cond3A_127 = arith.constant 0 : i32
      %cond3A_128 = arith.cmpi ne, %convert_element_type3A_126, %cond3A_127 : i32
      scf.if %cond3A_128 {
        "tpu.region"() ({
          %run_scoped3A_129 = tpu.sem_alloc : memref<!tpu.dma_semaphore, #tpu.memory_space<semaphore_mem>>
          %dma_start3A_130 = arith.constant 9984 : i32
          %dma_start3A_131 = arith.constant 0 : i32
          %dma_start3A_132 = tpu.memref_slice %arg6[%dma_start3A_130, %dma_start3A_131] : memref<10000x32xf32, #tpu.memory_space<hbm>> -> memref<16x32xf32, #tpu.memory_space<hbm>>
          %dma_start3A_133 = arith.constant 9984 : i32
          %dma_start3A_134 = arith.constant 0 : i32
          %dma_start3A_135 = tpu.memref_slice %arg10[%dma_start3A_133, %dma_start3A_134] : memref<10000x32xf32, #tpu.memory_space<vmem_shared>> -> memref<16x32xf32, #tpu.memory_space<vmem_shared>>
          tpu.enqueue_dma source(%dma_start3A_135 : memref<16x32xf32, #tpu.memory_space<vmem_shared>>) target(%dma_start3A_132 : memref<16x32xf32, #tpu.memory_space<hbm>>) target_semaphore(%run_scoped3A_129 : memref<!tpu.dma_semaphore, #tpu.memory_space<semaphore_mem>>)
          %dma_wait3A_136 = arith.constant 9984 : i32
          %dma_wait3A_137 = arith.constant 0 : i32
          %dma_wait3A_138 = tpu.memref_slice %arg6[%dma_wait3A_136, %dma_wait3A_137] : memref<10000x32xf32, #tpu.memory_space<hbm>> -> memref<16x32xf32, #tpu.memory_space<hbm>>
          %dma_wait3A_139 = arith.constant 9984 : i32
          %dma_wait3A_140 = arith.constant 0 : i32
          %dma_wait3A_141 = tpu.memref_slice %arg10[%dma_wait3A_139, %dma_wait3A_140] : memref<10000x32xf32, #tpu.memory_space<vmem_shared>> -> memref<16x32xf32, #tpu.memory_space<vmem_shared>>
          tpu.wait_dma2 semaphore(%run_scoped3A_129 : memref<!tpu.dma_semaphore, #tpu.memory_space<semaphore_mem>>) src(%dma_wait3A_141 : memref<16x32xf32, #tpu.memory_space<vmem_shared>>) dst(%dma_wait3A_138 : memref<16x32xf32, #tpu.memory_space<hbm>>)
          tpu.yield
        }) : () -> ()
      } else {
      }
    } else {
    }
    %eq3A_115 = arith.constant 1 : i32
    %eq3A_116 = arith.cmpi eq, %arg0, %eq3A_115 : i32
    %convert_element_type3A_117 = arith.extui %eq3A_116 : i1 to i32
    %cond3A_118 = arith.constant 0 : i32
    %cond3A_119 = arith.cmpi ne, %convert_element_type3A_117, %cond3A_118 : i32
    scf.if %cond3A_119 {
      %mul3A_120 = arith.constant 624 : i32
      %mul3A_121 = arith.muli %arg1, %mul3A_120 : i32
      %mul3A_122 = arith.constant 624 : i32
      %mul3A_123 = arith.muli %arg1, %mul3A_122 : i32
      "tpu.region"() ({
        %run_scoped3A_129 = tpu.sem_alloc : memref<!tpu.dma_semaphore, #tpu.memory_space<semaphore_mem>>
        %dma_start3A_130 = arith.constant 0 : i32
        %dma_start3A_131 = tpu.memref_slice %arg7[%mul3A_123, %dma_start3A_130] : memref<10000x32xf32, #tpu.memory_space<hbm>> -> memref<624x32xf32, #tpu.memory_space<hbm>>
        %dma_start3A_132 = arith.constant 0 : i32
        %dma_start3A_133 = tpu.memref_slice %arg10[%mul3A_121, %dma_start3A_132] : memref<10000x32xf32, #tpu.memory_space<vmem_shared>> -> memref<624x32xf32, #tpu.memory_space<vmem_shared>>
        tpu.enqueue_dma source(%dma_start3A_133 : memref<624x32xf32, #tpu.memory_space<vmem_shared>>) target(%dma_start3A_131 : memref<624x32xf32, #tpu.memory_space<hbm>>) target_semaphore(%run_scoped3A_129 : memref<!tpu.dma_semaphore, #tpu.memory_space<semaphore_mem>>)
        %dma_wait3A_134 = arith.constant 0 : i32
        %dma_wait3A_135 = tpu.memref_slice %arg7[%mul3A_123, %dma_wait3A_134] : memref<10000x32xf32, #tpu.memory_space<hbm>> -> memref<624x32xf32, #tpu.memory_space<hbm>>
        %dma_wait3A_136 = arith.constant 0 : i32
        %dma_wait3A_137 = tpu.memref_slice %arg10[%mul3A_121, %dma_wait3A_136] : memref<10000x32xf32, #tpu.memory_space<vmem_shared>> -> memref<624x32xf32, #tpu.memory_space<vmem_shared>>
        tpu.wait_dma2 semaphore(%run_scoped3A_129 : memref<!tpu.dma_semaphore, #tpu.memory_space<semaphore_mem>>) src(%dma_wait3A_137 : memref<624x32xf32, #tpu.memory_space<vmem_shared>>) dst(%dma_wait3A_135 : memref<624x32xf32, #tpu.memory_space<hbm>>)
        tpu.yield
      }) : () -> ()
      %eq3A_124 = arith.constant 15 : i32
      %eq3A_125 = arith.cmpi eq, %arg1, %eq3A_124 : i32
      %convert_element_type3A_126 = arith.extui %eq3A_125 : i1 to i32
      %cond3A_127 = arith.constant 0 : i32
      %cond3A_128 = arith.cmpi ne, %convert_element_type3A_126, %cond3A_127 : i32
      scf.if %cond3A_128 {
        "tpu.region"() ({
          %run_scoped3A_129 = tpu.sem_alloc : memref<!tpu.dma_semaphore, #tpu.memory_space<semaphore_mem>>
          %dma_start3A_130 = arith.constant 9984 : i32
          %dma_start3A_131 = arith.constant 0 : i32
          %dma_start3A_132 = tpu.memref_slice %arg7[%dma_start3A_130, %dma_start3A_131] : memref<10000x32xf32, #tpu.memory_space<hbm>> -> memref<16x32xf32, #tpu.memory_space<hbm>>
          %dma_start3A_133 = arith.constant 9984 : i32
          %dma_start3A_134 = arith.constant 0 : i32
          %dma_start3A_135 = tpu.memref_slice %arg10[%dma_start3A_133, %dma_start3A_134] : memref<10000x32xf32, #tpu.memory_space<vmem_shared>> -> memref<16x32xf32, #tpu.memory_space<vmem_shared>>
          tpu.enqueue_dma source(%dma_start3A_135 : memref<16x32xf32, #tpu.memory_space<vmem_shared>>) target(%dma_start3A_132 : memref<16x32xf32, #tpu.memory_space<hbm>>) target_semaphore(%run_scoped3A_129 : memref<!tpu.dma_semaphore, #tpu.memory_space<semaphore_mem>>)
          %dma_wait3A_136 = arith.constant 9984 : i32
          %dma_wait3A_137 = arith.constant 0 : i32
          %dma_wait3A_138 = tpu.memref_slice %arg7[%dma_wait3A_136, %dma_wait3A_137] : memref<10000x32xf32, #tpu.memory_space<hbm>> -> memref<16x32xf32, #tpu.memory_space<hbm>>
          %dma_wait3A_139 = arith.constant 9984 : i32
          %dma_wait3A_140 = arith.constant 0 : i32
          %dma_wait3A_141 = tpu.memref_slice %arg10[%dma_wait3A_139, %dma_wait3A_140] : memref<10000x32xf32, #tpu.memory_space<vmem_shared>> -> memref<16x32xf32, #tpu.memory_space<vmem_shared>>
          tpu.wait_dma2 semaphore(%run_scoped3A_129 : memref<!tpu.dma_semaphore, #tpu.memory_space<semaphore_mem>>) src(%dma_wait3A_141 : memref<16x32xf32, #tpu.memory_space<vmem_shared>>) dst(%dma_wait3A_138 : memref<16x32xf32, #tpu.memory_space<hbm>>)
          tpu.yield
        }) : () -> ()
      } else {
      }
    } else {
    }
    return
  }
}

module attributes {stable_mosaic.version = 14 : i64} {
  func.func @_enc_body(%arg0: i32, %arg1: memref<10000x128xf32, #tpu.memory_space<vmem>>, %arg2: memref<128x64xf32, #tpu.memory_space<vmem>>, %arg3: memref<1x64xf32, #tpu.memory_space<vmem>>, %arg4: memref<1x64xf32, #tpu.memory_space<vmem>>, %arg5: memref<64x32xf32, #tpu.memory_space<vmem>>, %arg6: memref<1x32xf32, #tpu.memory_space<vmem>>, %arg7: memref<1x32xf32, #tpu.memory_space<vmem>>, %arg8: memref<10000x32xf32, #tpu.memory_space<vmem>>) attributes {dimension_semantics = [#tpu.dimension_semantics<arbitrary>], iteration_bounds = array<i64: 1>, scalar_prefetch = 0 : i64, scratch_operands = 0 : i64, tpu.core_type = #tpu.core_type<tc>, window_params = [{pipeline_mode = #tpu.pipeline_mode<synchronous>, transform_indices = @transform_0, window_bounds = array<i64: 10000, 128>}, {pipeline_mode = #tpu.pipeline_mode<synchronous>, transform_indices = @transform_1, window_bounds = array<i64: 128, 64>}, {pipeline_mode = #tpu.pipeline_mode<synchronous>, transform_indices = @transform_2, window_bounds = array<i64: 1, 64>}, {pipeline_mode = #tpu.pipeline_mode<synchronous>, transform_indices = @transform_3, window_bounds = array<i64: 1, 64>}, {pipeline_mode = #tpu.pipeline_mode<synchronous>, transform_indices = @transform_4, window_bounds = array<i64: 64, 32>}, {pipeline_mode = #tpu.pipeline_mode<synchronous>, transform_indices = @transform_5, window_bounds = array<i64: 1, 32>}, {pipeline_mode = #tpu.pipeline_mode<synchronous>, transform_indices = @transform_6, window_bounds = array<i64: 1, 32>}, {pipeline_mode = #tpu.pipeline_mode<synchronous>, transform_indices = @transform_7, window_bounds = array<i64: 10000, 32>}]} {
    %get3A = arith.constant 0 : index
    %get3A_0 = arith.constant 0 : index
    %get3A_1 = vector.load %arg1[%get3A, %get3A_0] : memref<10000x128xf32, #tpu.memory_space<vmem>>, vector<10000x128xf32>
    %get3A_2 = arith.constant 0 : index
    %get3A_3 = arith.constant 0 : index
    %get3A_4 = vector.load %arg2[%get3A_2, %get3A_3] : memref<128x64xf32, #tpu.memory_space<vmem>>, vector<128x64xf32>
    %dot_general3A = arith.constant dense<0.000000e+00> : vector<10000x64xf32>
    %dot_general3A_5 = tpu.matmul %get3A_1, %get3A_4, %dot_general3A {dimension_numbers = #tpu.dot_dimension_numbers<[1], [0], [0], [1], [0, 0, 1, 1], [], []>, transpose_lhs_hint = false} : vector<10000x128xf32>, vector<128x64xf32>, vector<10000x64xf32> -> vector<10000x64xf32>
    %get3A_6 = arith.constant 0 : index
    %get3A_7 = arith.constant 0 : index
    %get3A_8 = vector.load %arg3[%get3A_6, %get3A_7] : memref<1x64xf32, #tpu.memory_space<vmem>>, vector<1x64xf32>
    %mul3A = vector.broadcast %get3A_8 : vector<1x64xf32> to vector<10000x64xf32>
    %mul3A_9 = arith.mulf %dot_general3A_5, %mul3A : vector<10000x64xf32>
    %get3A_10 = arith.constant 0 : index
    %get3A_11 = arith.constant 0 : index
    %get3A_12 = vector.load %arg4[%get3A_10, %get3A_11] : memref<1x64xf32, #tpu.memory_space<vmem>>, vector<1x64xf32>
    %add3A = vector.broadcast %get3A_12 : vector<1x64xf32> to vector<10000x64xf32>
    %add3A_13 = arith.addf %mul3A_9, %add3A : vector<10000x64xf32>
    %gt3A = arith.constant 0.000000e+00 : f32
    %gt3A_14 = vector.broadcast %gt3A : f32 to vector<10000x64xf32>
    %gt3A_15 = arith.cmpf ogt, %add3A_13, %gt3A_14 : vector<10000x64xf32>
    %min3A = arith.constant 0.000000e+00 : f32
    %min3A_16 = vector.broadcast %min3A : f32 to vector<10000x64xf32>
    %min3A_17 = arith.minimumf %add3A_13, %min3A_16 : vector<10000x64xf32>
    %exp3A = math.exp %min3A_17 : vector<10000x64xf32>
    %sub3A = arith.constant 1.000000e+00 : f32
    %sub3A_18 = vector.broadcast %sub3A : f32 to vector<10000x64xf32>
    %sub3A_19 = arith.subf %exp3A, %sub3A_18 : vector<10000x64xf32>
    %select_n3A = arith.select %gt3A_15, %add3A_13, %sub3A_19 : vector<10000x64xi1>, vector<10000x64xf32>
    %get3A_20 = arith.constant 0 : index
    %get3A_21 = arith.constant 0 : index
    %get3A_22 = vector.load %arg5[%get3A_20, %get3A_21] : memref<64x32xf32, #tpu.memory_space<vmem>>, vector<64x32xf32>
    %dot_general3A_23 = arith.constant dense<0.000000e+00> : vector<10000x32xf32>
    %dot_general3A_24 = tpu.matmul %select_n3A, %get3A_22, %dot_general3A_23 {dimension_numbers = #tpu.dot_dimension_numbers<[1], [0], [0], [1], [0, 0, 1, 1], [], []>, transpose_lhs_hint = false} : vector<10000x64xf32>, vector<64x32xf32>, vector<10000x32xf32> -> vector<10000x32xf32>
    %get3A_25 = arith.constant 0 : index
    %get3A_26 = arith.constant 0 : index
    %get3A_27 = vector.load %arg6[%get3A_25, %get3A_26] : memref<1x32xf32, #tpu.memory_space<vmem>>, vector<1x32xf32>
    %mul3A_28 = vector.broadcast %get3A_27 : vector<1x32xf32> to vector<10000x32xf32>
    %mul3A_29 = arith.mulf %dot_general3A_24, %mul3A_28 : vector<10000x32xf32>
    %get3A_30 = arith.constant 0 : index
    %get3A_31 = arith.constant 0 : index
    %get3A_32 = vector.load %arg7[%get3A_30, %get3A_31] : memref<1x32xf32, #tpu.memory_space<vmem>>, vector<1x32xf32>
    %add3A_33 = vector.broadcast %get3A_32 : vector<1x32xf32> to vector<10000x32xf32>
    %add3A_34 = arith.addf %mul3A_29, %add3A_33 : vector<10000x32xf32>
    %gt3A_35 = arith.constant 0.000000e+00 : f32
    %gt3A_36 = vector.broadcast %gt3A_35 : f32 to vector<10000x32xf32>
    %gt3A_37 = arith.cmpf ogt, %add3A_34, %gt3A_36 : vector<10000x32xf32>
    %min3A_38 = arith.constant 0.000000e+00 : f32
    %min3A_39 = vector.broadcast %min3A_38 : f32 to vector<10000x32xf32>
    %min3A_40 = arith.minimumf %add3A_34, %min3A_39 : vector<10000x32xf32>
    %exp3A_41 = math.exp %min3A_40 : vector<10000x32xf32>
    %sub3A_42 = arith.constant 1.000000e+00 : f32
    %sub3A_43 = vector.broadcast %sub3A_42 : f32 to vector<10000x32xf32>
    %sub3A_44 = arith.subf %exp3A_41, %sub3A_43 : vector<10000x32xf32>
    %select_n3A_45 = arith.select %gt3A_37, %add3A_34, %sub3A_44 : vector<10000x32xi1>, vector<10000x32xf32>
    %swap3A = arith.constant 0 : index
    %swap3A_46 = arith.constant 0 : index
    %swap3A_47 = vector.load %arg8[%swap3A, %swap3A_46] : memref<10000x32xf32, #tpu.memory_space<vmem>>, vector<10000x32xf32>
    tpu.vector_store %arg8[%swap3A, %swap3A_46], %select_n3A_45 {strides = array<i32>} : memref<10000x32xf32, #tpu.memory_space<vmem>>, vector<10000x32xf32>,
    return
  }
  func.func @transform_0(%arg0: i32) -> (i32, i32) {
    %c0_i32 = arith.constant 0 : i32
    %c0_i32_0 = arith.constant 0 : i32
    %c0_i32_1 = arith.constant 0 : i32
    return %c0_i32, %c0_i32_0 : i32, i32
  }
  func.func @transform_1(%arg0: i32) -> (i32, i32) {
    %c0_i32 = arith.constant 0 : i32
    %c0_i32_0 = arith.constant 0 : i32
    %c0_i32_1 = arith.constant 0 : i32
    return %c0_i32, %c0_i32_0 : i32, i32
  }
  func.func @transform_2(%arg0: i32) -> (i32, i32) {
    %c0_i32 = arith.constant 0 : i32
    %c0_i32_0 = arith.constant 0 : i32
    %c0_i32_1 = arith.constant 0 : i32
    return %c0_i32, %c0_i32_0 : i32, i32
  }
  func.func @transform_3(%arg0: i32) -> (i32, i32) {
    %c0_i32 = arith.constant 0 : i32
    %c0_i32_0 = arith.constant 0 : i32
    %c0_i32_1 = arith.constant 0 : i32
    return %c0_i32, %c0_i32_0 : i32, i32
  }
  func.func @transform_4(%arg0: i32) -> (i32, i32) {
    %c0_i32 = arith.constant 0 : i32
    %c0_i32_0 = arith.constant 0 : i32
    %c0_i32_1 = arith.constant 0 : i32
    return %c0_i32, %c0_i32_0 : i32, i32
  }
  func.func @transform_5(%arg0: i32) -> (i32, i32) {
    %c0_i32 = arith.constant 0 : i32
    %c0_i32_0 = arith.constant 0 : i32
    %c0_i32_1 = arith.constant 0 : i32
    return %c0_i32, %c0_i32_0 : i32, i32
  }
  func.func @transform_6(%arg0: i32) -> (i32, i32) {
    %c0_i32 = arith.constant 0 : i32
    %c0_i32_0 = arith.constant 0 : i32
    %c0_i32_1 = arith.constant 0 : i32
    return %c0_i32, %c0_i32_0 : i32, i32
  }
  func.func @transform_7(%arg0: i32) -> (i32, i32) {
    %c0_i32 = arith.constant 0 : i32
    %c0_i32_0 = arith.constant 0 : i32
    %c0_i32_1 = arith.constant 0 : i32
    return %c0_i32, %c0_i32_0 : i32, i32
  }
}

module attributes {stable_mosaic.version = 14 : i64} {
  func.func @_hidden_body(%arg0: i32, %arg1: memref<2500x128xf32, #tpu.memory_space<vmem>>, %arg2: memref<2500x128xf32, #tpu.memory_space<vmem>>, %arg3: memref<32x32xf32, #tpu.memory_space<vmem>>, %arg4: memref<2500x128xf32, #tpu.memory_space<vmem>>) attributes {dimension_semantics = [#tpu.dimension_semantics<arbitrary>], iteration_bounds = array<i64: 1>, scalar_prefetch = 0 : i64, scratch_operands = 0 : i64, tpu.core_type = #tpu.core_type<tc>, window_params = [{pipeline_mode = #tpu.pipeline_mode<synchronous>, transform_indices = @transform_0, window_bounds = array<i64: 2500, 128>}, {pipeline_mode = #tpu.pipeline_mode<synchronous>, transform_indices = @transform_1, window_bounds = array<i64: 2500, 128>}, {pipeline_mode = #tpu.pipeline_mode<synchronous>, transform_indices = @transform_2, window_bounds = array<i64: 32, 32>}, {pipeline_mode = #tpu.pipeline_mode<synchronous>, transform_indices = @transform_3, window_bounds = array<i64: 2500, 128>}]} {
    %get3A = arith.constant 0 : index
    %get3A_0 = arith.constant 0 : index
    %get3A_1 = vector.load %arg1[%get3A, %get3A_0] : memref<2500x128xf32, #tpu.memory_space<vmem>>, vector<2500x128xf32>
    %get3A_2 = arith.constant 0 : index
    %get3A_3 = arith.constant 0 : index
    %get3A_4 = vector.load %arg2[%get3A_2, %get3A_3] : memref<2500x128xf32, #tpu.memory_space<vmem>>, vector<2500x128xf32>
    %add3A = arith.addf %get3A_1, %get3A_4 : vector<2500x128xf32>
    %get3A_5 = arith.constant 0 : index
    %get3A_6 = arith.constant 0 : index
    %get3A_7 = vector.load %arg3[%get3A_5, %get3A_6] : memref<32x32xf32, #tpu.memory_space<vmem>>, vector<32x32xf32>
    %slice3A = vector.extract_strided_slice %add3A {offsets = [0, 0], sizes = [2500, 32], strides = [1, 1]} : vector<2500x128xf32> to vector<2500x32xf32>
    %dot_general3A = arith.constant dense<0.000000e+00> : vector<2500x32xf32>
    %dot_general3A_8 = tpu.matmul %slice3A, %get3A_7, %dot_general3A {dimension_numbers = #tpu.dot_dimension_numbers<[1], [0], [0], [1], [0, 0, 1, 1], [], []>, transpose_lhs_hint = false} : vector<2500x32xf32>, vector<32x32xf32>, vector<2500x32xf32> -> vector<2500x32xf32>
    %max3A = arith.constant 0.000000e+00 : f32
    %max3A_9 = vector.broadcast %max3A : f32 to vector<2500x32xf32>
    %max3A_10 = arith.maximumf %dot_general3A_8, %max3A_9 : vector<2500x32xf32>
    %slice3A_11 = vector.extract_strided_slice %add3A {offsets = [0, 32], sizes = [2500, 32], strides = [1, 1]} : vector<2500x128xf32> to vector<2500x32xf32>
    %dot_general3A_12 = arith.constant dense<0.000000e+00> : vector<2500x32xf32>
    %dot_general3A_13 = tpu.matmul %slice3A_11, %get3A_7, %dot_general3A_12 {dimension_numbers = #tpu.dot_dimension_numbers<[1], [0], [0], [1], [0, 0, 1, 1], [], []>, transpose_lhs_hint = false} : vector<2500x32xf32>, vector<32x32xf32>, vector<2500x32xf32> -> vector<2500x32xf32>
    %max3A_14 = arith.constant 0.000000e+00 : f32
    %max3A_15 = vector.broadcast %max3A_14 : f32 to vector<2500x32xf32>
    %max3A_16 = arith.maximumf %dot_general3A_13, %max3A_15 : vector<2500x32xf32>
    %slice3A_17 = vector.extract_strided_slice %add3A {offsets = [0, 64], sizes = [2500, 32], strides = [1, 1]} : vector<2500x128xf32> to vector<2500x32xf32>
    %dot_general3A_18 = arith.constant dense<0.000000e+00> : vector<2500x32xf32>
    %dot_general3A_19 = tpu.matmul %slice3A_17, %get3A_7, %dot_general3A_18 {dimension_numbers = #tpu.dot_dimension_numbers<[1], [0], [0], [1], [0, 0, 1, 1], [], []>, transpose_lhs_hint = false} : vector<2500x32xf32>, vector<32x32xf32>, vector<2500x32xf32> -> vector<2500x32xf32>
    %max3A_20 = arith.constant 0.000000e+00 : f32
    %max3A_21 = vector.broadcast %max3A_20 : f32 to vector<2500x32xf32>
    %max3A_22 = arith.maximumf %dot_general3A_19, %max3A_21 : vector<2500x32xf32>
    %slice3A_23 = vector.extract_strided_slice %add3A {offsets = [0, 96], sizes = [2500, 32], strides = [1, 1]} : vector<2500x128xf32> to vector<2500x32xf32>
    %dot_general3A_24 = arith.constant dense<0.000000e+00> : vector<2500x32xf32>
    %dot_general3A_25 = tpu.matmul %slice3A_23, %get3A_7, %dot_general3A_24 {dimension_numbers = #tpu.dot_dimension_numbers<[1], [0], [0], [1], [0, 0, 1, 1], [], []>, transpose_lhs_hint = false} : vector<2500x32xf32>, vector<32x32xf32>, vector<2500x32xf32> -> vector<2500x32xf32>
    %max3A_26 = arith.constant 0.000000e+00 : f32
    %max3A_27 = vector.broadcast %max3A_26 : f32 to vector<2500x32xf32>
    %max3A_28 = arith.maximumf %dot_general3A_25, %max3A_27 : vector<2500x32xf32>
    %concatenate3A = tpu.concatenate %max3A_10, %max3A_16, %max3A_22, %max3A_28 in 1 : vector<2500x32xf32>, vector<2500x32xf32>, vector<2500x32xf32>, vector<2500x32xf32> -> vector<2500x128xf32>
    %swap3A = arith.constant 0 : index
    %swap3A_29 = arith.constant 0 : index
    %swap3A_30 = vector.load %arg4[%swap3A, %swap3A_29] : memref<2500x128xf32, #tpu.memory_space<vmem>>, vector<2500x128xf32>
    tpu.vector_store %arg4[%swap3A, %swap3A_29], %concatenate3A {strides = array<i32>} : memref<2500x128xf32, #tpu.memory_space<vmem>>, vector<2500x128xf32>,
    return
  }
  func.func @transform_0(%arg0: i32) -> (i32, i32) {
    %c0_i32 = arith.constant 0 : i32
    %c0_i32_0 = arith.constant 0 : i32
    %c0_i32_1 = arith.constant 0 : i32
    return %c0_i32, %c0_i32_0 : i32, i32
  }
  func.func @transform_1(%arg0: i32) -> (i32, i32) {
    %c0_i32 = arith.constant 0 : i32
    %c0_i32_0 = arith.constant 0 : i32
    %c0_i32_1 = arith.constant 0 : i32
    return %c0_i32, %c0_i32_0 : i32, i32
  }
  func.func @transform_2(%arg0: i32) -> (i32, i32) {
    %c0_i32 = arith.constant 0 : i32
    %c0_i32_0 = arith.constant 0 : i32
    %c0_i32_1 = arith.constant 0 : i32
    return %c0_i32, %c0_i32_0 : i32, i32
  }
  func.func @transform_3(%arg0: i32) -> (i32, i32) {
    %c0_i32 = arith.constant 0 : i32
    %c0_i32_0 = arith.constant 0 : i32
    %c0_i32_1 = arith.constant 0 : i32
    return %c0_i32, %c0_i32_0 : i32, i32
  }
}

module attributes {stable_mosaic.version = 14 : i64} {
  func.func @_head_body(%arg0: i32, %arg1: memref<2500x128xf32, #tpu.memory_space<vmem>>, %arg2: memref<2500x128xf32, #tpu.memory_space<vmem>>, %arg3: memref<2500x128xf32, #tpu.memory_space<vmem>>, %arg4: memref<32x16xf32, #tpu.memory_space<vmem>>, %arg5: memref<32x16xf32, #tpu.memory_space<vmem>>, %arg6: memref<48x16xf32, #tpu.memory_space<vmem>>, %arg7: memref<1x16xf32, #tpu.memory_space<vmem>>, %arg8: memref<1x16xf32, #tpu.memory_space<vmem>>, %arg9: memref<48x32xf32, #tpu.memory_space<vmem>>, %arg10: memref<1x32xf32, #tpu.memory_space<vmem>>, %arg11: memref<1x32xf32, #tpu.memory_space<vmem>>, %arg12: memref<48x128xf32, #tpu.memory_space<vmem>>, %arg13: memref<1x128xf32, #tpu.memory_space<vmem>>, %arg14: memref<1x128xf32, #tpu.memory_space<vmem>>, %arg15: memref<2500x64xf32, #tpu.memory_space<vmem>>, %arg16: memref<2500x64xf32, #tpu.memory_space<vmem>>, %arg17: memref<2500x64xf32, #tpu.memory_space<vmem>>, %arg18: memref<2500x128xf32, #tpu.memory_space<vmem>>, %arg19: memref<2500x512xf32, #tpu.memory_space<vmem>>) attributes {dimension_semantics = [#tpu.dimension_semantics<arbitrary>], iteration_bounds = array<i64: 1>, scalar_prefetch = 0 : i64, scratch_operands = 0 : i64, tpu.core_type = #tpu.core_type<tc>, window_params = [{pipeline_mode = #tpu.pipeline_mode<synchronous>, transform_indices = @transform_0, window_bounds = array<i64: 2500, 128>}, {pipeline_mode = #tpu.pipeline_mode<synchronous>, transform_indices = @transform_1, window_bounds = array<i64: 2500, 128>}, {pipeline_mode = #tpu.pipeline_mode<synchronous>, transform_indices = @transform_2, window_bounds = array<i64: 2500, 128>}, {pipeline_mode = #tpu.pipeline_mode<synchronous>, transform_indices = @transform_3, window_bounds = array<i64: 32, 16>}, {pipeline_mode = #tpu.pipeline_mode<synchronous>, transform_indices = @transform_4, window_bounds = array<i64: 32, 16>}, {pipeline_mode = #tpu.pipeline_mode<synchronous>, transform_indices = @transform_5, window_bounds = array<i64: 48, 16>}, {pipeline_mode = #tpu.pipeline_mode<synchronous>, transform_indices = @transform_6, window_bounds = array<i64: 1, 16>}, {pipeline_mode = #tpu.pipeline_mode<synchronous>, transform_indices = @transform_7, window_bounds = array<i64: 1, 16>}, {pipeline_mode = #tpu.pipeline_mode<synchronous>, transform_indices = @transform_8, window_bounds = array<i64: 48, 32>}, {pipeline_mode = #tpu.pipeline_mode<synchronous>, transform_indices = @transform_9, window_bounds = array<i64: 1, 32>}, {pipeline_mode = #tpu.pipeline_mode<synchronous>, transform_indices = @transform_10, window_bounds = array<i64: 1, 32>}, {pipeline_mode = #tpu.pipeline_mode<synchronous>, transform_indices = @transform_11, window_bounds = array<i64: 48, 128>}, {pipeline_mode = #tpu.pipeline_mode<synchronous>, transform_indices = @transform_12, window_bounds = array<i64: 1, 128>}, {pipeline_mode = #tpu.pipeline_mode<synchronous>, transform_indices = @transform_13, window_bounds = array<i64: 1, 128>}, {pipeline_mode = #tpu.pipeline_mode<synchronous>, transform_indices = @transform_14, window_bounds = array<i64: 2500, 64>}, {pipeline_mode = #tpu.pipeline_mode<synchronous>, transform_indices = @transform_15, window_bounds = array<i64: 2500, 64>}, {pipeline_mode = #tpu.pipeline_mode<synchronous>, transform_indices = @transform_16, window_bounds = array<i64: 2500, 64>}, {pipeline_mode = #tpu.pipeline_mode<synchronous>, transform_indices = @transform_17, window_bounds = array<i64: 2500, 128>}, {pipeline_mode = #tpu.pipeline_mode<synchronous>, transform_indices = @transform_18, window_bounds = array<i64: 2500, 512>}]} {
    %get3A = arith.constant 0 : index
    %get3A_0 = arith.constant 0 : index
    %get3A_1 = vector.load %arg2[%get3A, %get3A_0] : memref<2500x128xf32, #tpu.memory_space<vmem>>, vector<2500x128xf32>
    %get3A_2 = arith.constant 0 : index
    %get3A_3 = arith.constant 0 : index
    %get3A_4 = vector.load %arg3[%get3A_2, %get3A_3] : memref<2500x128xf32, #tpu.memory_space<vmem>>, vector<2500x128xf32>
    %add3A = arith.addf %get3A_1, %get3A_4 : vector<2500x128xf32>
    %get3A_5 = arith.constant 0 : index
    %get3A_6 = arith.constant 0 : index
    %get3A_7 = vector.load %arg1[%get3A_5, %get3A_6] : memref<2500x128xf32, #tpu.memory_space<vmem>>, vector<2500x128xf32>
    %get3A_8 = arith.constant 0 : index
    %get3A_9 = arith.constant 0 : index
    %get3A_10 = vector.load %arg4[%get3A_8, %get3A_9] : memref<32x16xf32, #tpu.memory_space<vmem>>, vector<32x16xf32>
    %get3A_11 = arith.constant 0 : index
    %get3A_12 = arith.constant 0 : index
    %get3A_13 = vector.load %arg5[%get3A_11, %get3A_12] : memref<32x16xf32, #tpu.memory_space<vmem>>, vector<32x16xf32>
    %get3A_14 = arith.constant 0 : index
    %get3A_15 = arith.constant 0 : index
    %get3A_16 = vector.load %arg6[%get3A_14, %get3A_15] : memref<48x16xf32, #tpu.memory_space<vmem>>, vector<48x16xf32>
    %get3A_17 = arith.constant 0 : index
    %get3A_18 = arith.constant 0 : index
    %get3A_19 = vector.load %arg9[%get3A_17, %get3A_18] : memref<48x32xf32, #tpu.memory_space<vmem>>, vector<48x32xf32>
    %get3A_20 = arith.constant 0 : index
    %get3A_21 = arith.constant 0 : index
    %get3A_22 = vector.load %arg12[%get3A_20, %get3A_21] : memref<48x128xf32, #tpu.memory_space<vmem>>, vector<48x128xf32>
    %slice3A = vector.extract_strided_slice %add3A {offsets = [0, 0], sizes = [2500, 32], strides = [1, 1]} : vector<2500x128xf32> to vector<2500x32xf32>
    %slice3A_23 = vector.extract_strided_slice %get3A_7 {offsets = [0, 0], sizes = [2500, 32], strides = [1, 1]} : vector<2500x128xf32> to vector<2500x32xf32>
    %dot_general3A = arith.constant dense<0.000000e+00> : vector<2500x16xf32>
    %dot_general3A_24 = tpu.matmul %slice3A, %get3A_10, %dot_general3A {dimension_numbers = #tpu.dot_dimension_numbers<[1], [0], [0], [1], [0, 0, 1, 1], [], []>, transpose_lhs_hint = false} : vector<2500x32xf32>, vector<32x16xf32>, vector<2500x16xf32> -> vector<2500x16xf32>
    %dot_general3A_25 = arith.constant dense<0.000000e+00> : vector<2500x16xf32>
    %dot_general3A_26 = tpu.matmul %slice3A, %get3A_13, %dot_general3A_25 {dimension_numbers = #tpu.dot_dimension_numbers<[1], [0], [0], [1], [0, 0, 1, 1], [], []>, transpose_lhs_hint = false} : vector<2500x32xf32>, vector<32x16xf32>, vector<2500x16xf32> -> vector<2500x16xf32>
    %concatenate3A = tpu.concatenate %slice3A_23, %dot_general3A_24 in 1 : vector<2500x32xf32>, vector<2500x16xf32> -> vector<2500x48xf32>
    %dot_general3A_27 = arith.constant dense<0.000000e+00> : vector<2500x16xf32>
    %dot_general3A_28 = tpu.matmul %concatenate3A, %get3A_16, %dot_general3A_27 {dimension_numbers = #tpu.dot_dimension_numbers<[1], [0], [0], [1], [0, 0, 1, 1], [], []>, transpose_lhs_hint = false} : vector<2500x48xf32>, vector<48x16xf32>, vector<2500x16xf32> -> vector<2500x16xf32>
    %get3A_29 = arith.constant 0 : index
    %get3A_30 = arith.constant 0 : index
    %get3A_31 = vector.load %arg7[%get3A_29, %get3A_30] : memref<1x16xf32, #tpu.memory_space<vmem>>, vector<1x16xf32>
    %mul3A = vector.broadcast %get3A_31 : vector<1x16xf32> to vector<2500x16xf32>
    %mul3A_32 = arith.mulf %dot_general3A_28, %mul3A : vector<2500x16xf32>
    %get3A_33 = arith.constant 0 : index
    %get3A_34 = arith.constant 0 : index
    %get3A_35 = vector.load %arg8[%get3A_33, %get3A_34] : memref<1x16xf32, #tpu.memory_space<vmem>>, vector<1x16xf32>
    %add3A_36 = vector.broadcast %get3A_35 : vector<1x16xf32> to vector<2500x16xf32>
    %add3A_37 = arith.addf %mul3A_32, %add3A_36 : vector<2500x16xf32>
    %gt3A = arith.constant 0.000000e+00 : f32
    %gt3A_38 = vector.broadcast %gt3A : f32 to vector<2500x16xf32>
    %gt3A_39 = arith.cmpf ogt, %add3A_37, %gt3A_38 : vector<2500x16xf32>
    %min3A = arith.constant 0.000000e+00 : f32
    %min3A_40 = vector.broadcast %min3A : f32 to vector<2500x16xf32>
    %min3A_41 = arith.minimumf %add3A_37, %min3A_40 : vector<2500x16xf32>
    %exp3A = math.exp %min3A_41 : vector<2500x16xf32>
    %sub3A = arith.constant 1.000000e+00 : f32
    %sub3A_42 = vector.broadcast %sub3A : f32 to vector<2500x16xf32>
    %sub3A_43 = arith.subf %exp3A, %sub3A_42 : vector<2500x16xf32>
    %select_n3A = arith.select %gt3A_39, %add3A_37, %sub3A_43 : vector<2500x16xi1>, vector<2500x16xf32>
    %dot_general3A_44 = arith.constant dense<0.000000e+00> : vector<2500x32xf32>
    %dot_general3A_45 = tpu.matmul %concatenate3A, %get3A_19, %dot_general3A_44 {dimension_numbers = #tpu.dot_dimension_numbers<[1], [0], [0], [1], [0, 0, 1, 1], [], []>, transpose_lhs_hint = false} : vector<2500x48xf32>, vector<48x32xf32>, vector<2500x32xf32> -> vector<2500x32xf32>
    %get3A_46 = arith.constant 0 : index
    %get3A_47 = arith.constant 0 : index
    %get3A_48 = vector.load %arg10[%get3A_46, %get3A_47] : memref<1x32xf32, #tpu.memory_space<vmem>>, vector<1x32xf32>
    %mul3A_49 = vector.broadcast %get3A_48 : vector<1x32xf32> to vector<2500x32xf32>
    %mul3A_50 = arith.mulf %dot_general3A_45, %mul3A_49 : vector<2500x32xf32>
    %get3A_51 = arith.constant 0 : index
    %get3A_52 = arith.constant 0 : index
    %get3A_53 = vector.load %arg11[%get3A_51, %get3A_52] : memref<1x32xf32, #tpu.memory_space<vmem>>, vector<1x32xf32>
    %add3A_54 = vector.broadcast %get3A_53 : vector<1x32xf32> to vector<2500x32xf32>
    %add3A_55 = arith.addf %mul3A_50, %add3A_54 : vector<2500x32xf32>
    %gt3A_56 = arith.constant 0.000000e+00 : f32
    %gt3A_57 = vector.broadcast %gt3A_56 : f32 to vector<2500x32xf32>
    %gt3A_58 = arith.cmpf ogt, %add3A_55, %gt3A_57 : vector<2500x32xf32>
    %min3A_59 = arith.constant 0.000000e+00 : f32
    %min3A_60 = vector.broadcast %min3A_59 : f32 to vector<2500x32xf32>
    %min3A_61 = arith.minimumf %add3A_55, %min3A_60 : vector<2500x32xf32>
    %exp3A_62 = math.exp %min3A_61 : vector<2500x32xf32>
    %sub3A_63 = arith.constant 1.000000e+00 : f32
    %sub3A_64 = vector.broadcast %sub3A_63 : f32 to vector<2500x32xf32>
    %sub3A_65 = arith.subf %exp3A_62, %sub3A_64 : vector<2500x32xf32>
    %select_n3A_66 = arith.select %gt3A_58, %add3A_55, %sub3A_65 : vector<2500x32xi1>, vector<2500x32xf32>
    %concatenate3A_67 = tpu.concatenate %select_n3A, %select_n3A_66 in 1 : vector<2500x16xf32>, vector<2500x32xf32> -> vector<2500x48xf32>
    %dot_general3A_68 = arith.constant dense<0.000000e+00> : vector<2500x128xf32>
    %dot_general3A_69 = tpu.matmul %concatenate3A_67, %get3A_22, %dot_general3A_68 {dimension_numbers = #tpu.dot_dimension_numbers<[1], [0], [0], [1], [0, 0, 1, 1], [], []>, transpose_lhs_hint = false} : vector<2500x48xf32>, vector<48x128xf32>, vector<2500x128xf32> -> vector<2500x128xf32>
    %get3A_70 = arith.constant 0 : index
    %get3A_71 = arith.constant 0 : index
    %get3A_72 = vector.load %arg13[%get3A_70, %get3A_71] : memref<1x128xf32, #tpu.memory_space<vmem>>, vector<1x128xf32>
    %mul3A_73 = vector.broadcast %get3A_72 : vector<1x128xf32> to vector<2500x128xf32>
    %mul3A_74 = arith.mulf %dot_general3A_69, %mul3A_73 : vector<2500x128xf32>
    %get3A_75 = arith.constant 0 : index
    %get3A_76 = arith.constant 0 : index
    %get3A_77 = vector.load %arg14[%get3A_75, %get3A_76] : memref<1x128xf32, #tpu.memory_space<vmem>>, vector<1x128xf32>
    %add3A_78 = vector.broadcast %get3A_77 : vector<1x128xf32> to vector<2500x128xf32>
    %add3A_79 = arith.addf %mul3A_74, %add3A_78 : vector<2500x128xf32>
    %gt3A_80 = arith.constant 0.000000e+00 : f32
    %gt3A_81 = vector.broadcast %gt3A_80 : f32 to vector<2500x128xf32>
    %gt3A_82 = arith.cmpf ogt, %add3A_79, %gt3A_81 : vector<2500x128xf32>
    %min3A_83 = arith.constant 0.000000e+00 : f32
    %min3A_84 = vector.broadcast %min3A_83 : f32 to vector<2500x128xf32>
    %min3A_85 = arith.minimumf %add3A_79, %min3A_84 : vector<2500x128xf32>
    %exp3A_86 = math.exp %min3A_85 : vector<2500x128xf32>
    %sub3A_87 = arith.constant 1.000000e+00 : f32
    %sub3A_88 = vector.broadcast %sub3A_87 : f32 to vector<2500x128xf32>
    %sub3A_89 = arith.subf %exp3A_86, %sub3A_88 : vector<2500x128xf32>
    %select_n3A_90 = arith.select %gt3A_82, %add3A_79, %sub3A_89 : vector<2500x128xi1>, vector<2500x128xf32>
    %slice3A_91 = vector.extract_strided_slice %add3A {offsets = [0, 32], sizes = [2500, 32], strides = [1, 1]} : vector<2500x128xf32> to vector<2500x32xf32>
    %slice3A_92 = vector.extract_strided_slice %get3A_7 {offsets = [0, 32], sizes = [2500, 32], strides = [1, 1]} : vector<2500x128xf32> to vector<2500x32xf32>
    %dot_general3A_93 = arith.constant dense<0.000000e+00> : vector<2500x16xf32>
    %dot_general3A_94 = tpu.matmul %slice3A_91, %get3A_10, %dot_general3A_93 {dimension_numbers = #tpu.dot_dimension_numbers<[1], [0], [0], [1], [0, 0, 1, 1], [], []>, transpose_lhs_hint = false} : vector<2500x32xf32>, vector<32x16xf32>, vector<2500x16xf32> -> vector<2500x16xf32>
    %dot_general3A_95 = arith.constant dense<0.000000e+00> : vector<2500x16xf32>
    %dot_general3A_96 = tpu.matmul %slice3A_91, %get3A_13, %dot_general3A_95 {dimension_numbers = #tpu.dot_dimension_numbers<[1], [0], [0], [1], [0, 0, 1, 1], [], []>, transpose_lhs_hint = false} : vector<2500x32xf32>, vector<32x16xf32>, vector<2500x16xf32> -> vector<2500x16xf32>
    %concatenate3A_97 = tpu.concatenate %slice3A_92, %dot_general3A_94 in 1 : vector<2500x32xf32>, vector<2500x16xf32> -> vector<2500x48xf32>
    %dot_general3A_98 = arith.constant dense<0.000000e+00> : vector<2500x16xf32>
    %dot_general3A_99 = tpu.matmul %concatenate3A_97, %get3A_16, %dot_general3A_98 {dimension_numbers = #tpu.dot_dimension_numbers<[1], [0], [0], [1], [0, 0, 1, 1], [], []>, transpose_lhs_hint = false} : vector<2500x48xf32>, vector<48x16xf32>, vector<2500x16xf32> -> vector<2500x16xf32>
    %get3A_100 = arith.constant 0 : index
    %get3A_101 = arith.constant 0 : index
    %get3A_102 = vector.load %arg7[%get3A_100, %get3A_101] : memref<1x16xf32, #tpu.memory_space<vmem>>, vector<1x16xf32>
    %mul3A_103 = vector.broadcast %get3A_102 : vector<1x16xf32> to vector<2500x16xf32>
    %mul3A_104 = arith.mulf %dot_general3A_99, %mul3A_103 : vector<2500x16xf32>
    %get3A_105 = arith.constant 0 : index
    %get3A_106 = arith.constant 0 : index
    %get3A_107 = vector.load %arg8[%get3A_105, %get3A_106] : memref<1x16xf32, #tpu.memory_space<vmem>>, vector<1x16xf32>
    %add3A_108 = vector.broadcast %get3A_107 : vector<1x16xf32> to vector<2500x16xf32>
    %add3A_109 = arith.addf %mul3A_104, %add3A_108 : vector<2500x16xf32>
    %gt3A_110 = arith.constant 0.000000e+00 : f32
    %gt3A_111 = vector.broadcast %gt3A_110 : f32 to vector<2500x16xf32>
    %gt3A_112 = arith.cmpf ogt, %add3A_109, %gt3A_111 : vector<2500x16xf32>
    %min3A_113 = arith.constant 0.000000e+00 : f32
    %min3A_114 = vector.broadcast %min3A_113 : f32 to vector<2500x16xf32>
    %min3A_115 = arith.minimumf %add3A_109, %min3A_114 : vector<2500x16xf32>
    %exp3A_116 = math.exp %min3A_115 : vector<2500x16xf32>
    %sub3A_117 = arith.constant 1.000000e+00 : f32
    %sub3A_118 = vector.broadcast %sub3A_117 : f32 to vector<2500x16xf32>
    %sub3A_119 = arith.subf %exp3A_116, %sub3A_118 : vector<2500x16xf32>
    %select_n3A_120 = arith.select %gt3A_112, %add3A_109, %sub3A_119 : vector<2500x16xi1>, vector<2500x16xf32>
    %dot_general3A_121 = arith.constant dense<0.000000e+00> : vector<2500x32xf32>
    %dot_general3A_122 = tpu.matmul %concatenate3A_97, %get3A_19, %dot_general3A_121 {dimension_numbers = #tpu.dot_dimension_numbers<[1], [0], [0], [1], [0, 0, 1, 1], [], []>, transpose_lhs_hint = false} : vector<2500x48xf32>, vector<48x32xf32>, vector<2500x32xf32> -> vector<2500x32xf32>
    %get3A_123 = arith.constant 0 : index
    %get3A_124 = arith.constant 0 : index
    %get3A_125 = vector.load %arg10[%get3A_123, %get3A_124] : memref<1x32xf32, #tpu.memory_space<vmem>>, vector<1x32xf32>
    %mul3A_126 = vector.broadcast %get3A_125 : vector<1x32xf32> to vector<2500x32xf32>
    %mul3A_127 = arith.mulf %dot_general3A_122, %mul3A_126 : vector<2500x32xf32>
    %get3A_128 = arith.constant 0 : index
    %get3A_129 = arith.constant 0 : index
    %get3A_130 = vector.load %arg11[%get3A_128, %get3A_129] : memref<1x32xf32, #tpu.memory_space<vmem>>, vector<1x32xf32>
    %add3A_131 = vector.broadcast %get3A_130 : vector<1x32xf32> to vector<2500x32xf32>
    %add3A_132 = arith.addf %mul3A_127, %add3A_131 : vector<2500x32xf32>
    %gt3A_133 = arith.constant 0.000000e+00 : f32
    %gt3A_134 = vector.broadcast %gt3A_133 : f32 to vector<2500x32xf32>
    %gt3A_135 = arith.cmpf ogt, %add3A_132, %gt3A_134 : vector<2500x32xf32>
    %min3A_136 = arith.constant 0.000000e+00 : f32
    %min3A_137 = vector.broadcast %min3A_136 : f32 to vector<2500x32xf32>
    %min3A_138 = arith.minimumf %add3A_132, %min3A_137 : vector<2500x32xf32>
    %exp3A_139 = math.exp %min3A_138 : vector<2500x32xf32>
    %sub3A_140 = arith.constant 1.000000e+00 : f32
    %sub3A_141 = vector.broadcast %sub3A_140 : f32 to vector<2500x32xf32>
    %sub3A_142 = arith.subf %exp3A_139, %sub3A_141 : vector<2500x32xf32>
    %select_n3A_143 = arith.select %gt3A_135, %add3A_132, %sub3A_142 : vector<2500x32xi1>, vector<2500x32xf32>
    %concatenate3A_144 = tpu.concatenate %select_n3A_120, %select_n3A_143 in 1 : vector<2500x16xf32>, vector<2500x32xf32> -> vector<2500x48xf32>
    %dot_general3A_145 = arith.constant dense<0.000000e+00> : vector<2500x128xf32>
    %dot_general3A_146 = tpu.matmul %concatenate3A_144, %get3A_22, %dot_general3A_145 {dimension_numbers = #tpu.dot_dimension_numbers<[1], [0], [0], [1], [0, 0, 1, 1], [], []>, transpose_lhs_hint = false} : vector<2500x48xf32>, vector<48x128xf32>, vector<2500x128xf32> -> vector<2500x128xf32>
    %get3A_147 = arith.constant 0 : index
    %get3A_148 = arith.constant 0 : index
    %get3A_149 = vector.load %arg13[%get3A_147, %get3A_148] : memref<1x128xf32, #tpu.memory_space<vmem>>, vector<1x128xf32>
    %mul3A_150 = vector.broadcast %get3A_149 : vector<1x128xf32> to vector<2500x128xf32>
    %mul3A_151 = arith.mulf %dot_general3A_146, %mul3A_150 : vector<2500x128xf32>
    %get3A_152 = arith.constant 0 : index
    %get3A_153 = arith.constant 0 : index
    %get3A_154 = vector.load %arg14[%get3A_152, %get3A_153] : memref<1x128xf32, #tpu.memory_space<vmem>>, vector<1x128xf32>
    %add3A_155 = vector.broadcast %get3A_154 : vector<1x128xf32> to vector<2500x128xf32>
    %add3A_156 = arith.addf %mul3A_151, %add3A_155 : vector<2500x128xf32>
    %gt3A_157 = arith.constant 0.000000e+00 : f32
    %gt3A_158 = vector.broadcast %gt3A_157 : f32 to vector<2500x128xf32>
    %gt3A_159 = arith.cmpf ogt, %add3A_156, %gt3A_158 : vector<2500x128xf32>
    %min3A_160 = arith.constant 0.000000e+00 : f32
    %min3A_161 = vector.broadcast %min3A_160 : f32 to vector<2500x128xf32>
    %min3A_162 = arith.minimumf %add3A_156, %min3A_161 : vector<2500x128xf32>
    %exp3A_163 = math.exp %min3A_162 : vector<2500x128xf32>
    %sub3A_164 = arith.constant 1.000000e+00 : f32
    %sub3A_165 = vector.broadcast %sub3A_164 : f32 to vector<2500x128xf32>
    %sub3A_166 = arith.subf %exp3A_163, %sub3A_165 : vector<2500x128xf32>
    %select_n3A_167 = arith.select %gt3A_159, %add3A_156, %sub3A_166 : vector<2500x128xi1>, vector<2500x128xf32>
    %slice3A_168 = vector.extract_strided_slice %add3A {offsets = [0, 64], sizes = [2500, 32], strides = [1, 1]} : vector<2500x128xf32> to vector<2500x32xf32>
    %slice3A_169 = vector.extract_strided_slice %get3A_7 {offsets = [0, 64], sizes = [2500, 32], strides = [1, 1]} : vector<2500x128xf32> to vector<2500x32xf32>
    %dot_general3A_170 = arith.constant dense<0.000000e+00> : vector<2500x16xf32>
    %dot_general3A_171 = tpu.matmul %slice3A_168, %get3A_10, %dot_general3A_170 {dimension_numbers = #tpu.dot_dimension_numbers<[1], [0], [0], [1], [0, 0, 1, 1], [], []>, transpose_lhs_hint = false} : vector<2500x32xf32>, vector<32x16xf32>, vector<2500x16xf32> -> vector<2500x16xf32>
    %dot_general3A_172 = arith.constant dense<0.000000e+00> : vector<2500x16xf32>
    %dot_general3A_173 = tpu.matmul %slice3A_168, %get3A_13, %dot_general3A_172 {dimension_numbers = #tpu.dot_dimension_numbers<[1], [0], [0], [1], [0, 0, 1, 1], [], []>, transpose_lhs_hint = false} : vector<2500x32xf32>, vector<32x16xf32>, vector<2500x16xf32> -> vector<2500x16xf32>
    %concatenate3A_174 = tpu.concatenate %slice3A_169, %dot_general3A_171 in 1 : vector<2500x32xf32>, vector<2500x16xf32> -> vector<2500x48xf32>
    %dot_general3A_175 = arith.constant dense<0.000000e+00> : vector<2500x16xf32>
    %dot_general3A_176 = tpu.matmul %concatenate3A_174, %get3A_16, %dot_general3A_175 {dimension_numbers = #tpu.dot_dimension_numbers<[1], [0], [0], [1], [0, 0, 1, 1], [], []>, transpose_lhs_hint = false} : vector<2500x48xf32>, vector<48x16xf32>, vector<2500x16xf32> -> vector<2500x16xf32>
    %get3A_177 = arith.constant 0 : index
    %get3A_178 = arith.constant 0 : index
    %get3A_179 = vector.load %arg7[%get3A_177, %get3A_178] : memref<1x16xf32, #tpu.memory_space<vmem>>, vector<1x16xf32>
    %mul3A_180 = vector.broadcast %get3A_179 : vector<1x16xf32> to vector<2500x16xf32>
    %mul3A_181 = arith.mulf %dot_general3A_176, %mul3A_180 : vector<2500x16xf32>
    %get3A_182 = arith.constant 0 : index
    %get3A_183 = arith.constant 0 : index
    %get3A_184 = vector.load %arg8[%get3A_182, %get3A_183] : memref<1x16xf32, #tpu.memory_space<vmem>>, vector<1x16xf32>
    %add3A_185 = vector.broadcast %get3A_184 : vector<1x16xf32> to vector<2500x16xf32>
    %add3A_186 = arith.addf %mul3A_181, %add3A_185 : vector<2500x16xf32>
    %gt3A_187 = arith.constant 0.000000e+00 : f32
    %gt3A_188 = vector.broadcast %gt3A_187 : f32 to vector<2500x16xf32>
    %gt3A_189 = arith.cmpf ogt, %add3A_186, %gt3A_188 : vector<2500x16xf32>
    %min3A_190 = arith.constant 0.000000e+00 : f32
    %min3A_191 = vector.broadcast %min3A_190 : f32 to vector<2500x16xf32>
    %min3A_192 = arith.minimumf %add3A_186, %min3A_191 : vector<2500x16xf32>
    %exp3A_193 = math.exp %min3A_192 : vector<2500x16xf32>
    %sub3A_194 = arith.constant 1.000000e+00 : f32
    %sub3A_195 = vector.broadcast %sub3A_194 : f32 to vector<2500x16xf32>
    %sub3A_196 = arith.subf %exp3A_193, %sub3A_195 : vector<2500x16xf32>
    %select_n3A_197 = arith.select %gt3A_189, %add3A_186, %sub3A_196 : vector<2500x16xi1>, vector<2500x16xf32>
    %dot_general3A_198 = arith.constant dense<0.000000e+00> : vector<2500x32xf32>
    %dot_general3A_199 = tpu.matmul %concatenate3A_174, %get3A_19, %dot_general3A_198 {dimension_numbers = #tpu.dot_dimension_numbers<[1], [0], [0], [1], [0, 0, 1, 1], [], []>, transpose_lhs_hint = false} : vector<2500x48xf32>, vector<48x32xf32>, vector<2500x32xf32> -> vector<2500x32xf32>
    %get3A_200 = arith.constant 0 : index
    %get3A_201 = arith.constant 0 : index
    %get3A_202 = vector.load %arg10[%get3A_200, %get3A_201] : memref<1x32xf32, #tpu.memory_space<vmem>>, vector<1x32xf32>
    %mul3A_203 = vector.broadcast %get3A_202 : vector<1x32xf32> to vector<2500x32xf32>
    %mul3A_204 = arith.mulf %dot_general3A_199, %mul3A_203 : vector<2500x32xf32>
    %get3A_205 = arith.constant 0 : index
    %get3A_206 = arith.constant 0 : index
    %get3A_207 = vector.load %arg11[%get3A_205, %get3A_206] : memref<1x32xf32, #tpu.memory_space<vmem>>, vector<1x32xf32>
    %add3A_208 = vector.broadcast %get3A_207 : vector<1x32xf32> to vector<2500x32xf32>
    %add3A_209 = arith.addf %mul3A_204, %add3A_208 : vector<2500x32xf32>
    %gt3A_210 = arith.constant 0.000000e+00 : f32
    %gt3A_211 = vector.broadcast %gt3A_210 : f32 to vector<2500x32xf32>
    %gt3A_212 = arith.cmpf ogt, %add3A_209, %gt3A_211 : vector<2500x32xf32>
    %min3A_213 = arith.constant 0.000000e+00 : f32
    %min3A_214 = vector.broadcast %min3A_213 : f32 to vector<2500x32xf32>
    %min3A_215 = arith.minimumf %add3A_209, %min3A_214 : vector<2500x32xf32>
    %exp3A_216 = math.exp %min3A_215 : vector<2500x32xf32>
    %sub3A_217 = arith.constant 1.000000e+00 : f32
    %sub3A_218 = vector.broadcast %sub3A_217 : f32 to vector<2500x32xf32>
    %sub3A_219 = arith.subf %exp3A_216, %sub3A_218 : vector<2500x32xf32>
    %select_n3A_220 = arith.select %gt3A_212, %add3A_209, %sub3A_219 : vector<2500x32xi1>, vector<2500x32xf32>
    %concatenate3A_221 = tpu.concatenate %select_n3A_197, %select_n3A_220 in 1 : vector<2500x16xf32>, vector<2500x32xf32> -> vector<2500x48xf32>
    %dot_general3A_222 = arith.constant dense<0.000000e+00> : vector<2500x128xf32>
    %dot_general3A_223 = tpu.matmul %concatenate3A_221, %get3A_22, %dot_general3A_222 {dimension_numbers = #tpu.dot_dimension_numbers<[1], [0], [0], [1], [0, 0, 1, 1], [], []>, transpose_lhs_hint = false} : vector<2500x48xf32>, vector<48x128xf32>, vector<2500x128xf32> -> vector<2500x128xf32>
    %get3A_224 = arith.constant 0 : index
    %get3A_225 = arith.constant 0 : index
    %get3A_226 = vector.load %arg13[%get3A_224, %get3A_225] : memref<1x128xf32, #tpu.memory_space<vmem>>, vector<1x128xf32>
    %mul3A_227 = vector.broadcast %get3A_226 : vector<1x128xf32> to vector<2500x128xf32>
    %mul3A_228 = arith.mulf %dot_general3A_223, %mul3A_227 : vector<2500x128xf32>
    %get3A_229 = arith.constant 0 : index
    %get3A_230 = arith.constant 0 : index
    %get3A_231 = vector.load %arg14[%get3A_229, %get3A_230] : memref<1x128xf32, #tpu.memory_space<vmem>>, vector<1x128xf32>
    %add3A_232 = vector.broadcast %get3A_231 : vector<1x128xf32> to vector<2500x128xf32>
    %add3A_233 = arith.addf %mul3A_228, %add3A_232 : vector<2500x128xf32>
    %gt3A_234 = arith.constant 0.000000e+00 : f32
    %gt3A_235 = vector.broadcast %gt3A_234 : f32 to vector<2500x128xf32>
    %gt3A_236 = arith.cmpf ogt, %add3A_233, %gt3A_235 : vector<2500x128xf32>
    %min3A_237 = arith.constant 0.000000e+00 : f32
    %min3A_238 = vector.broadcast %min3A_237 : f32 to vector<2500x128xf32>
    %min3A_239 = arith.minimumf %add3A_233, %min3A_238 : vector<2500x128xf32>
    %exp3A_240 = math.exp %min3A_239 : vector<2500x128xf32>
    %sub3A_241 = arith.constant 1.000000e+00 : f32
    %sub3A_242 = vector.broadcast %sub3A_241 : f32 to vector<2500x128xf32>
    %sub3A_243 = arith.subf %exp3A_240, %sub3A_242 : vector<2500x128xf32>
    %select_n3A_244 = arith.select %gt3A_236, %add3A_233, %sub3A_243 : vector<2500x128xi1>, vector<2500x128xf32>
    %slice3A_245 = vector.extract_strided_slice %add3A {offsets = [0, 96], sizes = [2500, 32], strides = [1, 1]} : vector<2500x128xf32> to vector<2500x32xf32>
    %slice3A_246 = vector.extract_strided_slice %get3A_7 {offsets = [0, 96], sizes = [2500, 32], strides = [1, 1]} : vector<2500x128xf32> to vector<2500x32xf32>
    %dot_general3A_247 = arith.constant dense<0.000000e+00> : vector<2500x16xf32>
    %dot_general3A_248 = tpu.matmul %slice3A_245, %get3A_10, %dot_general3A_247 {dimension_numbers = #tpu.dot_dimension_numbers<[1], [0], [0], [1], [0, 0, 1, 1], [], []>, transpose_lhs_hint = false} : vector<2500x32xf32>, vector<32x16xf32>, vector<2500x16xf32> -> vector<2500x16xf32>
    %dot_general3A_249 = arith.constant dense<0.000000e+00> : vector<2500x16xf32>
    %dot_general3A_250 = tpu.matmul %slice3A_245, %get3A_13, %dot_general3A_249 {dimension_numbers = #tpu.dot_dimension_numbers<[1], [0], [0], [1], [0, 0, 1, 1], [], []>, transpose_lhs_hint = false} : vector<2500x32xf32>, vector<32x16xf32>, vector<2500x16xf32> -> vector<2500x16xf32>
    %concatenate3A_251 = tpu.concatenate %slice3A_246, %dot_general3A_248 in 1 : vector<2500x32xf32>, vector<2500x16xf32> -> vector<2500x48xf32>
    %dot_general3A_252 = arith.constant dense<0.000000e+00> : vector<2500x16xf32>
    %dot_general3A_253 = tpu.matmul %concatenate3A_251, %get3A_16, %dot_general3A_252 {dimension_numbers = #tpu.dot_dimension_numbers<[1], [0], [0], [1], [0, 0, 1, 1], [], []>, transpose_lhs_hint = false} : vector<2500x48xf32>, vector<48x16xf32>, vector<2500x16xf32> -> vector<2500x16xf32>
    %get3A_254 = arith.constant 0 : index
    %get3A_255 = arith.constant 0 : index
    %get3A_256 = vector.load %arg7[%get3A_254, %get3A_255] : memref<1x16xf32, #tpu.memory_space<vmem>>, vector<1x16xf32>
    %mul3A_257 = vector.broadcast %get3A_256 : vector<1x16xf32> to vector<2500x16xf32>
    %mul3A_258 = arith.mulf %dot_general3A_253, %mul3A_257 : vector<2500x16xf32>
    %get3A_259 = arith.constant 0 : index
    %get3A_260 = arith.constant 0 : index
    %get3A_261 = vector.load %arg8[%get3A_259, %get3A_260] : memref<1x16xf32, #tpu.memory_space<vmem>>, vector<1x16xf32>
    %add3A_262 = vector.broadcast %get3A_261 : vector<1x16xf32> to vector<2500x16xf32>
    %add3A_263 = arith.addf %mul3A_258, %add3A_262 : vector<2500x16xf32>
    %gt3A_264 = arith.constant 0.000000e+00 : f32
    %gt3A_265 = vector.broadcast %gt3A_264 : f32 to vector<2500x16xf32>
    %gt3A_266 = arith.cmpf ogt, %add3A_263, %gt3A_265 : vector<2500x16xf32>
    %min3A_267 = arith.constant 0.000000e+00 : f32
    %min3A_268 = vector.broadcast %min3A_267 : f32 to vector<2500x16xf32>
    %min3A_269 = arith.minimumf %add3A_263, %min3A_268 : vector<2500x16xf32>
    %exp3A_270 = math.exp %min3A_269 : vector<2500x16xf32>
    %sub3A_271 = arith.constant 1.000000e+00 : f32
    %sub3A_272 = vector.broadcast %sub3A_271 : f32 to vector<2500x16xf32>
    %sub3A_273 = arith.subf %exp3A_270, %sub3A_272 : vector<2500x16xf32>
    %select_n3A_274 = arith.select %gt3A_266, %add3A_263, %sub3A_273 : vector<2500x16xi1>, vector<2500x16xf32>
    %dot_general3A_275 = arith.constant dense<0.000000e+00> : vector<2500x32xf32>
    %dot_general3A_276 = tpu.matmul %concatenate3A_251, %get3A_19, %dot_general3A_275 {dimension_numbers = #tpu.dot_dimension_numbers<[1], [0], [0], [1], [0, 0, 1, 1], [], []>, transpose_lhs_hint = false} : vector<2500x48xf32>, vector<48x32xf32>, vector<2500x32xf32> -> vector<2500x32xf32>
    %get3A_277 = arith.constant 0 : index
    %get3A_278 = arith.constant 0 : index
    %get3A_279 = vector.load %arg10[%get3A_277, %get3A_278] : memref<1x32xf32, #tpu.memory_space<vmem>>, vector<1x32xf32>
    %mul3A_280 = vector.broadcast %get3A_279 : vector<1x32xf32> to vector<2500x32xf32>
    %mul3A_281 = arith.mulf %dot_general3A_276, %mul3A_280 : vector<2500x32xf32>
    %get3A_282 = arith.constant 0 : index
    %get3A_283 = arith.constant 0 : index
    %get3A_284 = vector.load %arg11[%get3A_282, %get3A_283] : memref<1x32xf32, #tpu.memory_space<vmem>>, vector<1x32xf32>
    %add3A_285 = vector.broadcast %get3A_284 : vector<1x32xf32> to vector<2500x32xf32>
    %add3A_286 = arith.addf %mul3A_281, %add3A_285 : vector<2500x32xf32>
    %gt3A_287 = arith.constant 0.000000e+00 : f32
    %gt3A_288 = vector.broadcast %gt3A_287 : f32 to vector<2500x32xf32>
    %gt3A_289 = arith.cmpf ogt, %add3A_286, %gt3A_288 : vector<2500x32xf32>
    %min3A_290 = arith.constant 0.000000e+00 : f32
    %min3A_291 = vector.broadcast %min3A_290 : f32 to vector<2500x32xf32>
    %min3A_292 = arith.minimumf %add3A_286, %min3A_291 : vector<2500x32xf32>
    %exp3A_293 = math.exp %min3A_292 : vector<2500x32xf32>
    %sub3A_294 = arith.constant 1.000000e+00 : f32
    %sub3A_295 = vector.broadcast %sub3A_294 : f32 to vector<2500x32xf32>
    %sub3A_296 = arith.subf %exp3A_293, %sub3A_295 : vector<2500x32xf32>
    %select_n3A_297 = arith.select %gt3A_289, %add3A_286, %sub3A_296 : vector<2500x32xi1>, vector<2500x32xf32>
    %concatenate3A_298 = tpu.concatenate %select_n3A_274, %select_n3A_297 in 1 : vector<2500x16xf32>, vector<2500x32xf32> -> vector<2500x48xf32>
    %dot_general3A_299 = arith.constant dense<0.000000e+00> : vector<2500x128xf32>
    %dot_general3A_300 = tpu.matmul %concatenate3A_298, %get3A_22, %dot_general3A_299 {dimension_numbers = #tpu.dot_dimension_numbers<[1], [0], [0], [1], [0, 0, 1, 1], [], []>, transpose_lhs_hint = false} : vector<2500x48xf32>, vector<48x128xf32>, vector<2500x128xf32> -> vector<2500x128xf32>
    %get3A_301 = arith.constant 0 : index
    %get3A_302 = arith.constant 0 : index
    %get3A_303 = vector.load %arg13[%get3A_301, %get3A_302] : memref<1x128xf32, #tpu.memory_space<vmem>>, vector<1x128xf32>
    %mul3A_304 = vector.broadcast %get3A_303 : vector<1x128xf32> to vector<2500x128xf32>
    %mul3A_305 = arith.mulf %dot_general3A_300, %mul3A_304 : vector<2500x128xf32>
    %get3A_306 = arith.constant 0 : index
    %get3A_307 = arith.constant 0 : index
    %get3A_308 = vector.load %arg14[%get3A_306, %get3A_307] : memref<1x128xf32, #tpu.memory_space<vmem>>, vector<1x128xf32>
    %add3A_309 = vector.broadcast %get3A_308 : vector<1x128xf32> to vector<2500x128xf32>
    %add3A_310 = arith.addf %mul3A_305, %add3A_309 : vector<2500x128xf32>
    %gt3A_311 = arith.constant 0.000000e+00 : f32
    %gt3A_312 = vector.broadcast %gt3A_311 : f32 to vector<2500x128xf32>
    %gt3A_313 = arith.cmpf ogt, %add3A_310, %gt3A_312 : vector<2500x128xf32>
    %min3A_314 = arith.constant 0.000000e+00 : f32
    %min3A_315 = vector.broadcast %min3A_314 : f32 to vector<2500x128xf32>
    %min3A_316 = arith.minimumf %add3A_310, %min3A_315 : vector<2500x128xf32>
    %exp3A_317 = math.exp %min3A_316 : vector<2500x128xf32>
    %sub3A_318 = arith.constant 1.000000e+00 : f32
    %sub3A_319 = vector.broadcast %sub3A_318 : f32 to vector<2500x128xf32>
    %sub3A_320 = arith.subf %exp3A_317, %sub3A_319 : vector<2500x128xf32>
    %select_n3A_321 = arith.select %gt3A_313, %add3A_310, %sub3A_320 : vector<2500x128xi1>, vector<2500x128xf32>
    %concatenate3A_322 = tpu.concatenate %dot_general3A_24, %dot_general3A_94, %dot_general3A_171, %dot_general3A_248 in 1 : vector<2500x16xf32>, vector<2500x16xf32>, vector<2500x16xf32>, vector<2500x16xf32> -> vector<2500x64xf32>
    %swap3A = arith.constant 0 : index
    %swap3A_323 = arith.constant 0 : index
    %swap3A_324 = vector.load %arg15[%swap3A, %swap3A_323] : memref<2500x64xf32, #tpu.memory_space<vmem>>, vector<2500x64xf32>
    tpu.vector_store %arg15[%swap3A, %swap3A_323], %concatenate3A_322 {strides = array<i32>} : memref<2500x64xf32, #tpu.memory_space<vmem>>, vector<2500x64xf32>,
    %concatenate3A_325 = tpu.concatenate %dot_general3A_26, %dot_general3A_96, %dot_general3A_173, %dot_general3A_250 in 1 : vector<2500x16xf32>, vector<2500x16xf32>, vector<2500x16xf32>, vector<2500x16xf32> -> vector<2500x64xf32>
    %swap3A_326 = arith.constant 0 : index
    %swap3A_327 = arith.constant 0 : index
    %swap3A_328 = vector.load %arg16[%swap3A_326, %swap3A_327] : memref<2500x64xf32, #tpu.memory_space<vmem>>, vector<2500x64xf32>
    tpu.vector_store %arg16[%swap3A_326, %swap3A_327], %concatenate3A_325 {strides = array<i32>} : memref<2500x64xf32, #tpu.memory_space<vmem>>, vector<2500x64xf32>,
    %concatenate3A_329 = tpu.concatenate %select_n3A, %select_n3A_120, %select_n3A_197, %select_n3A_274 in 1 : vector<2500x16xf32>, vector<2500x16xf32>, vector<2500x16xf32>, vector<2500x16xf32> -> vector<2500x64xf32>
    %swap3A_330 = arith.constant 0 : index
    %swap3A_331 = arith.constant 0 : index
    %swap3A_332 = vector.load %arg17[%swap3A_330, %swap3A_331] : memref<2500x64xf32, #tpu.memory_space<vmem>>, vector<2500x64xf32>
    tpu.vector_store %arg17[%swap3A_330, %swap3A_331], %concatenate3A_329 {strides = array<i32>} : memref<2500x64xf32, #tpu.memory_space<vmem>>, vector<2500x64xf32>,
    %concatenate3A_333 = tpu.concatenate %select_n3A_66, %select_n3A_143, %select_n3A_220, %select_n3A_297 in 1 : vector<2500x32xf32>, vector<2500x32xf32>, vector<2500x32xf32>, vector<2500x32xf32> -> vector<2500x128xf32>
    %swap3A_334 = arith.constant 0 : index
    %swap3A_335 = arith.constant 0 : index
    %swap3A_336 = vector.load %arg18[%swap3A_334, %swap3A_335] : memref<2500x128xf32, #tpu.memory_space<vmem>>, vector<2500x128xf32>
    tpu.vector_store %arg18[%swap3A_334, %swap3A_335], %concatenate3A_333 {strides = array<i32>} : memref<2500x128xf32, #tpu.memory_space<vmem>>, vector<2500x128xf32>,
    %concatenate3A_337 = tpu.concatenate %select_n3A_90, %select_n3A_167, %select_n3A_244, %select_n3A_321 in 1 : vector<2500x128xf32>, vector<2500x128xf32>, vector<2500x128xf32>, vector<2500x128xf32> -> vector<2500x512xf32>
    %swap3A_338 = arith.constant 0 : index
    %swap3A_339 = arith.constant 0 : index
    %swap3A_340 = vector.load %arg19[%swap3A_338, %swap3A_339] : memref<2500x512xf32, #tpu.memory_space<vmem>>, vector<2500x512xf32>
    tpu.vector_store %arg19[%swap3A_338, %swap3A_339], %concatenate3A_337 {strides = array<i32>} : memref<2500x512xf32, #tpu.memory_space<vmem>>, vector<2500x512xf32>,
    return
  }
  func.func @transform_0(%arg0: i32) -> (i32, i32) {
    %c0_i32 = arith.constant 0 : i32
    %c0_i32_0 = arith.constant 0 : i32
    %c0_i32_1 = arith.constant 0 : i32
    return %c0_i32, %c0_i32_0 : i32, i32
  }
  func.func @transform_1(%arg0: i32) -> (i32, i32) {
    %c0_i32 = arith.constant 0 : i32
    %c0_i32_0 = arith.constant 0 : i32
    %c0_i32_1 = arith.constant 0 : i32
    return %c0_i32, %c0_i32_0 : i32, i32
  }
  func.func @transform_2(%arg0: i32) -> (i32, i32) {
    %c0_i32 = arith.constant 0 : i32
    %c0_i32_0 = arith.constant 0 : i32
    %c0_i32_1 = arith.constant 0 : i32
    return %c0_i32, %c0_i32_0 : i32, i32
  }
  func.func @transform_3(%arg0: i32) -> (i32, i32) {
    %c0_i32 = arith.constant 0 : i32
    %c0_i32_0 = arith.constant 0 : i32
    %c0_i32_1 = arith.constant 0 : i32
    return %c0_i32, %c0_i32_0 : i32, i32
  }
  func.func @transform_4(%arg0: i32) -> (i32, i32) {
    %c0_i32 = arith.constant 0 : i32
    %c0_i32_0 = arith.constant 0 : i32
    %c0_i32_1 = arith.constant 0 : i32
    return %c0_i32, %c0_i32_0 : i32, i32
  }
  func.func @transform_5(%arg0: i32) -> (i32, i32) {
    %c0_i32 = arith.constant 0 : i32
    %c0_i32_0 = arith.constant 0 : i32
    %c0_i32_1 = arith.constant 0 : i32
    return %c0_i32, %c0_i32_0 : i32, i32
  }
  func.func @transform_6(%arg0: i32) -> (i32, i32) {
    %c0_i32 = arith.constant 0 : i32
    %c0_i32_0 = arith.constant 0 : i32
    %c0_i32_1 = arith.constant 0 : i32
    return %c0_i32, %c0_i32_0 : i32, i32
  }
  func.func @transform_7(%arg0: i32) -> (i32, i32) {
    %c0_i32 = arith.constant 0 : i32
    %c0_i32_0 = arith.constant 0 : i32
    %c0_i32_1 = arith.constant 0 : i32
    return %c0_i32, %c0_i32_0 : i32, i32
  }
  func.func @transform_8(%arg0: i32) -> (i32, i32) {
    %c0_i32 = arith.constant 0 : i32
    %c0_i32_0 = arith.constant 0 : i32
    %c0_i32_1 = arith.constant 0 : i32
    return %c0_i32, %c0_i32_0 : i32, i32
  }
  func.func @transform_9(%arg0: i32) -> (i32, i32) {
    %c0_i32 = arith.constant 0 : i32
    %c0_i32_0 = arith.constant 0 : i32
    %c0_i32_1 = arith.constant 0 : i32
    return %c0_i32, %c0_i32_0 : i32, i32
  }
  func.func @transform_10(%arg0: i32) -> (i32, i32) {
    %c0_i32 = arith.constant 0 : i32
    %c0_i32_0 = arith.constant 0 : i32
    %c0_i32_1 = arith.constant 0 : i32
    return %c0_i32, %c0_i32_0 : i32, i32
  }
  func.func @transform_11(%arg0: i32) -> (i32, i32) {
    %c0_i32 = arith.constant 0 : i32
    %c0_i32_0 = arith.constant 0 : i32
    %c0_i32_1 = arith.constant 0 : i32
    return %c0_i32, %c0_i32_0 : i32, i32
  }
  func.func @transform_12(%arg0: i32) -> (i32, i32) {
    %c0_i32 = arith.constant 0 : i32
    %c0_i32_0 = arith.constant 0 : i32
    %c0_i32_1 = arith.constant 0 : i32
    return %c0_i32, %c0_i32_0 : i32, i32
  }
  func.func @transform_13(%arg0: i32) -> (i32, i32) {
    %c0_i32 = arith.constant 0 : i32
    %c0_i32_0 = arith.constant 0 : i32
    %c0_i32_1 = arith.constant 0 : i32
    return %c0_i32, %c0_i32_0 : i32, i32
  }
  func.func @transform_14(%arg0: i32) -> (i32, i32) {
    %c0_i32 = arith.constant 0 : i32
    %c0_i32_0 = arith.constant 0 : i32
    %c0_i32_1 = arith.constant 0 : i32
    return %c0_i32, %c0_i32_0 : i32, i32
  }
  func.func @transform_15(%arg0: i32) -> (i32, i32) {
    %c0_i32 = arith.constant 0 : i32
    %c0_i32_0 = arith.constant 0 : i32
    %c0_i32_1 = arith.constant 0 : i32
    return %c0_i32, %c0_i32_0 : i32, i32
  }
  func.func @transform_16(%arg0: i32) -> (i32, i32) {
    %c0_i32 = arith.constant 0 : i32
    %c0_i32_0 = arith.constant 0 : i32
    %c0_i32_1 = arith.constant 0 : i32
    return %c0_i32, %c0_i32_0 : i32, i32
  }
  func.func @transform_17(%arg0: i32) -> (i32, i32) {
    %c0_i32 = arith.constant 0 : i32
    %c0_i32_0 = arith.constant 0 : i32
    %c0_i32_1 = arith.constant 0 : i32
    return %c0_i32, %c0_i32_0 : i32, i32
  }
  func.func @transform_18(%arg0: i32) -> (i32, i32) {
    %c0_i32 = arith.constant 0 : i32
    %c0_i32_0 = arith.constant 0 : i32
    %c0_i32_1 = arith.constant 0 : i32
    return %c0_i32, %c0_i32_0 : i32, i32
  }
}

</mosaic_0001>

<sc_bundles>
// kernel: kernel.10.cloned.1.call-start
scs
__scs_entry_jumppad:
0x0: {  	(pc) =	sbr.rel $0x88, $3  }
0x1: {  	(tag) =	ssettag $0x0;
	lr =	simm.s32 $0x1  }
0x2: {  	[smem:$0x3F88] =	sst lr;
	_ =	strace $0xD0000000  }
0x3: {  	_ = 	snop  }
0x4: {  	_ = 	snop  }
0x5: {  	_ = 	snop  }
0x6: {  	_ = 	snop  }
0x7: {  	_ = 	snop  }
__scs_overlays_trampoline_lowered:
0x8: {  	[smem:$0x3F97] =	sst s0  }
0x9: {  	[smem:$0x3F98] =	sst s1  }
0xa: {  	[smem:$0x3F99] =	sst s2  }
0xb: {  	[smem:$0x3F9A] =	sst s3  }
0xc: {  	[smem:$0x3F9B] =	sst s4  }
0xd: {  	[smem:$0x3F9C] =	sst s5  }
0xe: {  	[smem:$0x3F9D] =	sst s6  }
0xf: {  	[smem:$0x3F9E] =	sst s7  }
0x10: {  	[smem:$0x3F9F] =	sst s8  }
0x11: {  	[smem:$0x3FA0] =	sst s9;
	s0 =	simm.s32 @!p0 $0x0  }
0x12: {  	s1 =	sld [smem:$0x3F86];
	s0 =	simm.s32 @p0 $0x1  }
0x13: {  	[smem:$0x3FA1] =	sst s0;
	s0 =	simm.s32 @!p1 $0x0  }
0x14: {  	s2 =	sld [smem:$0x3F85];
	s0 =	simm.s32 @p1 $0x1  }
0x15: {  	[smem:$0x3FA2] =	sst s0;
	s0 =	simm.s32 @!p2 $0x0  }
0x16: {  	s3 =	sld [smem:$0x3FDB];
	s0 =	simm.s32 @p2 $0x1  }
0x17: {  	s4 =	simm.s32 $0x1BF5;
	[smem:$0x3FA4] =	sst s0  }
0x18: {  	s0 =	sld [smem:$0x3F87];
	_ =	swait.ge [sflag:s4], $0x0  }
0x19: {  	s7 =	sld [smem:$0x3F88]  }
0x1a: {  	s8 =	sadd.s32 $0xFFFFE003, lr  }
0x1b: {  	s9 =	sadd.s32 $0xFFFFFEF7, lr;
	s5 =	simm.s32 $0xFFFFFFFF;
	p2 =	slt.u32 s8, $0xFFFFF086  }
0x1c: {  	p1 =	slt.u32 s9, $0xF7A;
	s5 =	simm.s32 @!p2 $0x0  }
0x1d: {  	s5 =	simm.s32 @p1 $0x1;
	p0 =	seq.s32 s7, s2  }
0x1e: {  	s7 =	smul.u32 @!p0 $0xF7A, s2;
	p2 =	seq.s32 @!p0 s5, $0x0  }
0x1f: {  	s9 =	smul.u32 $0xF7A, s1;
	s8 =	simm.s32 @!p0 $0x1BF5;
	p2 =	por !p2, p0  }
0x20: {  	[sflag:s8] =	ssyncset.s32 @!p0 $0xFFFFF086;
	s6 =	sadd.s32 @!p0 s3, s7;
	s7 =	simm.s32 @!p0 $0x108  }
0x21: {  	s3 =	sadd.s32 s3, s9;
	s6 =	sadd.s32 @!p0 $0x88, s6;
	s7 =	simm.s32 @p2 $0x1082  }
0x22: {  	[simem:s7], [sflag:s8] =	dma.local @!p0 [hbm:s6], $0xF7A  }
0x23: {  	s9 =	sor.u32 $0xD0000000, s2;
	s6 =	simm.s32 $0x108;
	_ =	swait.ge @!p0 [sflag:s8], $0x0  }
0x24: {  	s3 =	sadd.s32 $0x88, s3;
	s6 =	simm.s32 @!p1 $0x1082;
	[sflag:s4] =	ssyncset.s32 $0xFFFFF086  }
0x25: {  	[simem:s6], [sflag:s4] =	dma.local [hbm:s3], $0xF7A  }
0x26: {  	[smem:$0x3F88] =	sst s1;
	(tag) =	ssettag s2;
	_ =	strace s9  }
0x27: {  	s1 =	sld [smem:$0x3F98]  }
0x28: {  	s2 =	sld [smem:$0x3F99]  }
0x29: {  	s4 =	sld [smem:$0x3F9B]  }
0x2a: {  	p0 =	seq.s32 s5, $0x0;
	s5 =	sld [smem:$0x3F9C]  }
0x2b: {  	s6 =	sld [smem:$0x3F9D]  }
0x2c: {  	s7 =	sld [smem:$0x3F9E]  }
0x2d: {  	s3 =	simm.s32 $0x108;
	s8 =	sld [smem:$0x3F9F]  }
0x2e: {  	s3 =	simm.s32 @!p0 $0x1082;
	s9 =	sld [smem:$0x3FA0]  }
0x2f: {  	lr =	sadd.s32 s0, s3;
	s0 =	sld [smem:$0x3F97]  }
0x30: {  	s3 =	sld [smem:$0x3F9A]  }
0x31: {  	[smem:$0x3FA3] =	sst s10  }
0x32: {  	s10 =	sld [smem:$0x3FA1];
	_ =	sdelay $0x3  }
0x33: {  	p0 =	seq.s32 s10, $0x1;
	s10 =	sld [smem:$0x3FA3];
	_ =	sdelay $0x3  }
0x34: {  	[smem:$0x3FA3] =	sst s10  }
0x35: {  	s10 =	sld [smem:$0x3FA2];
	_ =	sdelay $0x3  }
0x36: {  	p1 =	seq.s32 s10, $0x1;
	s10 =	sld [smem:$0x3FA3];
	_ =	sdelay $0x3  }
0x37: {  	[smem:$0x3FA3] =	sst s10  }
0x38: {  	s10 =	sld [smem:$0x3FA4]  }
0x39: {  	_ = 	snop;
	(pc) =	sbr.ind lr, $3  }
0x3a: {  	_ = 	snop  }
0x3b: {  	_ = 	snop  }
0x3c: {  	p2 =	seq.s32 s10, $0x1;
	s10 =	sld [smem:$0x3FA3]  }
0x3d: {  	_ =	shalt  }
0x3e: {  	_ =	shalt  }
0x3f: {  	_ =	shalt  }
0x40: {  	_ =	shalt  }
0x41: {  	_ =	shalt  }
0x42: {  	_ =	shalt  }
0x43: {  	_ =	shalt  }
0x44: {  	_ =	shalt  }
0x45: {  	_ =	shalt  }
0x46: {  	_ =	shalt  }
0x47: {  	_ =	shalt  }
0x48: {  	_ =	shalt  }
0x49: {  	_ =	shalt  }
0x4a: {  	_ =	shalt  }
0x4b: {  	_ =	shalt  }
0x4c: {  	_ =	shalt  }
0x4d: {  	_ =	shalt  }
0x4e: {  	_ =	shalt  }
0x4f: {  	_ =	shalt  }
0x50: {  	_ =	shalt  }
0x51: {  	_ =	shalt  }
0x52: {  	_ =	shalt  }
0x53: {  	_ =	shalt  }
0x54: {  	_ =	shalt  }
0x55: {  	_ =	shalt  }
0x56: {  	_ =	shalt  }
0x57: {  	_ =	shalt  }
0x58: {  	_ =	shalt  }
0x59: {  	_ =	shalt  }
0x5a: {  	_ =	shalt  }
0x5b: {  	_ =	shalt  }
0x5c: {  	_ =	shalt  }
0x5d: {  	_ =	shalt  }
0x5e: {  	_ =	shalt  }
0x5f: {  	_ =	shalt  }
0x60: {  	_ =	shalt  }
0x61: {  	_ =	shalt  }
0x62: {  	_ =	shalt  }
0x63: {  	_ =	shalt  }
0x64: {  	_ =	shalt  }
0x65: {  	_ =	shalt  }
0x66: {  	_ =	shalt  }
0x67: {  	_ =	shalt  }
0x68: {  	_ =	shalt  }
0x69: {  	_ =	shalt  }
0x6a: {  	_ =	shalt  }
0x6b: {  	_ =	shalt  }
0x6c: {  	_ =	shalt  }
0x6d: {  	_ =	shalt  }
0x6e: {  	_ =	shalt  }
0x6f: {  	_ =	shalt  }
0x70: {  	_ =	shalt  }
0x71: {  	_ =	shalt  }
0x72: {  	_ =	shalt  }
0x73: {  	_ =	shalt  }
0x74: {  	_ =	shalt  }
0x75: {  	_ =	shalt  }
0x76: {  	_ =	shalt  }
0x77: {  	_ =	shalt  }
0x78: {  	_ =	shalt  }
0x79: {  	_ =	shalt  }
0x7a: {  	_ =	shalt  }
0x7b: {  	_ =	shalt  }
0x7c: {  	_ =	shalt  }
0x7d: {  	_ =	shalt  }
0x7e: {  	_ =	shalt  }
0x7f: {  	_ =	shalt  }
0x80: {  	_ =	shalt  }
0x81: {  	_ =	shalt  }
0x82: {  	_ =	shalt  }
0x83: {  	_ =	shalt  }
0x84: {  	_ =	shalt  }
0x85: {  	_ =	shalt  }
0x86: {  	_ =	shalt  }
0x87: {  	_ =	shalt  }
.Lfunc_end0:
.L_simem_size_0:
called_computation.1_lowered:
.L_overlay_start_0:
0x88: {  	s2 =	sld [smem:$0x3FD9]  }
0x89: {  	s3 =	sld [smem:$0x3FFE];
	_ =	sdelay $0x1  }
0x8a: {  	s1 =	srdreg.scid  }
0x8b: {  	s0 =	sand.u32 $0x1, s1  }
0x8c: {  	s14 =	sshll.u32 s0, $0xA;
	s2 =	sadd.s32 s3, s2  }
0x8d: {  	s2 =	sadd.s32 s2, s14  }
0x8e: {  	[smem:$0x3FAF] =	sst s2  }
0x8f: {  	_ = 	snop  }
0x90: {  	s2 =	sld [smem:$0x3FD0];
	_ =	sdelay $0x2  }
0x91: {  	s15 =	simm.s32 $0xA;
	s4 =	simm.s32 $0x10  }
0x92: {  	[smem:s4], [sflag:s15] =	dma.local [hbm:s2], $0x1  }
0x93: {  	_ =	swait.eq [sflag:s15], $0x1  }
0x94: {  	[sflag:s15] =	ssyncset.done $0x0  }
0x95: {  	s16 =	sld [smem:$0x13];
	[sflag:s15] =	ssyncadd.s32 $0xFFFFFFFF  }
0x96: {  	s17 =	sld [smem:$0x14];
	(tm) =	ssettm $0x1  }
0x97: {  	s18 =	sld [smem:$0x3FFB];
	_ =	sdelay $0x3  }
0x98: {  	_ =	strace s18  }
0x99: {  	s4 =	sld [smem:$0x3FFC];
	_ =	sdelay $0x3  }
0x9a: {  	_ =	strace s4  }
0x9b: {  	s4 =	sld [smem:$0x3FFD];
	_ =	sdelay $0x3  }
0x9c: {  	_ =	strace s4  }
0x9d: {  	_ =	strace $0x8FFFFFFF  }
0x9e: {  	s19 =	sld [smem:$0x3FDB];
	_ =	sdelay $0x1  }
0x9f: {  	s5 =	simm.s32 $_scs_section_size  }
0xa0: {  	s6 =	simm.s32 $_size__tile_overlayer_lowered;
	s7 =	simm.s32 $_tile_overlayer_lowered  }
0xa1: {  	s22 =	simm.s32 $0x1BFF;
	s21 =	sshll.u32 s7, $0x1;
	s4 =	sadd.s32 s5, s19  }
0xa2: {  	s8 =	simm.s32 $0x0;
	s20 =	sshll.u32 s6, $0x1;
	s6 =	sadd.s32 s21, s4  }
0xa3: {  	[timem:s8], [sflag:s22] =	dma.local [hbm:s6], s20  }
0xa4: {  	_ =	swait.ge [sflag:s22], s20  }
0xa5: {  	s5 =	ssub.s32 $0x0, s20;
	[sflag:s22] =	ssyncset.done $0x0  }
0xa6: {  	[sflag:s22] =	ssyncadd.s32 s5;
	_ =	sdelay $0x1  }
0xa7: {  	s23 =	simm.s32 $0x1B8B  }
0xa8: {  	_ =	swait.ge [sflag:s23], $0x1  }
0xa9: {  	[sflag:s23] =	ssyncset.done $0x0  }
0xaa: {  	s25 =	simm.s32 $0x1B8E;
	s24 =	sld [smem:$0x3FFE];
	[sflag:s23] =	ssyncadd.s32 $0xFFFFFFFF  }
0xab: {  	s26 =	simm.s32 $execute0_lowered;
	[smem:$0x3FD2] =	sst s25  }
0xac: {  	s6 =	sshll.u32 s26, $0x1;
	_ =	strace $0x80000049;
	[dreg:$0x1] =	wrdreg $0xFFFFFFFF  }
0xad: {  	s28 =	simm.s32 $_size_execute0_lowered;
	s4 =	sadd.s32 s4, s6;
	[dreg:$0x0] =	wrdreg $0x0  }
0xae: {  	s6 =	sshll.u32 s28, $0x1;
	[dreg:$0x2] =	wrdreg s4  }
0xaf: {  	[dreg:$0x3] =	wrdreg s6  }
0xb0: {  	[dreg:$0x4] =	wrdreg $0xC0  }
0xb1: {  	_ =	task [dreg:s8], $0x5FFFF  }
0xb2: {  	[dreg:$0x1] =	wrdreg $0xFFFFFFFF  }
0xb3: {  	[dreg:$0x0] =	wrdreg $0x60  }
0xb4: {  	[dreg:$0x2] =	wrdreg s16  }
0xb5: {  	[dreg:$0x3] =	wrdreg s24  }
0xb6: {  	[dreg:$0x4] =	wrdreg s17  }
0xb7: {  	[dreg:$0x5] =	wrdreg $0x87100  }
0xb8: {  	[dreg:$0x6] =	wrdreg $0xD5300  }
0xb9: {  	[dreg:$0x7] =	wrdreg $0x9  }
0xba: {  	_ =	task.clear_ibuf [dreg:s8], $0x8FFFF;
	_ =	strace $0x90000049  }
0xbb: {  	s29 =	simm.s32 $0x9;
	_ =	strace $0x8000004B  }
0xbc: {  	_ =	swait.ge [sflag:s29], $0x1  }
0xbd: {  	[sflag:s29] =	ssyncadd.s32 $0xFFFFFFFF  }
0xbe: {  	_ =	strace $0x9000004B  }
0xbf: {  	_ =	sfence  }
0xc0: {  	s30 =	sld [smem:$0x0];
	_ =	sdelay $0x2  }
0xc1: {  	s31 =	sshll.u32 s1, $0xD;
	s1 =	sshrl.u32 s1, $0x2  }
0xc2: {  	s3 =	sand.u32 $0x4000, s31;
	s1 =	sadd.s32 s1, s30  }
0xc3: {  	s0 =	sor.u32 s3, s0;
	s1 =	sshll.u32 s1, $0x11  }
0xc4: {  	s0 =	sor.u32 s1, s0  }
0xc5: {  	s0 =	sadd.s32 $0x8F2B, s0  }
0xc6: {  	[sflag:s0] =	ssyncadd.remote.s32 $0x1  }
0xc7: {  	_ =	sfence.sel $0xFFFF  }
0xc8: {  	[dreg:$0x0] =	wrdreg $0xFFFFFFFF;
	(pc) =	sbr.abs _section_cstart, $3  }
0xc9: {  	[dreg:$0x1] =	wrdreg $0xFFFFFFFF  }
0xca: {  	_ =	task.clear_ibuf [dreg:s8], $0x2FFFF;
	_ =	strace $0x9FFFFFFF  }
0xcb: {  	(tm) =	ssettm $0x7FFFFFFF  }
tec
execute0_lowered:
.L_overlay_start_1:
0x0: {  	(tag) =	ssettag $0x1  }
0x1: {  	s0 =	rddreg [dreg:$0x0]  }
0x2: {  	s1 =	rddreg [dreg:$0x1]  }
0x3: {  	s5 =	rddreg [dreg:$0x2]  }
0x4: {  	s2 =	rddreg [dreg:$0x3]  }
0x5: {  	s3 =	rddreg [dreg:$0x4];
	s4 =	simm.s32 $0x0;
	s13 =	stileid.u32  }
0x6: {  	s6 =	srdreg.scid;
	s28 =	simm.s32 $0x5;
	s29 =	simm.s32 $0x11  }
0x7: {  	s30 =	simm.s32 $0x9;
	s31 =	simm.s32 $0x6;
	s7 =	smul.u32 $0x4E00, s13  }
0x8: {  	s6 =	sand.u32 $0x1, s6;
	s8 =	sshll.u32 s13, $0x1;
	[smem:$0x7FF] =	sst s4  }
0x9: {  	s14 =	sadd.s32 $0x4A00, s1;
	s15 =	sadd.s32 $0x18600, s1;
	s16 =	sadd.s32 $0x22400, s1  }
0xa: {  	s23 =	smul.u32 $0x4E20, s13;
	p1 =	sne.s32 s13, $0xF;
	p2 =	seq.s32 s13, $0xF  }
0xb: {  	s13 =	simm.s32 $0x125E0;
	_ =	strace $0x8000004A;
	[dreg:$0x7] =	wrdreg s15  }
0xc: {  	s8 =	sor.u32 s6, s8;
	s11 =	ssub.s32 $0x2, s6;
	[dreg:$0x8] =	wrdreg s16  }
0xd: {  	s25 =	smul.u32 $0x2710, s6;
	p0 =	seq.s32 s6, $0x1;
	[dreg:$0x6] =	wrdreg s14  }
0xe: {  	s9 =	sshrl.u32 s7, $0x3;
	s8 =	smul.u32 $0x2710, s8;
	s12 =	sshrl.u32 s11, $0x1  }
0xf: {  	s21 =	sadd.s32 s7, s2;
	s7 =	sadd.s32 s7, s3;
	s10 =	sadd.s32 s9, s1  }
0x10: {  	s11 =	ssub.s32 s11, s12;
	[dreg:$0xa] =	wrdreg s21;
	s24 =	sadd.s32 s0, s9  }
0x11: {  	s1 =	sadd.s32 $0x18400, s1;
	s0 =	sadd.s32 $0x9C00, s0;
	[dreg:$0xc] =	wrdreg s24  }
0x12: {  	s26 =	sadd.s32 s25, s23;
	s6 =	sadd.s32 s15, s9;
	[dreg:$0xd] =	wrdreg s1  }
0x13: {  	s9 =	sadd.s32 s16, s9;
	s21 =	sshrl.u32 s7, $0x3;
	[dreg:$0xe] =	wrdreg s0  }
0x14: {  	s8 =	sshrl.u32 s8, $0x3;
	s22 =	sadd.s32 $0xE800, s10;
	[dreg:$0x10] =	wrdreg s6  }
0x15: {  	s1 =	sadd.s32 $0x4E000, s3;
	[dreg:$0x11] =	wrdreg s9;
	s10 =	sadd.s32 $0x380, s26  }
0x16: {  	s12 =	smax.u32 s11, $0x1;
	s15 =	sadd.s32 $0x400, s26;
	s16 =	sadd.s32 $0x300, s26  }
0x17: {  	s18 =	sadd.s32 $0x480, s26;
	s19 =	sadd.s32 $0x280, s26;
	[dreg:$0x19] =	wrdreg s21  }
0x18: {  	s0 =	sadd.s32 $0x200, s26;
	s21 =	simm.s32 $0x7710;
	[dreg:$0xb] =	wrdreg s22  }
0x19: {  	s5 =	sadd.s32 s5, s8;
	s8 =	sadd.s32 s14, s8;
	[dreg:$0x12] =	wrdreg s12  }
0x1a: {  	[dreg:$0x13] =	wrdreg s16;
	s17 =	sshrl.u32 s15, $0x3;
	s6 =	sshrl.u32 s19, $0x3  }
0x1b: {  	s0 =	sshrl.u32 s0, $0x3;
	s22 =	sadd.s32 $0x4E000, s2;
	[dreg:$0x9] =	wrdreg s5  }
0x1c: {  	s16 =	simm.s32 $0x80;
	s19 =	simm.s32 $0x12560;
	[dreg:$0x1b] =	wrdreg s22  }
0x1d: {  	s12 =	simm.s32 $0x7710;
	s20 =	sadd.s32 s6, s14;
	[dreg:$0xf] =	wrdreg s8  }
0x1e: {  	s5 =	sshrl.u32 s10, $0x3;
	s0 =	sadd.s32 s0, s14;
	[dreg:$0x17] =	wrdreg s20  }
0x1f: {  	s23 =	sadd.s32 $0x10, s8;
	s24 =	sadd.s32 $0x20, s8;
	[dreg:$0x18] =	wrdreg s0  }
0x20: {  	s25 =	sadd.s32 $0x30, s8;
	s26 =	sadd.s32 $0x4E0, s8;
	[dreg:$0x1c] =	wrdreg s23  }
0x21: {  	s6 =	simm.s32 $0x0;
	s22 =	simm.s32 $0x12460;
	[dreg:$0x1d] =	wrdreg s24  }
0x22: {  	s5 =	sadd.s32 s5, s14;
	s0 =	sshrl.u32 @!p1 s1, $0x3;
	[dreg:$0x1e] =	wrdreg s25  }
0x23: {  	[dreg:$0x1f] =	wrdreg s26;
	s23 =	simm.s32 $0xF;
	s25 =	simm.s32 $0x7  }
.Ltmp0:
0x24: {  	s26 =	simm.s32 $0xA;
	[dreg:$0x14] =	wrdreg s5;
	(pc) =	sbr.rel .LBB2_1-.Ltmp0, $4  }
0x25: {  	s20 =	simm.s32 $0x6710;
	s5 =	sadd.s32 s17, s14;
	[dreg:$0x1a] =	wrdreg s0  }
0x26: {  	s24 =	simm.s32 $0x125E0;
	[dreg:$0x15] =	wrdreg s5;
	s5 =	sshrl.u32 s18, $0x3  }
0x27: {  	s17 =	simm.s32 $0x12460;
	s18 =	simm.s32 $0x4710;
	s5 =	sadd.s32 s5, s14  }
0x28: {  	s14 =	simm.s32 $0x12;
	[dreg:$0x16] =	wrdreg s5;
	s5 =	simm.s32 $0x13  }
.LBB2_7:
0x29: {  	s1 =	rddreg [dreg:$0x1b]  }
0x2a: {  	s0 =	sadd.s32 $0x9C00, s0;
	s1 =	sshrl.u32 s1, $0x3  }
0x2b: {  	[hbm:s0], [sflag:s7] =	dma.local [spmem:s1], $0x40  }
0x2c: {  	_ =	swait.ge [sflag:s5], $0x40  }
0x2d: {  	[sflag:s5] =	ssyncset.done $0x0  }
0x2e: {  	[sflag:s5] =	ssyncadd.s32 $0xFFFFFFC0  }
.LBB2_8:
0x2f: {  	s6 =	sadd.s32 $0x1, s6;
	s0 =	rddreg [dreg:$0x12]  }
0x30: {  	p3 =	sne.s32 s6, s0  }
.Ltmp1:
0x31: {  	_ = 	snop;
	(pc) =	sbr.rel @!p3 .LBB2_9-.Ltmp1, $1  }
0x32: {  	_ =	sdelay $0x3  }
.LBB2_1:
0x33: {  	[smem:$0x7FB] =	sst s6  }
0x34: {  	s0 =	rddreg [dreg:$0x9]  }
0x35: {  	[tilespmem:s4], [sflag:$0x13] =	stream.linear.gather [hbm4b:s0+s4], $0x2710, $0x38;
	[tilespmem:$0x12660] =	vst v63  }
0x36: {  	s15 =	stileid.u32;
	_ =	swait.ge [sflag:s5], $0x2710  }
0x37: {  	s0 =	sshll.u32 s15, $0x6;
	s1 =	rddreg [dreg:$0xa]  }
0x38: {  	[sflag:s5] =	ssyncset.done $0x0;
	s7 =	rddreg [dreg:$0xb];
	s1 =	sshrl.u32 s1, $0x3  }
0x39: {  	s6 =	sor.u32 $0x1C13, s0;
	[sflag:s5] =	ssyncadd.s32 $0xFFFFD8F0;
	[smem:$0x7FC] =	sst s1  }
0x3a: {  	[spmem:s1], [sflag:s6] =	dma.local [hbm:s7], $0x9C0  }
0x3b: {  	_ =	swait.ge [sflag:s5], $0x9C0  }
0x3c: {  	[sflag:s5] =	ssyncset.done $0x0;
	s8 =	rddreg [dreg:$0xc]  }
0x3d: {  	s9 =	rddreg [dreg:$0x19];
	[sflag:s5] =	ssyncadd.s32 $0xFFFFF640  }
0x3e: {  	[spmem:s9], [sflag:s6] =	dma.local [hbm:s8], $0x9C0  }
0x3f: {  	_ =	swait.ge [sflag:s5], $0x9C0  }
0x40: {  	[sflag:s5] =	ssyncset.done $0x0;
	s0 =	rddreg [dreg:$0x1b]  }
0x41: {  	s1 =	rddreg [dreg:$0xd];
	[sflag:s5] =	ssyncadd.s32 $0xFFFFF640;
	s0 =	sshrl.u32 @!p1 s0, $0x3  }
0x42: {  	[spmem:s0], [sflag:s6] =	dma.local @!p1 [hbm:s1], $0x40  }
0x43: {  	s0 =	simm.s32 @!p1 $0x13  }
0x44: {  	_ =	swait.ge @!p1 [sflag:s0], $0x40  }
0x45: {  	s1 =	rddreg [dreg:$0xe]  }
0x46: {  	[sflag:s0] =	ssyncset.done @!p1 $0x0;
	s5 =	rddreg [dreg:$0x1a]  }
0x47: {  	[smem:$0x7FD] =	sst s6;
	[sflag:s0] =	ssyncadd.s32 @!p1 $0xFFFFFFC0  }
0x48: {  	[spmem:s5], [sflag:s6] =	dma.local @!p1 [hbm:s1], $0x40  }
0x49: {  	_ =	swait.ge @!p1 [sflag:s0], $0x40  }
0x4a: {  	[sflag:s0] =	ssyncset.done @!p1 $0x0  }
0x4b: {  	[sflag:s0] =	ssyncadd.s32 @!p1 $0xFFFFFFC0  }
0x4c: {  	[bflag:$0x0] =	sbarrier.arrive $0xFFFF  }
0x4d: {  	s11 =	simm.s32 $0x12360;
	s10 =	rddreg [dreg:$0xf]  }
0x4e: {  	[tilespmem:s11], [sflag:$0xD] =	stream.linear.gather [hbm4b:s10+s4], $0x80, $0x38;
	[tilespmem:$0x12660] =	vst v63  }
0x4f: {  	s15 =	simm.s32 $0x2710;
	s1 =	rddreg [dreg:$0x1c]  }
0x50: {  	[tilespmem:s15], [sflag:$0x1] =	stream.indirect.gather [spmem:s3], $0x20, s4, s16, $0xb8;
	[tilespmem:$0x12660] =	vst v63  }
0x51: {  	s5 =	simm.s32 $0x123E0;
	s7 =	rddreg [dreg:$0x1d]  }
0x52: {  	[tilespmem:s5], [sflag:$0xE] =	stream.linear.gather [hbm4b:s1+s4], $0x80, $0x38;
	[tilespmem:$0x12660] =	vst v63  }
0x53: {  	s6 =	simm.s32 $0x3710;
	s9 =	rddreg [dreg:$0x1e]  }
0x54: {  	[tilespmem:s6], [sflag:$0x2] =	stream.indirect.gather [spmem:s3], $0x20, s16, s16, $0xb8;
	[tilespmem:$0x12660] =	vst v63  }
0x55: {  	s0 =	rddreg [dreg:$0x18]  }
0x56: {  	[tilespmem:s17], [sflag:$0xF] =	stream.linear.gather [hbm4b:s7+s4], $0x80, $0x38;
	[tilespmem:$0x12660] =	vst v63  }
0x57: {  	s8 =	simm.s32 $0x100;
	s1 =	rddreg [dreg:$0x13]  }
0x58: {  	[tilespmem:s18], [sflag:$0x3] =	stream.indirect.gather [spmem:s3], $0x20, s8, s16, $0xb8;
	[tilespmem:$0x12660] =	vst v63  }
0x59: {  	s10 =	simm.s32 $0x124E0;
	s7 =	rddreg [dreg:$0x14]  }
0x5a: {  	[tilespmem:s10], [sflag:$0x10] =	stream.linear.gather [hbm4b:s9+s4], $0x80, $0x38;
	[tilespmem:$0x12660] =	vst v63  }
0x5b: {  	s11 =	simm.s32 $0x180;
	s15 =	simm.s32 $0x5710;
	s10 =	rddreg [dreg:$0x17]  }
0x5c: {  	[tilespmem:s15], [sflag:$0x4] =	stream.indirect.gather [spmem:s3], $0x20, s11, s16, $0xb8;
	[tilespmem:$0x12660] =	vst v63  }
0x5d: {  	s15 =	rddreg [dreg:$0x16]  }
0x5e: {  	s6 =	simm.s32 $0x0;
	s11 =	rddreg [dreg:$0x15]  }
.LBB2_2:
0x5f: {  	s5 =	simm.s32 $0x1  }
0x60: {  	_ =	swait.ge [sflag:s5], $0x1000  }
0x61: {  	[sflag:s5] =	ssyncset.done $0x0  }
0x62: {  	s8 =	simm.s32 $0xD;
	[sflag:s5] =	ssyncadd.s32 $0xFFFFF000  }
0x63: {  	_ =	swait.ge [sflag:s8], $0x80  }
0x64: {  	s9 =	simm.s32 $0x12360;
	p3 =	seq.s32 s6, $0x0;
	[sflag:s8] =	ssyncset.done $0x0  }
0x65: {  	s5 =	simm.s32 @!p3 $0xB;
	[sflag:s8] =	ssyncadd.s32 $0xFFFFFF80;
	s8 =	simm.s32 $0x2710  }
0x66: {  	[spmem:s2] =	stream.indirect.scatter.add.f32 [tilespmem:s8], [sflag:$0x7], $0x20, s9, s16, $0xb8;
	[tilespmem:$0x12660] =	vst v63  }
0x67: {  	_ =	swait.ge @!p3 [sflag:s5], $0x1000  }
0x68: {  	[sflag:s5] =	ssyncset.done @!p3 $0x0  }
0x69: {  	[sflag:s5] =	ssyncadd.s32 @!p3 $0xFFFFF000;
	s5 =	sshra.s32 s6, $0x2  }
0x6a: {  	[tilespmem:s19], [sflag:$0x11] =	stream.linear.gather [hbm4b:s0+s4], $0x80, $0x38;
	[tilespmem:$0x12660] =	vst v63  }
0x6b: {  	s9 =	sadd.s32 $0x200, s5  }
0x6c: {  	[tilespmem:s20], [sflag:$0x5] =	stream.indirect.gather [spmem:s3], $0x20, s9, s16, $0xb8;
	[tilespmem:$0x12660] =	vst v63  }
0x6d: {  	s9 =	simm.s32 $0x2  }
0x6e: {  	_ =	swait.ge [sflag:s9], $0x1000  }
0x6f: {  	[sflag:s9] =	ssyncset.done $0x0  }
0x70: {  	[sflag:s9] =	ssyncadd.s32 $0xFFFFF000;
	s9 =	simm.s32 $0xE  }
0x71: {  	_ =	swait.ge [sflag:s9], $0x80  }
0x72: {  	[sflag:s9] =	ssyncset.done $0x0  }
0x73: {  	s8 =	simm.s32 $0x123E0;
	[sflag:s9] =	ssyncadd.s32 $0xFFFFFF80;
	s9 =	simm.s32 $0x3710  }
0x74: {  	[spmem:s2] =	stream.indirect.scatter.add.f32 [tilespmem:s9], [sflag:$0x8], $0x20, s8, s16, $0xb8;
	[tilespmem:$0x12660] =	vst v63  }
0x75: {  	s8 =	simm.s32 @!p3 $0xC  }
0x76: {  	_ =	swait.ge @!p3 [sflag:s8], $0x1000  }
0x77: {  	[sflag:s8] =	ssyncset.done @!p3 $0x0  }
0x78: {  	[sflag:s8] =	ssyncadd.s32 @!p3 $0xFFFFF000  }
0x79: {  	[tilespmem:s13], [sflag:$0x12] =	stream.linear.gather [hbm4b:s10+s4], $0x80, $0x38;
	[tilespmem:$0x12660] =	vst v63  }
0x7a: {  	s13 =	sadd.s32 $0x280, s5  }
0x7b: {  	[tilespmem:s21], [sflag:$0x6] =	stream.indirect.gather [spmem:s3], $0x20, s13, s16, $0xb8;
	[tilespmem:$0x12660] =	vst v63  }
0x7c: {  	s21 =	simm.s32 $0x3  }
0x7d: {  	_ =	swait.ge [sflag:s21], $0x1000  }
0x7e: {  	[sflag:s21] =	ssyncset.done $0x0  }
0x7f: {  	[sflag:s21] =	ssyncadd.s32 $0xFFFFF000  }
0x80: {  	_ =	swait.ge [sflag:s23], $0x80  }
0x81: {  	[sflag:s23] =	ssyncset.done $0x0  }
0x82: {  	[sflag:s23] =	ssyncadd.s32 $0xFFFFFF80  }
0x83: {  	[spmem:s2] =	stream.indirect.scatter.add.f32 [tilespmem:s18], [sflag:$0x9], $0x20, s17, s16, $0xb8;
	[tilespmem:$0x12660] =	vst v63  }
0x84: {  	_ =	swait.ge [sflag:s25], $0x1000  }
0x85: {  	p3 =	seq.s32 s6, $0x9000;
	[sflag:s25] =	ssyncset.done $0x0  }
0x86: {  	s8 =	simm.s32 @p3 $0x4;
	[sflag:s25] =	ssyncadd.s32 $0xFFFFF000  }
0x87: {  	_ =	swait.ge @p3 [sflag:s8], $0x1000  }
0x88: {  	[sflag:s8] =	ssyncset.done @p3 $0x0  }
0x89: {  	[sflag:s8] =	ssyncadd.s32 @p3 $0xFFFFF000;
	s8 =	simm.s32 @p3 $0x10  }
0x8a: {  	_ =	swait.ge @p3 [sflag:s8], $0x80  }
0x8b: {  	s9 =	simm.s32 @p3 $0x124E0;
	[sflag:s8] =	ssyncset.done @p3 $0x0  }
0x8c: {  	s17 =	simm.s32 @p3 $0x5710;
	[sflag:s8] =	ssyncadd.s32 @p3 $0xFFFFFF80;
	s8 =	simm.s32 @p3 $0x80  }
0x8d: {  	[spmem:s2] =	stream.indirect.scatter.add.f32 @p3 [tilespmem:s17], [sflag:$0xA], $0x20, s9, s8, $0xb8;
	[tilespmem:$0x12660] =	vst v63  }
0x8e: {  	s8 =	simm.s32 @p3 $0x8  }
0x8f: {  	_ =	swait.ge @p3 [sflag:s8], $0x1000  }
0x90: {  	[sflag:s8] =	ssyncset.done @p3 $0x0  }
0x91: {  	s9 =	rddreg [dreg:$0x6];
	[sflag:s8] =	ssyncadd.s32 @p3 $0xFFFFF000;
	s8 =	sshrl.u32 @!p3 s1, $0x3  }
0x92: {  	s17 =	simm.s32 @!p3 $0x12360;
	s8 =	sadd.s32 @!p3 s9, s8;
	s9 =	simm.s32 @!p3 $0x0  }
0x93: {  	[tilespmem:s17], [sflag:$0xD] =	stream.linear.gather @!p3 [hbm4b:s8+s9], $0x80, $0x38;
	[tilespmem:$0x12660] =	vst v63  }
0x94: {  	s8 =	sshra.s32 @!p3 s6, $0x2  }
0x95: {  	s21 =	simm.s32 @!p3 $0x2710;
	s18 =	simm.s32 @!p3 $0x80;
	s17 =	sadd.s32 @!p3 $0x300, s8  }
0x96: {  	[tilespmem:s21], [sflag:$0x1] =	stream.indirect.gather @!p3 [spmem:s3], $0x20, s17, s18, $0xb8;
	[tilespmem:$0x12660] =	vst v63  }
0x97: {  	s17 =	simm.s32 @!p3 $0x4  }
0x98: {  	_ =	swait.ge @!p3 [sflag:s17], $0x1000  }
0x99: {  	[sflag:s17] =	ssyncset.done @!p3 $0x0  }
0x9a: {  	[sflag:s17] =	ssyncadd.s32 @!p3 $0xFFFFF000;
	s17 =	simm.s32 @!p3 $0x10  }
0x9b: {  	_ =	swait.ge @!p3 [sflag:s17], $0x80  }
0x9c: {  	[sflag:s17] =	ssyncset.done @!p3 $0x0  }
0x9d: {  	s21 =	simm.s32 @!p3 $0x5710;
	[sflag:s17] =	ssyncadd.s32 @!p3 $0xFFFFFF80;
	s17 =	simm.s32 @!p3 $0x124E0  }
0x9e: {  	[spmem:s2] =	stream.indirect.scatter.add.f32 @!p3 [tilespmem:s21], [sflag:$0xA], $0x20, s17, s18, $0xb8;
	[tilespmem:$0x12660] =	vst v63  }
0x9f: {  	s17 =	simm.s32 @!p3 $0x8  }
0xa0: {  	_ =	swait.ge @!p3 [sflag:s17], $0x1000  }
0xa1: {  	[sflag:s17] =	ssyncset.done @!p3 $0x0  }
0xa2: {  	[sflag:s17] =	ssyncadd.s32 @!p3 $0xFFFFF000;
	s17 =	simm.s32 @!p3 $0x123E0  }
0xa3: {  	[tilespmem:s17], [sflag:$0xE] =	stream.linear.gather @!p3 [hbm4b:s7+s9], $0x80, $0x38;
	[tilespmem:$0x12660] =	vst v63  }
0xa4: {  	s8 =	sadd.s32 @!p3 $0x380, s8;
	s9 =	simm.s32 @!p3 $0x3710  }
0xa5: {  	[tilespmem:s9], [sflag:$0x2] =	stream.indirect.gather @!p3 [spmem:s3], $0x20, s8, s18, $0xb8;
	[tilespmem:$0x12660] =	vst v63  }
0xa6: {  	_ =	swait.ge [sflag:s28], $0x1000  }
0xa7: {  	[sflag:s28] =	ssyncset.done $0x0  }
0xa8: {  	[sflag:s28] =	ssyncadd.s32 $0xFFFFF000  }
0xa9: {  	_ =	swait.ge [sflag:s29], $0x80  }
0xaa: {  	[sflag:s29] =	ssyncset.done $0x0  }
.Ltmp2:
0xab: {  	[sflag:s29] =	ssyncadd.s32 $0xFFFFFF80;
	(pc) =	sbr.rel @p3 .LBB2_4-.Ltmp2, $4  }
0xac: {  	[spmem:s2] =	stream.indirect.scatter.add.f32 [tilespmem:s20], [sflag:$0xB], $0x20, s19, s16, $0xb8;
	[tilespmem:$0x12660] =	vst v63  }
0xad: {  	_ =	swait.ge [sflag:s30], $0x1000  }
0xae: {  	[sflag:s30] =	ssyncset.done $0x0  }
0xaf: {  	s13 =	simm.s32 $0x4710;
	[sflag:s30] =	ssyncadd.s32 $0xFFFFF000  }
0xb0: {  	[tilespmem:s22], [sflag:$0xF] =	stream.linear.gather [hbm4b:s11+s4], $0x80, $0x38;
	[tilespmem:$0x12660] =	vst v63  }
0xb1: {  	s8 =	sadd.s32 $0x400, s5  }
0xb2: {  	[tilespmem:s13], [sflag:$0x3] =	stream.indirect.gather [spmem:s3], $0x20, s8, s16, $0xb8;
	[tilespmem:$0x12660] =	vst v63  }
0xb3: {  	_ =	swait.ge [sflag:s31], $0x1000  }
0xb4: {  	[sflag:s31] =	ssyncset.done $0x0  }
0xb5: {  	[sflag:s31] =	ssyncadd.s32 $0xFFFFF000  }
0xb6: {  	_ =	swait.ge [sflag:s14], $0x80  }
0xb7: {  	s17 =	simm.s32 $0x124E0;
	[sflag:s14] =	ssyncset.done $0x0  }
0xb8: {  	s18 =	sadd.s32 $0x480, s5;
	s21 =	simm.s32 $0x5710;
	[sflag:s14] =	ssyncadd.s32 $0xFFFFFF80  }
0xb9: {  	[spmem:s2] =	stream.indirect.scatter.add.f32 [tilespmem:s12], [sflag:$0xC], $0x20, s24, s16, $0xb8;
	[tilespmem:$0x12660] =	vst v63  }
0xba: {  	s6 =	sadd.s32 $0xC00, s6;
	s1 =	sadd.s32 $0x300, s1;
	_ =	swait.ge [sflag:s26], $0x1000  }
0xbb: {  	s7 =	sadd.s32 $0x60, s7;
	s11 =	sadd.s32 $0x60, s11;
	[sflag:s26] =	ssyncset.done $0x0  }
.Ltmp3:
0xbc: {  	s10 =	sadd.s32 $0x60, s10;
	[sflag:s26] =	ssyncadd.s32 $0xFFFFF000;
	(pc) =	sbr.rel .LBB2_2-.Ltmp3, $4  }
0xbd: {  	[tilespmem:s17], [sflag:$0x10] =	stream.linear.gather [hbm4b:s15+s4], $0x80, $0x38;
	[tilespmem:$0x12660] =	vst v63  }
0xbe: {  	s0 =	sadd.s32 $0x60, s0;
	s13 =	simm.s32 $0x125E0;
	s15 =	sadd.s32 $0x60, s15  }
0xbf: {  	[tilespmem:s21], [sflag:$0x4] =	stream.indirect.gather [spmem:s3], $0x20, s18, s16, $0xb8;
	[tilespmem:$0x12660] =	vst v63  }
0xc0: {  	s17 =	simm.s32 $0x12460;
	s18 =	simm.s32 $0x4710;
	s21 =	simm.s32 $0x7710  }
.LBB2_4:
0xc1: {  	_ =	swait.ge [sflag:s31], $0x1000  }
0xc2: {  	[sflag:s31] =	ssyncset.done $0x0  }
0xc3: {  	[sflag:s31] =	ssyncadd.s32 $0xFFFFF000  }
0xc4: {  	_ =	swait.ge [sflag:s14], $0x80  }
0xc5: {  	[sflag:s14] =	ssyncset.done $0x0  }
0xc6: {  	[sflag:s14] =	ssyncadd.s32 $0xFFFFFF80  }
0xc7: {  	[spmem:s2] =	stream.indirect.scatter.add.f32 [tilespmem:s12], [sflag:$0xC], $0x20, s24, s16, $0xb8;
	[tilespmem:$0x12660] =	vst v63  }
0xc8: {  	_ =	swait.ge [sflag:s26], $0x1000  }
0xc9: {  	[sflag:s26] =	ssyncset.done $0x0  }
0xca: {  	s0 =	simm.s32 $0xB;
	[sflag:s26] =	ssyncadd.s32 $0xFFFFF000  }
0xcb: {  	_ =	swait.ge [sflag:s0], $0x1000  }
0xcc: {  	[sflag:s0] =	ssyncset.done $0x0  }
0xcd: {  	s15 =	simm.s32 $0xC;
	[sflag:s0] =	ssyncadd.s32 $0xFFFFF000  }
0xce: {  	_ =	swait.ge [sflag:s15], $0x1000  }
0xcf: {  	s6 =	simm.s32 $0x12350;
	[sflag:s15] =	ssyncset.done $0x0  }
0xd0: {  	s5 =	simm.s32 $0x13;
	s17 =	rddreg [dreg:$0x1f];
	[sflag:s15] =	ssyncadd.s32 $0xFFFFF000  }
0xd1: {  	[tilespmem:s6], [sflag:$0x13] =	stream.linear.gather [hbm4b:s17+s4], $0x10, $0x38;
	[tilespmem:$0x12660] =	vst v63  }
0xd2: {  	_ =	swait.ge [sflag:s5], $0x10  }
0xd3: {  	s18 =	simm.s32 $0x2710;
	s7 =	simm.s32 $0x10;
	[sflag:s5] =	ssyncset.done $0x0  }
0xd4: {  	s1 =	simm.s32 $0x2700;
	s21 =	simm.s32 $0x1;
	[sflag:s5] =	ssyncadd.s32 $0xFFFFFFF0  }
0xd5: {  	[tilespmem:s18], [sflag:$0x1] =	stream.indirect.gather [spmem:s3], $0x20, s1, s7, $0xb8;
	[tilespmem:$0x12660] =	vst v63  }
0xd6: {  	_ =	swait.ge [sflag:s21], $0x200  }
0xd7: {  	[sflag:s21] =	ssyncset.done $0x0  }
0xd8: {  	[sflag:s21] =	ssyncadd.s32 $0xFFFFFE00  }
0xd9: {  	[spmem:s2] =	stream.indirect.scatter.add.f32 [tilespmem:s18], [sflag:$0x13], $0x20, s6, s7, $0xb8;
	[tilespmem:$0x12660] =	vst v63  }
.Ltmp4:
0xda: {  	_ =	swait.ge [sflag:s5], $0x200;
	(pc) =	sbr.rel @!p0 .LBB2_5-.Ltmp4, $4  }
0xdb: {  	[sflag:s5] =	ssyncset.done $0x0  }
0xdc: {  	[sflag:s5] =	ssyncadd.s32 $0xFFFFFE00  }
0xdd: {  	[bflag:$0x0] =	sbarrier.arrive $0xFFFF  }
0xde: {  	s13 =	simm.s32 $0x125E0;
	s21 =	simm.s32 $0x7710  }
0xdf: {  	s7 =	sld [smem:$0x7FD]  }
0xe0: {  	s1 =	sld [smem:$0x7FC];
	_ =	sdelay $0x1  }
0xe1: {  	s0 =	rddreg [dreg:$0x11]  }
0xe2: {  	[hbm:s0], [sflag:s7] =	dma.local [spmem:s1], $0x9C0  }
.Ltmp5:
0xe3: {  	_ = 	snop;
	(pc) =	sbr.rel @p1 .LBB2_8-.Ltmp5, $4  }
.Ltmp6:
0xe4: {  	_ = 	snop;
	(pc) =	sbr.rel @!p1 .LBB2_7-.Ltmp6, $4  }
0xe5: {  	_ =	swait.ge [sflag:s5], $0x9C0  }
0xe6: {  	s17 =	simm.s32 $0x12460;
	[sflag:s5] =	ssyncset.done $0x0;
	s6 =	sld [smem:$0x7FB]  }
0xe7: {  	s18 =	simm.s32 $0x4710;
	s0 =	rddreg [dreg:$0x8];
	[sflag:s5] =	ssyncadd.s32 $0xFFFFF640  }
0xe8: {  	_ = 	snop  }
.LBB2_5:
0xe9: {  	s7 =	sld [smem:$0x7FD]  }
0xea: {  	s1 =	sld [smem:$0x7FC];
	_ =	sdelay $0x1  }
0xeb: {  	s0 =	rddreg [dreg:$0x10]  }
0xec: {  	[hbm:s0], [sflag:s7] =	dma.local [spmem:s1], $0x9C0  }
.Ltmp7:
0xed: {  	_ = 	snop;
	(pc) =	sbr.rel @p2 .LBB2_7-.Ltmp7, $4  }
.Ltmp8:
0xee: {  	_ = 	snop;
	(pc) =	sbr.rel @!p2 .LBB2_8-.Ltmp8, $4  }
0xef: {  	_ =	swait.ge [sflag:s5], $0x9C0  }
0xf0: {  	s17 =	simm.s32 $0x12460;
	[sflag:s5] =	ssyncset.done $0x0;
	s6 =	sld [smem:$0x7FB]  }
0xf1: {  	s18 =	simm.s32 $0x4710;
	s0 =	rddreg [dreg:$0x7];
	[sflag:s5] =	ssyncadd.s32 $0xFFFFF640  }
0xf2: {  	_ = 	snop  }
.LBB2_9:
0xf3: {  	_ =	sfence.sel $0x180000  }
0xf4: {  	[bflag:$0x0] =	sbarrier.arrive $0xFFFF  }
0xf5: {  	_ =	strace $0x9000004A  }
0xf6: {  	s0 =	stileid.u32;
	[bflag:$0x2] =	sbarrier.arrive $0xFFFF  }
0xf7: {  	p0 =	sne.s32 s0, $0x0;
	s0 =	rddreg [dreg:$0x5]  }
0xf8: {  	s0 =	sadd.s32 @!p0 $0x100000, s0  }
0xf9: {  	[sflag:s0] =	ssyncadd.tile.s32 @!p0 $0x1;
	_ =	shalt  }
.Lfunc_end2:
_tile_overlayer_lowered:
.L_overlay_start_2:
0xfa: {  	(tag) =	ssettag $0x2  }
0xfb: {  	s0 =	rddreg [dreg:$0x0];
	s2 =	stileid.u32  }
0xfc: {  	s1 =	rddreg [dreg:$0x1];
	p0 =	sne.s32 s2, $0x0  }
0xfd: {  	s3 =	rddreg [dreg:$0x2];
	[bflag:$0x3] =	sbarrier.arrive $0xFFFF;
	s2 =	simm.s32 @!p0 $0x1C13  }
0xfe: {  	[timem:s3], [sflag:s2] =	dma.local @!p0 [hbm:s0], s1  }
0xff: {  	s0 =	simm.s32 @!p0 $0x13  }
0x100: {  	_ =	swait.ge @!p0 [sflag:s0], s1  }
0x101: {  	s1 =	ssub.s32 @!p0 $0x0, s1;
	[sflag:s0] =	ssyncset.done @!p0 $0x0  }
0x102: {  	[sflag:s0] =	ssyncadd.s32 @!p0 s1  }
0x103: {  	[bflag:$0x3] =	sbarrier.arrive $0xFFFF  }
0x104: {  	_ =	shalt  }

// kernel: kernel.7.cloned.1.call-start
scs
__scs_entry_jumppad:
0x0: {  	(pc) =	sbr.rel $0x88, $3  }
0x1: {  	(tag) =	ssettag $0x0;
	lr =	simm.s32 $0x1  }
0x2: {  	[smem:$0x3F88] =	sst lr;
	_ =	strace $0xD0000000  }
0x3: {  	_ = 	snop  }
0x4: {  	_ = 	snop  }
0x5: {  	_ = 	snop  }
0x6: {  	_ = 	snop  }
0x7: {  	_ = 	snop  }
__scs_overlays_trampoline_lowered:
0x8: {  	[smem:$0x3F97] =	sst s0  }
0x9: {  	[smem:$0x3F98] =	sst s1  }
0xa: {  	[smem:$0x3F99] =	sst s2  }
0xb: {  	[smem:$0x3F9A] =	sst s3  }
0xc: {  	[smem:$0x3F9B] =	sst s4  }
0xd: {  	[smem:$0x3F9C] =	sst s5  }
0xe: {  	[smem:$0x3F9D] =	sst s6  }
0xf: {  	[smem:$0x3F9E] =	sst s7  }
0x10: {  	[smem:$0x3F9F] =	sst s8  }
0x11: {  	[smem:$0x3FA0] =	sst s9;
	s0 =	simm.s32 @!p0 $0x0  }
0x12: {  	s1 =	sld [smem:$0x3F86];
	s0 =	simm.s32 @p0 $0x1  }
0x13: {  	[smem:$0x3FA1] =	sst s0;
	s0 =	simm.s32 @!p1 $0x0  }
0x14: {  	s2 =	sld [smem:$0x3F85];
	s0 =	simm.s32 @p1 $0x1  }
0x15: {  	[smem:$0x3FA2] =	sst s0;
	s0 =	simm.s32 @!p2 $0x0  }
0x16: {  	s3 =	sld [smem:$0x3FDB];
	s0 =	simm.s32 @p2 $0x1  }
0x17: {  	s4 =	simm.s32 $0x1BF5;
	[smem:$0x3FA4] =	sst s0  }
0x18: {  	s0 =	sld [smem:$0x3F87];
	_ =	swait.ge [sflag:s4], $0x0  }
0x19: {  	s7 =	sld [smem:$0x3F88]  }
0x1a: {  	s8 =	sadd.s32 $0xFFFFE003, lr  }
0x1b: {  	s9 =	sadd.s32 $0xFFFFFEF7, lr;
	s5 =	simm.s32 $0xFFFFFFFF;
	p2 =	slt.u32 s8, $0xFFFFF086  }
0x1c: {  	p1 =	slt.u32 s9, $0xF7A;
	s5 =	simm.s32 @!p2 $0x0  }
0x1d: {  	s5 =	simm.s32 @p1 $0x1;
	p0 =	seq.s32 s7, s2  }
0x1e: {  	s7 =	smul.u32 @!p0 $0xF7A, s2;
	p2 =	seq.s32 @!p0 s5, $0x0  }
0x1f: {  	s9 =	smul.u32 $0xF7A, s1;
	s8 =	simm.s32 @!p0 $0x1BF5;
	p2 =	por !p2, p0  }
0x20: {  	[sflag:s8] =	ssyncset.s32 @!p0 $0xFFFFF086;
	s6 =	sadd.s32 @!p0 s3, s7;
	s7 =	simm.s32 @!p0 $0x108  }
0x21: {  	s3 =	sadd.s32 s3, s9;
	s6 =	sadd.s32 @!p0 $0x88, s6;
	s7 =	simm.s32 @p2 $0x1082  }
0x22: {  	[simem:s7], [sflag:s8] =	dma.local @!p0 [hbm:s6], $0xF7A  }
0x23: {  	s9 =	sor.u32 $0xD0000000, s2;
	s6 =	simm.s32 $0x108;
	_ =	swait.ge @!p0 [sflag:s8], $0x0  }
0x24: {  	s3 =	sadd.s32 $0x88, s3;
	s6 =	simm.s32 @!p1 $0x1082;
	[sflag:s4] =	ssyncset.s32 $0xFFFFF086  }
0x25: {  	[simem:s6], [sflag:s4] =	dma.local [hbm:s3], $0xF7A  }
0x26: {  	[smem:$0x3F88] =	sst s1;
	(tag) =	ssettag s2;
	_ =	strace s9  }
0x27: {  	s1 =	sld [smem:$0x3F98]  }
0x28: {  	s2 =	sld [smem:$0x3F99]  }
0x29: {  	s4 =	sld [smem:$0x3F9B]  }
0x2a: {  	p0 =	seq.s32 s5, $0x0;
	s5 =	sld [smem:$0x3F9C]  }
0x2b: {  	s6 =	sld [smem:$0x3F9D]  }
0x2c: {  	s7 =	sld [smem:$0x3F9E]  }
0x2d: {  	s3 =	simm.s32 $0x108;
	s8 =	sld [smem:$0x3F9F]  }
0x2e: {  	s3 =	simm.s32 @!p0 $0x1082;
	s9 =	sld [smem:$0x3FA0]  }
0x2f: {  	lr =	sadd.s32 s0, s3;
	s0 =	sld [smem:$0x3F97]  }
0x30: {  	s3 =	sld [smem:$0x3F9A]  }
0x31: {  	[smem:$0x3FA3] =	sst s10  }
0x32: {  	s10 =	sld [smem:$0x3FA1];
	_ =	sdelay $0x3  }
0x33: {  	p0 =	seq.s32 s10, $0x1;
	s10 =	sld [smem:$0x3FA3];
	_ =	sdelay $0x3  }
0x34: {  	[smem:$0x3FA3] =	sst s10  }
0x35: {  	s10 =	sld [smem:$0x3FA2];
	_ =	sdelay $0x3  }
0x36: {  	p1 =	seq.s32 s10, $0x1;
	s10 =	sld [smem:$0x3FA3];
	_ =	sdelay $0x3  }
0x37: {  	[smem:$0x3FA3] =	sst s10  }
0x38: {  	s10 =	sld [smem:$0x3FA4]  }
0x39: {  	_ = 	snop;
	(pc) =	sbr.ind lr, $3  }
0x3a: {  	_ = 	snop  }
0x3b: {  	_ = 	snop  }
0x3c: {  	p2 =	seq.s32 s10, $0x1;
	s10 =	sld [smem:$0x3FA3]  }
0x3d: {  	_ =	shalt  }
0x3e: {  	_ =	shalt  }
0x3f: {  	_ =	shalt  }
0x40: {  	_ =	shalt  }
0x41: {  	_ =	shalt  }
0x42: {  	_ =	shalt  }
0x43: {  	_ =	shalt  }
0x44: {  	_ =	shalt  }
0x45: {  	_ =	shalt  }
0x46: {  	_ =	shalt  }
0x47: {  	_ =	shalt  }
0x48: {  	_ =	shalt  }
0x49: {  	_ =	shalt  }
0x4a: {  	_ =	shalt  }
0x4b: {  	_ =	shalt  }
0x4c: {  	_ =	shalt  }
0x4d: {  	_ =	shalt  }
0x4e: {  	_ =	shalt  }
0x4f: {  	_ =	shalt  }
0x50: {  	_ =	shalt  }
0x51: {  	_ =	shalt  }
0x52: {  	_ =	shalt  }
0x53: {  	_ =	shalt  }
0x54: {  	_ =	shalt  }
0x55: {  	_ =	shalt  }
0x56: {  	_ =	shalt  }
0x57: {  	_ =	shalt  }
0x58: {  	_ =	shalt  }
0x59: {  	_ =	shalt  }
0x5a: {  	_ =	shalt  }
0x5b: {  	_ =	shalt  }
0x5c: {  	_ =	shalt  }
0x5d: {  	_ =	shalt  }
0x5e: {  	_ =	shalt  }
0x5f: {  	_ =	shalt  }
0x60: {  	_ =	shalt  }
0x61: {  	_ =	shalt  }
0x62: {  	_ =	shalt  }
0x63: {  	_ =	shalt  }
0x64: {  	_ =	shalt  }
0x65: {  	_ =	shalt  }
0x66: {  	_ =	shalt  }
0x67: {  	_ =	shalt  }
0x68: {  	_ =	shalt  }
0x69: {  	_ =	shalt  }
0x6a: {  	_ =	shalt  }
0x6b: {  	_ =	shalt  }
0x6c: {  	_ =	shalt  }
0x6d: {  	_ =	shalt  }
0x6e: {  	_ =	shalt  }
0x6f: {  	_ =	shalt  }
0x70: {  	_ =	shalt  }
0x71: {  	_ =	shalt  }
0x72: {  	_ =	shalt  }
0x73: {  	_ =	shalt  }
0x74: {  	_ =	shalt  }
0x75: {  	_ =	shalt  }
0x76: {  	_ =	shalt  }
0x77: {  	_ =	shalt  }
0x78: {  	_ =	shalt  }
0x79: {  	_ =	shalt  }
0x7a: {  	_ =	shalt  }
0x7b: {  	_ =	shalt  }
0x7c: {  	_ =	shalt  }
0x7d: {  	_ =	shalt  }
0x7e: {  	_ =	shalt  }
0x7f: {  	_ =	shalt  }
0x80: {  	_ =	shalt  }
0x81: {  	_ =	shalt  }
0x82: {  	_ =	shalt  }
0x83: {  	_ =	shalt  }
0x84: {  	_ =	shalt  }
0x85: {  	_ =	shalt  }
0x86: {  	_ =	shalt  }
0x87: {  	_ =	shalt  }
.Lfunc_end0:
.L_simem_size_0:
called_computation_lowered:
.L_overlay_start_0:
0x88: {  	s2 =	sld [smem:$0x3FD9]  }
0x89: {  	s3 =	sld [smem:$0x3FFE];
	_ =	sdelay $0x1  }
0x8a: {  	s1 =	srdreg.scid  }
0x8b: {  	s0 =	sand.u32 $0x1, s1  }
0x8c: {  	s14 =	sshll.u32 s0, $0xA;
	s2 =	sadd.s32 s3, s2  }
0x8d: {  	s2 =	sadd.s32 s2, s14  }
0x8e: {  	[smem:$0x3FAF] =	sst s2  }
0x8f: {  	_ = 	snop  }
0x90: {  	s2 =	sld [smem:$0x3FD0];
	_ =	sdelay $0x2  }
0x91: {  	s15 =	simm.s32 $0xA;
	s4 =	simm.s32 $0x10  }
0x92: {  	[smem:s4], [sflag:s15] =	dma.local [hbm:s2], $0x1  }
0x93: {  	_ =	swait.eq [sflag:s15], $0x1  }
0x94: {  	[sflag:s15] =	ssyncset.done $0x0  }
0x95: {  	s16 =	sld [smem:$0x13];
	[sflag:s15] =	ssyncadd.s32 $0xFFFFFFFF  }
0x96: {  	s17 =	sld [smem:$0x14];
	(tm) =	ssettm $0x1  }
0x97: {  	s18 =	sld [smem:$0x3FFB];
	_ =	sdelay $0x3  }
0x98: {  	_ =	strace s18  }
0x99: {  	s4 =	sld [smem:$0x3FFC];
	_ =	sdelay $0x3  }
0x9a: {  	_ =	strace s4  }
0x9b: {  	s4 =	sld [smem:$0x3FFD];
	_ =	sdelay $0x3  }
0x9c: {  	_ =	strace s4  }
0x9d: {  	_ =	strace $0x8FFFFFFF  }
0x9e: {  	s19 =	sld [smem:$0x3FDB];
	_ =	sdelay $0x1  }
0x9f: {  	s5 =	simm.s32 $_scs_section_size  }
0xa0: {  	s6 =	simm.s32 $_size__tile_overlayer_lowered;
	s7 =	simm.s32 $_tile_overlayer_lowered  }
0xa1: {  	s22 =	simm.s32 $0x1BFF;
	s21 =	sshll.u32 s7, $0x1;
	s4 =	sadd.s32 s5, s19  }
0xa2: {  	s8 =	simm.s32 $0x0;
	s20 =	sshll.u32 s6, $0x1;
	s6 =	sadd.s32 s21, s4  }
0xa3: {  	[timem:s8], [sflag:s22] =	dma.local [hbm:s6], s20  }
0xa4: {  	_ =	swait.ge [sflag:s22], s20  }
0xa5: {  	s5 =	ssub.s32 $0x0, s20;
	[sflag:s22] =	ssyncset.done $0x0  }
0xa6: {  	[sflag:s22] =	ssyncadd.s32 s5;
	_ =	sdelay $0x1  }
0xa7: {  	s23 =	simm.s32 $0x1B8B  }
0xa8: {  	_ =	swait.ge [sflag:s23], $0x1  }
0xa9: {  	[sflag:s23] =	ssyncset.done $0x0  }
0xaa: {  	s25 =	simm.s32 $0x1B8E;
	s24 =	sld [smem:$0x3FFE];
	[sflag:s23] =	ssyncadd.s32 $0xFFFFFFFF  }
0xab: {  	s26 =	simm.s32 $execute0_lowered;
	[smem:$0x3FD2] =	sst s25  }
0xac: {  	s6 =	sshll.u32 s26, $0x1;
	_ =	strace $0x80000046;
	[dreg:$0x1] =	wrdreg $0xFFFFFFFF  }
0xad: {  	s28 =	simm.s32 $_size_execute0_lowered;
	s4 =	sadd.s32 s4, s6;
	[dreg:$0x0] =	wrdreg $0x0  }
0xae: {  	s6 =	sshll.u32 s28, $0x1;
	[dreg:$0x2] =	wrdreg s4  }
0xaf: {  	[dreg:$0x3] =	wrdreg s6  }
0xb0: {  	[dreg:$0x4] =	wrdreg $0xC0  }
0xb1: {  	_ =	task [dreg:s8], $0x5FFFF  }
0xb2: {  	[dreg:$0x1] =	wrdreg $0xFFFFFFFF  }
0xb3: {  	[dreg:$0x0] =	wrdreg $0x60  }
0xb4: {  	[dreg:$0x2] =	wrdreg s16  }
0xb5: {  	[dreg:$0x3] =	wrdreg s24  }
0xb6: {  	[dreg:$0x4] =	wrdreg s17  }
0xb7: {  	[dreg:$0x5] =	wrdreg $0x87100  }
0xb8: {  	[dreg:$0x6] =	wrdreg $0xD5300  }
0xb9: {  	[dreg:$0x7] =	wrdreg $0x9  }
0xba: {  	_ =	task.clear_ibuf [dreg:s8], $0x8FFFF;
	_ =	strace $0x90000046  }
0xbb: {  	s29 =	simm.s32 $0x9;
	_ =	strace $0x80000048  }
0xbc: {  	_ =	swait.ge [sflag:s29], $0x1  }
0xbd: {  	[sflag:s29] =	ssyncadd.s32 $0xFFFFFFFF  }
0xbe: {  	_ =	strace $0x90000048  }
0xbf: {  	_ =	sfence  }
0xc0: {  	s30 =	sld [smem:$0x0];
	_ =	sdelay $0x2  }
0xc1: {  	s31 =	sshll.u32 s1, $0xD;
	s1 =	sshrl.u32 s1, $0x2  }
0xc2: {  	s3 =	sand.u32 $0x4000, s31;
	s1 =	sadd.s32 s1, s30  }
0xc3: {  	s0 =	sor.u32 s3, s0;
	s1 =	sshll.u32 s1, $0x11  }
0xc4: {  	s0 =	sor.u32 s1, s0  }
0xc5: {  	s0 =	sadd.s32 $0x8F2B, s0  }
0xc6: {  	[sflag:s0] =	ssyncadd.remote.s32 $0x1  }
0xc7: {  	_ =	sfence.sel $0xFFFF  }
0xc8: {  	[dreg:$0x0] =	wrdreg $0xFFFFFFFF;
	(pc) =	sbr.abs _section_cstart, $3  }
0xc9: {  	[dreg:$0x1] =	wrdreg $0xFFFFFFFF  }
0xca: {  	_ =	task.clear_ibuf [dreg:s8], $0x2FFFF;
	_ =	strace $0x9FFFFFFF  }
0xcb: {  	(tm) =	ssettm $0x7FFFFFFF  }
tec
execute0_lowered:
.L_overlay_start_1:
0x0: {  	(tag) =	ssettag $0x1  }
0x1: {  	s0 =	rddreg [dreg:$0x0]  }
0x2: {  	s1 =	rddreg [dreg:$0x1]  }
0x3: {  	s5 =	rddreg [dreg:$0x2]  }
0x4: {  	s2 =	rddreg [dreg:$0x3]  }
0x5: {  	s3 =	rddreg [dreg:$0x4];
	s4 =	simm.s32 $0x0;
	s13 =	stileid.u32  }
0x6: {  	s6 =	srdreg.scid;
	s28 =	simm.s32 $0x5;
	s29 =	simm.s32 $0x11  }
0x7: {  	s30 =	simm.s32 $0x9;
	s31 =	simm.s32 $0x6;
	s7 =	smul.u32 $0x4E00, s13  }
0x8: {  	s6 =	sand.u32 $0x1, s6;
	s8 =	sshll.u32 s13, $0x1;
	[smem:$0x7FF] =	sst s4  }
0x9: {  	s14 =	sadd.s32 $0x4A00, s1;
	s15 =	sadd.s32 $0x18600, s1;
	s16 =	sadd.s32 $0x22400, s1  }
0xa: {  	s23 =	smul.u32 $0x4E20, s13;
	p1 =	sne.s32 s13, $0xF;
	p2 =	seq.s32 s13, $0xF  }
0xb: {  	s13 =	simm.s32 $0x125E0;
	_ =	strace $0x80000047;
	[dreg:$0x7] =	wrdreg s15  }
0xc: {  	s8 =	sor.u32 s6, s8;
	s11 =	ssub.s32 $0x2, s6;
	[dreg:$0x8] =	wrdreg s16  }
0xd: {  	s25 =	smul.u32 $0x2710, s6;
	p0 =	seq.s32 s6, $0x1;
	[dreg:$0x6] =	wrdreg s14  }
0xe: {  	s9 =	sshrl.u32 s7, $0x3;
	s8 =	smul.u32 $0x2710, s8;
	s12 =	sshrl.u32 s11, $0x1  }
0xf: {  	s21 =	sadd.s32 s7, s2;
	s7 =	sadd.s32 s7, s3;
	s10 =	sadd.s32 s9, s1  }
0x10: {  	s11 =	ssub.s32 s11, s12;
	[dreg:$0xa] =	wrdreg s21;
	s24 =	sadd.s32 s0, s9  }
0x11: {  	s1 =	sadd.s32 $0x18400, s1;
	s0 =	sadd.s32 $0x9C00, s0;
	[dreg:$0xc] =	wrdreg s24  }
0x12: {  	s26 =	sadd.s32 s25, s23;
	s6 =	sadd.s32 s15, s9;
	[dreg:$0xd] =	wrdreg s1  }
0x13: {  	s9 =	sadd.s32 s16, s9;
	s21 =	sshrl.u32 s7, $0x3;
	[dreg:$0xe] =	wrdreg s0  }
0x14: {  	s8 =	sshrl.u32 s8, $0x3;
	s22 =	sadd.s32 $0xE800, s10;
	[dreg:$0x10] =	wrdreg s6  }
0x15: {  	s1 =	sadd.s32 $0x4E000, s3;
	[dreg:$0x11] =	wrdreg s9;
	s10 =	sadd.s32 $0x380, s26  }
0x16: {  	s12 =	smax.u32 s11, $0x1;
	s15 =	sadd.s32 $0x400, s26;
	s16 =	sadd.s32 $0x300, s26  }
0x17: {  	s18 =	sadd.s32 $0x480, s26;
	s19 =	sadd.s32 $0x280, s26;
	[dreg:$0x19] =	wrdreg s21  }
0x18: {  	s0 =	sadd.s32 $0x200, s26;
	s21 =	simm.s32 $0x7710;
	[dreg:$0xb] =	wrdreg s22  }
0x19: {  	s5 =	sadd.s32 s5, s8;
	s8 =	sadd.s32 s14, s8;
	[dreg:$0x12] =	wrdreg s12  }
0x1a: {  	[dreg:$0x13] =	wrdreg s16;
	s17 =	sshrl.u32 s15, $0x3;
	s6 =	sshrl.u32 s19, $0x3  }
0x1b: {  	s0 =	sshrl.u32 s0, $0x3;
	s22 =	sadd.s32 $0x4E000, s2;
	[dreg:$0x9] =	wrdreg s5  }
0x1c: {  	s16 =	simm.s32 $0x80;
	s19 =	simm.s32 $0x12560;
	[dreg:$0x1b] =	wrdreg s22  }
0x1d: {  	s12 =	simm.s32 $0x7710;
	s20 =	sadd.s32 s6, s14;
	[dreg:$0xf] =	wrdreg s8  }
0x1e: {  	s5 =	sshrl.u32 s10, $0x3;
	s0 =	sadd.s32 s0, s14;
	[dreg:$0x17] =	wrdreg s20  }
0x1f: {  	s23 =	sadd.s32 $0x10, s8;
	s24 =	sadd.s32 $0x20, s8;
	[dreg:$0x18] =	wrdreg s0  }
0x20: {  	s25 =	sadd.s32 $0x30, s8;
	s26 =	sadd.s32 $0x4E0, s8;
	[dreg:$0x1c] =	wrdreg s23  }
0x21: {  	s6 =	simm.s32 $0x0;
	s22 =	simm.s32 $0x12460;
	[dreg:$0x1d] =	wrdreg s24  }
0x22: {  	s5 =	sadd.s32 s5, s14;
	s0 =	sshrl.u32 @!p1 s1, $0x3;
	[dreg:$0x1e] =	wrdreg s25  }
0x23: {  	[dreg:$0x1f] =	wrdreg s26;
	s23 =	simm.s32 $0xF;
	s25 =	simm.s32 $0x7  }
.Ltmp0:
0x24: {  	s26 =	simm.s32 $0xA;
	[dreg:$0x14] =	wrdreg s5;
	(pc) =	sbr.rel .LBB2_1-.Ltmp0, $4  }
0x25: {  	s20 =	simm.s32 $0x6710;
	s5 =	sadd.s32 s17, s14;
	[dreg:$0x1a] =	wrdreg s0  }
0x26: {  	s24 =	simm.s32 $0x125E0;
	[dreg:$0x15] =	wrdreg s5;
	s5 =	sshrl.u32 s18, $0x3  }
0x27: {  	s17 =	simm.s32 $0x12460;
	s18 =	simm.s32 $0x4710;
	s5 =	sadd.s32 s5, s14  }
0x28: {  	s14 =	simm.s32 $0x12;
	[dreg:$0x16] =	wrdreg s5;
	s5 =	simm.s32 $0x13  }
.LBB2_7:
0x29: {  	s1 =	rddreg [dreg:$0x1b]  }
0x2a: {  	s0 =	sadd.s32 $0x9C00, s0;
	s1 =	sshrl.u32 s1, $0x3  }
0x2b: {  	[hbm:s0], [sflag:s7] =	dma.local [spmem:s1], $0x40  }
0x2c: {  	_ =	swait.ge [sflag:s5], $0x40  }
0x2d: {  	[sflag:s5] =	ssyncset.done $0x0  }
0x2e: {  	[sflag:s5] =	ssyncadd.s32 $0xFFFFFFC0  }
.LBB2_8:
0x2f: {  	s6 =	sadd.s32 $0x1, s6;
	s0 =	rddreg [dreg:$0x12]  }
0x30: {  	p3 =	sne.s32 s6, s0  }
.Ltmp1:
0x31: {  	_ = 	snop;
	(pc) =	sbr.rel @!p3 .LBB2_9-.Ltmp1, $1  }
0x32: {  	_ =	sdelay $0x3  }
.LBB2_1:
0x33: {  	[smem:$0x7FB] =	sst s6  }
0x34: {  	s0 =	rddreg [dreg:$0x9]  }
0x35: {  	[tilespmem:s4], [sflag:$0x13] =	stream.linear.gather [hbm4b:s0+s4], $0x2710, $0x38;
	[tilespmem:$0x12660] =	vst v63  }
0x36: {  	s15 =	stileid.u32;
	_ =	swait.ge [sflag:s5], $0x2710  }
0x37: {  	s0 =	sshll.u32 s15, $0x6;
	s1 =	rddreg [dreg:$0xa]  }
0x38: {  	[sflag:s5] =	ssyncset.done $0x0;
	s7 =	rddreg [dreg:$0xb];
	s1 =	sshrl.u32 s1, $0x3  }
0x39: {  	s6 =	sor.u32 $0x1C13, s0;
	[sflag:s5] =	ssyncadd.s32 $0xFFFFD8F0;
	[smem:$0x7FC] =	sst s1  }
0x3a: {  	[spmem:s1], [sflag:s6] =	dma.local [hbm:s7], $0x9C0  }
0x3b: {  	_ =	swait.ge [sflag:s5], $0x9C0  }
0x3c: {  	[sflag:s5] =	ssyncset.done $0x0;
	s8 =	rddreg [dreg:$0xc]  }
0x3d: {  	s9 =	rddreg [dreg:$0x19];
	[sflag:s5] =	ssyncadd.s32 $0xFFFFF640  }
0x3e: {  	[spmem:s9], [sflag:s6] =	dma.local [hbm:s8], $0x9C0  }
0x3f: {  	_ =	swait.ge [sflag:s5], $0x9C0  }
0x40: {  	[sflag:s5] =	ssyncset.done $0x0;
	s0 =	rddreg [dreg:$0x1b]  }
0x41: {  	s1 =	rddreg [dreg:$0xd];
	[sflag:s5] =	ssyncadd.s32 $0xFFFFF640;
	s0 =	sshrl.u32 @!p1 s0, $0x3  }
0x42: {  	[spmem:s0], [sflag:s6] =	dma.local @!p1 [hbm:s1], $0x40  }
0x43: {  	s0 =	simm.s32 @!p1 $0x13  }
0x44: {  	_ =	swait.ge @!p1 [sflag:s0], $0x40  }
0x45: {  	s1 =	rddreg [dreg:$0xe]  }
0x46: {  	[sflag:s0] =	ssyncset.done @!p1 $0x0;
	s5 =	rddreg [dreg:$0x1a]  }
0x47: {  	[smem:$0x7FD] =	sst s6;
	[sflag:s0] =	ssyncadd.s32 @!p1 $0xFFFFFFC0  }
0x48: {  	[spmem:s5], [sflag:s6] =	dma.local @!p1 [hbm:s1], $0x40  }
0x49: {  	_ =	swait.ge @!p1 [sflag:s0], $0x40  }
0x4a: {  	[sflag:s0] =	ssyncset.done @!p1 $0x0  }
0x4b: {  	[sflag:s0] =	ssyncadd.s32 @!p1 $0xFFFFFFC0  }
0x4c: {  	[bflag:$0x0] =	sbarrier.arrive $0xFFFF  }
0x4d: {  	s11 =	simm.s32 $0x12360;
	s10 =	rddreg [dreg:$0xf]  }
0x4e: {  	[tilespmem:s11], [sflag:$0xD] =	stream.linear.gather [hbm4b:s10+s4], $0x80, $0x38;
	[tilespmem:$0x12660] =	vst v63  }
0x4f: {  	s15 =	simm.s32 $0x2710;
	s1 =	rddreg [dreg:$0x1c]  }
0x50: {  	[tilespmem:s15], [sflag:$0x1] =	stream.indirect.gather [spmem:s3], $0x20, s4, s16, $0xb8;
	[tilespmem:$0x12660] =	vst v63  }
0x51: {  	s5 =	simm.s32 $0x123E0;
	s7 =	rddreg [dreg:$0x1d]  }
0x52: {  	[tilespmem:s5], [sflag:$0xE] =	stream.linear.gather [hbm4b:s1+s4], $0x80, $0x38;
	[tilespmem:$0x12660] =	vst v63  }
0x53: {  	s6 =	simm.s32 $0x3710;
	s9 =	rddreg [dreg:$0x1e]  }
0x54: {  	[tilespmem:s6], [sflag:$0x2] =	stream.indirect.gather [spmem:s3], $0x20, s16, s16, $0xb8;
	[tilespmem:$0x12660] =	vst v63  }
0x55: {  	s0 =	rddreg [dreg:$0x18]  }
0x56: {  	[tilespmem:s17], [sflag:$0xF] =	stream.linear.gather [hbm4b:s7+s4], $0x80, $0x38;
	[tilespmem:$0x12660] =	vst v63  }
0x57: {  	s8 =	simm.s32 $0x100;
	s1 =	rddreg [dreg:$0x13]  }
0x58: {  	[tilespmem:s18], [sflag:$0x3] =	stream.indirect.gather [spmem:s3], $0x20, s8, s16, $0xb8;
	[tilespmem:$0x12660] =	vst v63  }
0x59: {  	s10 =	simm.s32 $0x124E0;
	s7 =	rddreg [dreg:$0x14]  }
0x5a: {  	[tilespmem:s10], [sflag:$0x10] =	stream.linear.gather [hbm4b:s9+s4], $0x80, $0x38;
	[tilespmem:$0x12660] =	vst v63  }
0x5b: {  	s11 =	simm.s32 $0x180;
	s15 =	simm.s32 $0x5710;
	s10 =	rddreg [dreg:$0x17]  }
0x5c: {  	[tilespmem:s15], [sflag:$0x4] =	stream.indirect.gather [spmem:s3], $0x20, s11, s16, $0xb8;
	[tilespmem:$0x12660] =	vst v63  }
0x5d: {  	s15 =	rddreg [dreg:$0x16]  }
0x5e: {  	s6 =	simm.s32 $0x0;
	s11 =	rddreg [dreg:$0x15]  }
.LBB2_2:
0x5f: {  	s5 =	simm.s32 $0x1  }
0x60: {  	_ =	swait.ge [sflag:s5], $0x1000  }
0x61: {  	[sflag:s5] =	ssyncset.done $0x0  }
0x62: {  	s8 =	simm.s32 $0xD;
	[sflag:s5] =	ssyncadd.s32 $0xFFFFF000  }
0x63: {  	_ =	swait.ge [sflag:s8], $0x80  }
0x64: {  	s9 =	simm.s32 $0x12360;
	p3 =	seq.s32 s6, $0x0;
	[sflag:s8] =	ssyncset.done $0x0  }
0x65: {  	s5 =	simm.s32 @!p3 $0xB;
	[sflag:s8] =	ssyncadd.s32 $0xFFFFFF80;
	s8 =	simm.s32 $0x2710  }
0x66: {  	[spmem:s2] =	stream.indirect.scatter.add.f32 [tilespmem:s8], [sflag:$0x7], $0x20, s9, s16, $0xb8;
	[tilespmem:$0x12660] =	vst v63  }
0x67: {  	_ =	swait.ge @!p3 [sflag:s5], $0x1000  }
0x68: {  	[sflag:s5] =	ssyncset.done @!p3 $0x0  }
0x69: {  	[sflag:s5] =	ssyncadd.s32 @!p3 $0xFFFFF000;
	s5 =	sshra.s32 s6, $0x2  }
0x6a: {  	[tilespmem:s19], [sflag:$0x11] =	stream.linear.gather [hbm4b:s0+s4], $0x80, $0x38;
	[tilespmem:$0x12660] =	vst v63  }
0x6b: {  	s9 =	sadd.s32 $0x200, s5  }
0x6c: {  	[tilespmem:s20], [sflag:$0x5] =	stream.indirect.gather [spmem:s3], $0x20, s9, s16, $0xb8;
	[tilespmem:$0x12660] =	vst v63  }
0x6d: {  	s9 =	simm.s32 $0x2  }
0x6e: {  	_ =	swait.ge [sflag:s9], $0x1000  }
0x6f: {  	[sflag:s9] =	ssyncset.done $0x0  }
0x70: {  	[sflag:s9] =	ssyncadd.s32 $0xFFFFF000;
	s9 =	simm.s32 $0xE  }
0x71: {  	_ =	swait.ge [sflag:s9], $0x80  }
0x72: {  	[sflag:s9] =	ssyncset.done $0x0  }
0x73: {  	s8 =	simm.s32 $0x123E0;
	[sflag:s9] =	ssyncadd.s32 $0xFFFFFF80;
	s9 =	simm.s32 $0x3710  }
0x74: {  	[spmem:s2] =	stream.indirect.scatter.add.f32 [tilespmem:s9], [sflag:$0x8], $0x20, s8, s16, $0xb8;
	[tilespmem:$0x12660] =	vst v63  }
0x75: {  	s8 =	simm.s32 @!p3 $0xC  }
0x76: {  	_ =	swait.ge @!p3 [sflag:s8], $0x1000  }
0x77: {  	[sflag:s8] =	ssyncset.done @!p3 $0x0  }
0x78: {  	[sflag:s8] =	ssyncadd.s32 @!p3 $0xFFFFF000  }
0x79: {  	[tilespmem:s13], [sflag:$0x12] =	stream.linear.gather [hbm4b:s10+s4], $0x80, $0x38;
	[tilespmem:$0x12660] =	vst v63  }
0x7a: {  	s13 =	sadd.s32 $0x280, s5  }
0x7b: {  	[tilespmem:s21], [sflag:$0x6] =	stream.indirect.gather [spmem:s3], $0x20, s13, s16, $0xb8;
	[tilespmem:$0x12660] =	vst v63  }
0x7c: {  	s21 =	simm.s32 $0x3  }
0x7d: {  	_ =	swait.ge [sflag:s21], $0x1000  }
0x7e: {  	[sflag:s21] =	ssyncset.done $0x0  }
0x7f: {  	[sflag:s21] =	ssyncadd.s32 $0xFFFFF000  }
0x80: {  	_ =	swait.ge [sflag:s23], $0x80  }
0x81: {  	[sflag:s23] =	ssyncset.done $0x0  }
0x82: {  	[sflag:s23] =	ssyncadd.s32 $0xFFFFFF80  }
0x83: {  	[spmem:s2] =	stream.indirect.scatter.add.f32 [tilespmem:s18], [sflag:$0x9], $0x20, s17, s16, $0xb8;
	[tilespmem:$0x12660] =	vst v63  }
0x84: {  	_ =	swait.ge [sflag:s25], $0x1000  }
0x85: {  	p3 =	seq.s32 s6, $0x9000;
	[sflag:s25] =	ssyncset.done $0x0  }
0x86: {  	s8 =	simm.s32 @p3 $0x4;
	[sflag:s25] =	ssyncadd.s32 $0xFFFFF000  }
0x87: {  	_ =	swait.ge @p3 [sflag:s8], $0x1000  }
0x88: {  	[sflag:s8] =	ssyncset.done @p3 $0x0  }
0x89: {  	[sflag:s8] =	ssyncadd.s32 @p3 $0xFFFFF000;
	s8 =	simm.s32 @p3 $0x10  }
0x8a: {  	_ =	swait.ge @p3 [sflag:s8], $0x80  }
0x8b: {  	s9 =	simm.s32 @p3 $0x124E0;
	[sflag:s8] =	ssyncset.done @p3 $0x0  }
0x8c: {  	s17 =	simm.s32 @p3 $0x5710;
	[sflag:s8] =	ssyncadd.s32 @p3 $0xFFFFFF80;
	s8 =	simm.s32 @p3 $0x80  }
0x8d: {  	[spmem:s2] =	stream.indirect.scatter.add.f32 @p3 [tilespmem:s17], [sflag:$0xA], $0x20, s9, s8, $0xb8;
	[tilespmem:$0x12660] =	vst v63  }
0x8e: {  	s8 =	simm.s32 @p3 $0x8  }
0x8f: {  	_ =	swait.ge @p3 [sflag:s8], $0x1000  }
0x90: {  	[sflag:s8] =	ssyncset.done @p3 $0x0  }
0x91: {  	s9 =	rddreg [dreg:$0x6];
	[sflag:s8] =	ssyncadd.s32 @p3 $0xFFFFF000;
	s8 =	sshrl.u32 @!p3 s1, $0x3  }
0x92: {  	s17 =	simm.s32 @!p3 $0x12360;
	s8 =	sadd.s32 @!p3 s9, s8;
	s9 =	simm.s32 @!p3 $0x0  }
0x93: {  	[tilespmem:s17], [sflag:$0xD] =	stream.linear.gather @!p3 [hbm4b:s8+s9], $0x80, $0x38;
	[tilespmem:$0x12660] =	vst v63  }
0x94: {  	s8 =	sshra.s32 @!p3 s6, $0x2  }
0x95: {  	s21 =	simm.s32 @!p3 $0x2710;
	s18 =	simm.s32 @!p3 $0x80;
	s17 =	sadd.s32 @!p3 $0x300, s8  }
0x96: {  	[tilespmem:s21], [sflag:$0x1] =	stream.indirect.gather @!p3 [spmem:s3], $0x20, s17, s18, $0xb8;
	[tilespmem:$0x12660] =	vst v63  }
0x97: {  	s17 =	simm.s32 @!p3 $0x4  }
0x98: {  	_ =	swait.ge @!p3 [sflag:s17], $0x1000  }
0x99: {  	[sflag:s17] =	ssyncset.done @!p3 $0x0  }
0x9a: {  	[sflag:s17] =	ssyncadd.s32 @!p3 $0xFFFFF000;
	s17 =	simm.s32 @!p3 $0x10  }
0x9b: {  	_ =	swait.ge @!p3 [sflag:s17], $0x80  }
0x9c: {  	[sflag:s17] =	ssyncset.done @!p3 $0x0  }
0x9d: {  	s21 =	simm.s32 @!p3 $0x5710;
	[sflag:s17] =	ssyncadd.s32 @!p3 $0xFFFFFF80;
	s17 =	simm.s32 @!p3 $0x124E0  }
0x9e: {  	[spmem:s2] =	stream.indirect.scatter.add.f32 @!p3 [tilespmem:s21], [sflag:$0xA], $0x20, s17, s18, $0xb8;
	[tilespmem:$0x12660] =	vst v63  }
0x9f: {  	s17 =	simm.s32 @!p3 $0x8  }
0xa0: {  	_ =	swait.ge @!p3 [sflag:s17], $0x1000  }
0xa1: {  	[sflag:s17] =	ssyncset.done @!p3 $0x0  }
0xa2: {  	[sflag:s17] =	ssyncadd.s32 @!p3 $0xFFFFF000;
	s17 =	simm.s32 @!p3 $0x123E0  }
0xa3: {  	[tilespmem:s17], [sflag:$0xE] =	stream.linear.gather @!p3 [hbm4b:s7+s9], $0x80, $0x38;
	[tilespmem:$0x12660] =	vst v63  }
0xa4: {  	s8 =	sadd.s32 @!p3 $0x380, s8;
	s9 =	simm.s32 @!p3 $0x3710  }
0xa5: {  	[tilespmem:s9], [sflag:$0x2] =	stream.indirect.gather @!p3 [spmem:s3], $0x20, s8, s18, $0xb8;
	[tilespmem:$0x12660] =	vst v63  }
0xa6: {  	_ =	swait.ge [sflag:s28], $0x1000  }
0xa7: {  	[sflag:s28] =	ssyncset.done $0x0  }
0xa8: {  	[sflag:s28] =	ssyncadd.s32 $0xFFFFF000  }
0xa9: {  	_ =	swait.ge [sflag:s29], $0x80  }
0xaa: {  	[sflag:s29] =	ssyncset.done $0x0  }
.Ltmp2:
0xab: {  	[sflag:s29] =	ssyncadd.s32 $0xFFFFFF80;
	(pc) =	sbr.rel @p3 .LBB2_4-.Ltmp2, $4  }
0xac: {  	[spmem:s2] =	stream.indirect.scatter.add.f32 [tilespmem:s20], [sflag:$0xB], $0x20, s19, s16, $0xb8;
	[tilespmem:$0x12660] =	vst v63  }
0xad: {  	_ =	swait.ge [sflag:s30], $0x1000  }
0xae: {  	[sflag:s30] =	ssyncset.done $0x0  }
0xaf: {  	s13 =	simm.s32 $0x4710;
	[sflag:s30] =	ssyncadd.s32 $0xFFFFF000  }
0xb0: {  	[tilespmem:s22], [sflag:$0xF] =	stream.linear.gather [hbm4b:s11+s4], $0x80, $0x38;
	[tilespmem:$0x12660] =	vst v63  }
0xb1: {  	s8 =	sadd.s32 $0x400, s5  }
0xb2: {  	[tilespmem:s13], [sflag:$0x3] =	stream.indirect.gather [spmem:s3], $0x20, s8, s16, $0xb8;
	[tilespmem:$0x12660] =	vst v63  }
0xb3: {  	_ =	swait.ge [sflag:s31], $0x1000  }
0xb4: {  	[sflag:s31] =	ssyncset.done $0x0  }
0xb5: {  	[sflag:s31] =	ssyncadd.s32 $0xFFFFF000  }
0xb6: {  	_ =	swait.ge [sflag:s14], $0x80  }
0xb7: {  	s17 =	simm.s32 $0x124E0;
	[sflag:s14] =	ssyncset.done $0x0  }
0xb8: {  	s18 =	sadd.s32 $0x480, s5;
	s21 =	simm.s32 $0x5710;
	[sflag:s14] =	ssyncadd.s32 $0xFFFFFF80  }
0xb9: {  	[spmem:s2] =	stream.indirect.scatter.add.f32 [tilespmem:s12], [sflag:$0xC], $0x20, s24, s16, $0xb8;
	[tilespmem:$0x12660] =	vst v63  }
0xba: {  	s6 =	sadd.s32 $0xC00, s6;
	s1 =	sadd.s32 $0x300, s1;
	_ =	swait.ge [sflag:s26], $0x1000  }
0xbb: {  	s7 =	sadd.s32 $0x60, s7;
	s11 =	sadd.s32 $0x60, s11;
	[sflag:s26] =	ssyncset.done $0x0  }
.Ltmp3:
0xbc: {  	s10 =	sadd.s32 $0x60, s10;
	[sflag:s26] =	ssyncadd.s32 $0xFFFFF000;
	(pc) =	sbr.rel .LBB2_2-.Ltmp3, $4  }
0xbd: {  	[tilespmem:s17], [sflag:$0x10] =	stream.linear.gather [hbm4b:s15+s4], $0x80, $0x38;
	[tilespmem:$0x12660] =	vst v63  }
0xbe: {  	s0 =	sadd.s32 $0x60, s0;
	s13 =	simm.s32 $0x125E0;
	s15 =	sadd.s32 $0x60, s15  }
0xbf: {  	[tilespmem:s21], [sflag:$0x4] =	stream.indirect.gather [spmem:s3], $0x20, s18, s16, $0xb8;
	[tilespmem:$0x12660] =	vst v63  }
0xc0: {  	s17 =	simm.s32 $0x12460;
	s18 =	simm.s32 $0x4710;
	s21 =	simm.s32 $0x7710  }
.LBB2_4:
0xc1: {  	_ =	swait.ge [sflag:s31], $0x1000  }
0xc2: {  	[sflag:s31] =	ssyncset.done $0x0  }
0xc3: {  	[sflag:s31] =	ssyncadd.s32 $0xFFFFF000  }
0xc4: {  	_ =	swait.ge [sflag:s14], $0x80  }
0xc5: {  	[sflag:s14] =	ssyncset.done $0x0  }
0xc6: {  	[sflag:s14] =	ssyncadd.s32 $0xFFFFFF80  }
0xc7: {  	[spmem:s2] =	stream.indirect.scatter.add.f32 [tilespmem:s12], [sflag:$0xC], $0x20, s24, s16, $0xb8;
	[tilespmem:$0x12660] =	vst v63  }
0xc8: {  	_ =	swait.ge [sflag:s26], $0x1000  }
0xc9: {  	[sflag:s26] =	ssyncset.done $0x0  }
0xca: {  	s0 =	simm.s32 $0xB;
	[sflag:s26] =	ssyncadd.s32 $0xFFFFF000  }
0xcb: {  	_ =	swait.ge [sflag:s0], $0x1000  }
0xcc: {  	[sflag:s0] =	ssyncset.done $0x0  }
0xcd: {  	s15 =	simm.s32 $0xC;
	[sflag:s0] =	ssyncadd.s32 $0xFFFFF000  }
0xce: {  	_ =	swait.ge [sflag:s15], $0x1000  }
0xcf: {  	s6 =	simm.s32 $0x12350;
	[sflag:s15] =	ssyncset.done $0x0  }
0xd0: {  	s5 =	simm.s32 $0x13;
	s17 =	rddreg [dreg:$0x1f];
	[sflag:s15] =	ssyncadd.s32 $0xFFFFF000  }
0xd1: {  	[tilespmem:s6], [sflag:$0x13] =	stream.linear.gather [hbm4b:s17+s4], $0x10, $0x38;
	[tilespmem:$0x12660] =	vst v63  }
0xd2: {  	_ =	swait.ge [sflag:s5], $0x10  }
0xd3: {  	s18 =	simm.s32 $0x2710;
	s7 =	simm.s32 $0x10;
	[sflag:s5] =	ssyncset.done $0x0  }
0xd4: {  	s1 =	simm.s32 $0x2700;
	s21 =	simm.s32 $0x1;
	[sflag:s5] =	ssyncadd.s32 $0xFFFFFFF0  }
0xd5: {  	[tilespmem:s18], [sflag:$0x1] =	stream.indirect.gather [spmem:s3], $0x20, s1, s7, $0xb8;
	[tilespmem:$0x12660] =	vst v63  }
0xd6: {  	_ =	swait.ge [sflag:s21], $0x200  }
0xd7: {  	[sflag:s21] =	ssyncset.done $0x0  }
0xd8: {  	[sflag:s21] =	ssyncadd.s32 $0xFFFFFE00  }
0xd9: {  	[spmem:s2] =	stream.indirect.scatter.add.f32 [tilespmem:s18], [sflag:$0x13], $0x20, s6, s7, $0xb8;
	[tilespmem:$0x12660] =	vst v63  }
.Ltmp4:
0xda: {  	_ =	swait.ge [sflag:s5], $0x200;
	(pc) =	sbr.rel @!p0 .LBB2_5-.Ltmp4, $4  }
0xdb: {  	[sflag:s5] =	ssyncset.done $0x0  }
0xdc: {  	[sflag:s5] =	ssyncadd.s32 $0xFFFFFE00  }
0xdd: {  	[bflag:$0x0] =	sbarrier.arrive $0xFFFF  }
0xde: {  	s13 =	simm.s32 $0x125E0;
	s21 =	simm.s32 $0x7710  }
0xdf: {  	s7 =	sld [smem:$0x7FD]  }
0xe0: {  	s1 =	sld [smem:$0x7FC];
	_ =	sdelay $0x1  }
0xe1: {  	s0 =	rddreg [dreg:$0x11]  }
0xe2: {  	[hbm:s0], [sflag:s7] =	dma.local [spmem:s1], $0x9C0  }
.Ltmp5:
0xe3: {  	_ = 	snop;
	(pc) =	sbr.rel @p1 .LBB2_8-.Ltmp5, $4  }
.Ltmp6:
0xe4: {  	_ = 	snop;
	(pc) =	sbr.rel @!p1 .LBB2_7-.Ltmp6, $4  }
0xe5: {  	_ =	swait.ge [sflag:s5], $0x9C0  }
0xe6: {  	s17 =	simm.s32 $0x12460;
	[sflag:s5] =	ssyncset.done $0x0;
	s6 =	sld [smem:$0x7FB]  }
0xe7: {  	s18 =	simm.s32 $0x4710;
	s0 =	rddreg [dreg:$0x8];
	[sflag:s5] =	ssyncadd.s32 $0xFFFFF640  }
0xe8: {  	_ = 	snop  }
.LBB2_5:
0xe9: {  	s7 =	sld [smem:$0x7FD]  }
0xea: {  	s1 =	sld [smem:$0x7FC];
	_ =	sdelay $0x1  }
0xeb: {  	s0 =	rddreg [dreg:$0x10]  }
0xec: {  	[hbm:s0], [sflag:s7] =	dma.local [spmem:s1], $0x9C0  }
.Ltmp7:
0xed: {  	_ = 	snop;
	(pc) =	sbr.rel @p2 .LBB2_7-.Ltmp7, $4  }
.Ltmp8:
0xee: {  	_ = 	snop;
	(pc) =	sbr.rel @!p2 .LBB2_8-.Ltmp8, $4  }
0xef: {  	_ =	swait.ge [sflag:s5], $0x9C0  }
0xf0: {  	s17 =	simm.s32 $0x12460;
	[sflag:s5] =	ssyncset.done $0x0;
	s6 =	sld [smem:$0x7FB]  }
0xf1: {  	s18 =	simm.s32 $0x4710;
	s0 =	rddreg [dreg:$0x7];
	[sflag:s5] =	ssyncadd.s32 $0xFFFFF640  }
0xf2: {  	_ = 	snop  }
.LBB2_9:
0xf3: {  	_ =	sfence.sel $0x180000  }
0xf4: {  	[bflag:$0x0] =	sbarrier.arrive $0xFFFF  }
0xf5: {  	_ =	strace $0x90000047  }
0xf6: {  	s0 =	stileid.u32;
	[bflag:$0x2] =	sbarrier.arrive $0xFFFF  }
0xf7: {  	p0 =	sne.s32 s0, $0x0;
	s0 =	rddreg [dreg:$0x5]  }
0xf8: {  	s0 =	sadd.s32 @!p0 $0x100000, s0  }
0xf9: {  	[sflag:s0] =	ssyncadd.tile.s32 @!p0 $0x1;
	_ =	shalt  }
.Lfunc_end2:
_tile_overlayer_lowered:
.L_overlay_start_2:
0xfa: {  	(tag) =	ssettag $0x2  }
0xfb: {  	s0 =	rddreg [dreg:$0x0];
	s2 =	stileid.u32  }
0xfc: {  	s1 =	rddreg [dreg:$0x1];
	p0 =	sne.s32 s2, $0x0  }
0xfd: {  	s3 =	rddreg [dreg:$0x2];
	[bflag:$0x3] =	sbarrier.arrive $0xFFFF;
	s2 =	simm.s32 @!p0 $0x1C13  }
0xfe: {  	[timem:s3], [sflag:s2] =	dma.local @!p0 [hbm:s0], s1  }
0xff: {  	s0 =	simm.s32 @!p0 $0x13  }
0x100: {  	_ =	swait.ge @!p0 [sflag:s0], s1  }
0x101: {  	s1 =	ssub.s32 @!p0 $0x0, s1;
	[sflag:s0] =	ssyncset.done @!p0 $0x0  }
0x102: {  	[sflag:s0] =	ssyncadd.s32 @!p0 s1  }
0x103: {  	[bflag:$0x3] =	sbarrier.arrive $0xFFFF  }
0x104: {  	_ =	shalt  }

</sc_bundles>
